<compile_context>
chip_gen: v7x
topology: tpu7x:2x2x1
jax: 0.10.2.dev20260603
libtpu: 0.0.44.dev20260713+nightly
codegen_flags: <defaults>
</compile_context>

<pallas_src>
import functools

import jax
import jax.numpy as jnp
from jax import lax
from jax.experimental import pallas as pl
from jax.experimental.pallas import tpu as pltpu
from jax.experimental.pallas import tpu_sc as plsc

NC = 2
NS = 16
NW = NC * NS
LANES = 16

CHUNK = 80
SUB = 40
IB = 25


def _sc_aggregate(src, dst, x, edge_weight, *, n, n_chunks):
    d = edge_weight.shape[1]
    rows_per_tile = -(-n // NS)
    rows_per_tile += (-rows_per_tile) % CHUNK
    n_pad = NS * rows_per_tile
    n_stage = rows_per_tile // CHUNK
    n_iblocks = n_chunks // IB
    pairs = (IB - 1) // 2

    mesh = plsc.VectorSubcoreMesh(
        core_axis_name="c", subcore_axis_name="s", num_cores=NC, num_subcores=NS
    )

    @functools.partial(
        pl.kernel,
        out_type=jax.ShapeDtypeStruct((NC, n_pad, d), jnp.float32),
        mesh=mesh,
        scratch_types=[
            pltpu.VMEM((IB, 2, SUB), jnp.int32),
            pltpu.VMEM((IB, CHUNK), jnp.int32),
            pltpu.VMEM((SUB, d), jnp.float32),
            pltpu.VMEM((SUB, d), jnp.float32),
            pltpu.VMEM((CHUNK, d), jnp.float32),
            pltpu.VMEM((CHUNK, d), jnp.float32),
            pltpu.VMEM_SHARED((n_pad, d), jnp.float32),
            pltpu.SemaphoreType.DMA,
            pltpu.SemaphoreType.DMA,
            pltpu.SemaphoreType.DMA,
            pltpu.SemaphoreType.DMA,
            pltpu.SemaphoreType.DMA,
            pltpu.SemaphoreType.DMA,
        ],
    )
    def agg_kernel(src_hbm, dst_hbm, x_hbm, ew_hbm, out_hbm,
                   src_v, dst_v, xb0, xb1, eb0, eb1, agg_sh,
                   sx0, sx1, se0, se1, ss0, ss1):
        c = lax.axis_index("c")
        s = lax.axis_index("s")
        wid = s * NC + c
        edge_base = wid * (n_chunks * CHUNK)
        xbufs, ebufs = [xb0, xb1], [eb0, eb1]
        sxs, ses, sss = [sx0, sx1], [se0, se1], [ss0, ss1]

        zero = jnp.zeros((LANES,), jnp.float32)

        def zero_row(r, _):
            for cc in range(d // LANES):
                eb0[r, pl.ds(cc * LANES, LANES)] = zero
            return 0

        lax.fori_loop(0, CHUNK, zero_row, 0)
        for k in range(n_stage):
            pltpu.sync_copy(
                eb0, agg_sh.at[pl.ds(s * rows_per_tile + k * CHUNK, CHUNK)]
            )
        plsc.subcore_barrier()

        def ew_desc(ob, j, p):
            off = edge_base + (ob * IB + j) * CHUNK
            return pltpu.make_async_copy(
                ew_hbm.at[pl.ds(off, CHUNK)], ebufs[p], ses[p]
            )

        def gather_desc(j, h):
            return pltpu.make_async_copy(
                x_hbm.at[src_v.at[j, h]], xbufs[h], sxs[h]
            )

        def issue_scatter(j, p):
            pltpu.async_copy(ebufs[p], agg_sh.at[dst_v.at[j]], sss[p], add=True)

        def wait_scatter(j, p):
            pltpu.make_async_copy(ebufs[p], agg_sh.at[dst_v.at[j]], sss[p]).wait()

        def compute(p, h):
            eb, xb = ebufs[p], xbufs[h]
            base = h * SUB

            @plsc.parallel_loop(0, SUB, unroll=2)
            def _(r):
                for cc in range(d // LANES):
                    sl = pl.ds(cc * LANES, LANES)
                    eb[base + r, sl] = eb[base + r, sl] * xb[r, sl]

        def block_body(ob, _):
            pltpu.sync_copy(src_hbm.at[wid, ob], src_v)
            pltpu.sync_copy(dst_hbm.at[wid, ob], dst_v)
            ew_desc(ob, 0, 0).start()
            gather_desc(0, 0).start()
            gather_desc(0, 1).start()

            def compute_steps(ob_, j, p):
                gather_desc(j, 0).wait()
                ew_desc(ob_, j, p).wait()
                compute(p, 0)
                gather_desc(j + 1, 0).start()
                gather_desc(j, 1).wait()
                compute(p, 1)
                gather_desc(j + 1, 1).start()
                issue_scatter(j, p)

            def pair_body(pr, _):
                for b in (0, 1):
                    j = pr * 2 + b
                    if b == 0:
                        @pl.when(pr > 0)
                        def _():
                            wait_scatter(j - 1, 1)
                        ew_desc(ob, j + 1, 1).start()
                        compute_steps(ob, j, 0)
                    else:
                        wait_scatter(j - 1, 0)
                        ew_desc(ob, j + 1, 0).start()
                        compute_steps(ob, j, 1)
                return 0

            lax.fori_loop(0, pairs, pair_body, 0)
            j = IB - 1
            gather_desc(j, 0).wait()
            ew_desc(ob, j, 0).wait()
            wait_scatter(j - 1, 1)
            compute(0, 0)
            gather_desc(j, 1).wait()
            compute(0, 1)
            issue_scatter(j, 0)
            wait_scatter(j, 0)
            return 0

        lax.fori_loop(0, n_iblocks, block_body, 0)
        plsc.subcore_barrier()

        for k in range(n_stage):
            rows = pl.ds(s * rows_per_tile + k * CHUNK, CHUNK)
            pltpu.sync_copy(agg_sh.at[rows], eb0)
            pltpu.sync_copy(eb0, out_hbm.at[c].at[rows])

    return agg_kernel(src, dst, x, edge_weight)


def _tc_linear(partials, x, w_l, w_r, b_l, *, block_rows=400):
    n, d = x.shape

    def body(p_ref, x_ref, wl_ref, wr_ref, b_ref, o_ref):
        a = p_ref[0] + p_ref[1]
        o_ref[...] = (
            jnp.dot(a, wl_ref[...], preferred_element_type=jnp.float32)
            + jnp.dot(x_ref[...], wr_ref[...], preferred_element_type=jnp.float32)
            + b_ref[...]
        )

    return pl.pallas_call(
        body,
        grid=(n // block_rows,),
        in_specs=[
            pl.BlockSpec((2, block_rows, d), lambda i: (0, i, 0)),
            pl.BlockSpec((block_rows, d), lambda i: (i, 0)),
            pl.BlockSpec((d, d), lambda i: (0, 0)),
            pl.BlockSpec((d, d), lambda i: (0, 0)),
            pl.BlockSpec((1, d), lambda i: (0, 0)),
        ],
        out_specs=pl.BlockSpec((block_rows, d), lambda i: (i, 0)),
        out_shape=jax.ShapeDtypeStruct((n, d), jnp.float32),
    )(partials, x, w_l, w_r, b_l)


def kernel(x, edge_index, edge_weight, W_l, b_l, W_r):
    n, d = x.shape
    e = edge_weight.shape[0]
    edges_per_tile = e // NW
    n_chunks = edges_per_tile // CHUNK

    src = edge_index[0].astype(jnp.int32).reshape(NW, n_chunks // IB, IB, 2, SUB)
    dst = edge_index[1].astype(jnp.int32).reshape(NW, n_chunks // IB, IB, CHUNK)

    partials = _sc_aggregate(src, dst, x, edge_weight, n=n, n_chunks=n_chunks)
    return _tc_linear(partials, x, W_l, W_r, b_l.reshape(1, d))

# --- scband reference (transcript-rebuilt; emitter-appended) ---
"""Pipeline reference for scband-gin-attribute-31636729103198 (READ-ONLY COPY).

The authoritative reference and input builder live on the scoring server;
editing this copy changes nothing except your own understanding.
"""

import jax, jax.numpy as jnp
import numpy as np

N = 10000
E = 320000
D = 128

def setup_inputs(seed: int = 0) -> dict:
    key = jax.random.key(seed)
    k1, k2, k3, k4, k5, k6 = jax.random.split(key, 6)
    x = jax.random.normal(k1, (N, D), dtype=jnp.float32)
    edge_index = jax.random.randint(k2, (2, E), 0, N).astype(jnp.int64)
    edge_weight = jax.random.normal(k3, (E, D), dtype=jnp.float32)
    s = 1.0 / np.sqrt(D)
    W_l = jax.random.uniform(k4, (D, D), dtype=jnp.float32, minval=-s, maxval=s)
    b_l = jax.random.uniform(k5, (D,), dtype=jnp.float32, minval=-s, maxval=s)
    W_r = jax.random.uniform(k6, (D, D), dtype=jnp.float32, minval=-s, maxval=s)
    return {"x": x, "edge_index": edge_index, "edge_weight": edge_weight,
            "W_l": W_l, "b_l": b_l, "W_r": W_r}

def reference(x, edge_index, edge_weight, W_l, b_l, W_r):
    # EdgeGraphConv.forward: propagate with message = edge_weight * x_j (Hadamard),
    # aggregate = sum over incoming edges at dst, then lin_l(agg) + lin_r(x).
    src = edge_index[0]
    dst = edge_index[1]
    x_j = jnp.take(x, src, axis=0)            # gather source node features
    msg = edge_weight * x_j                    # Hadamard with edge features
    agg = jax.ops.segment_sum(msg, dst, num_segments=x.shape[0])  # scatter-add
    out = agg @ W_l + b_l                      # lin_l (with bias)
    out = out + x @ W_r                        # lin_r (no bias) on root features
    return out

if __name__ == "__main__":
    import jax
    _d = setup_inputs()
    print(jax.jit(kernel)(*tuple(_d.values())))

</pallas_src>

<mosaic_0001>
#map = affine_map<(d0, d1) -> (0, 0, 0, 0, 0)>
#map1 = affine_map<(d0, d1) -> (0, 0, 0, 0)>
#map2 = affine_map<(d0, d1) -> (0, 0)>
#map3 = affine_map<(d0, d1) -> (0, 0, 0)>
module attributes {stable_mosaic.version = 14 : i64} {
  func.func @agg_kernel(%arg0: i32, %arg1: i32, %arg2: memref<32x5x25x2x40xi32, #tpu.memory_space<hbm>>, %arg3: memref<32x5x25x80xi32, #tpu.memory_space<hbm>>, %arg4: memref<10000x128xf32, #tpu.memory_space<hbm>>, %arg5: memref<320000x128xf32, #tpu.memory_space<hbm>>, %arg6: memref<2x10240x128xf32, #tpu.memory_space<hbm>>, %arg7: memref<25x2x40xi32, #tpu.memory_space<vmem>>, %arg8: memref<25x80xi32, #tpu.memory_space<vmem>>, %arg9: memref<40x128xf32, #tpu.memory_space<vmem>>, %arg10: memref<40x128xf32, #tpu.memory_space<vmem>>, %arg11: memref<80x128xf32, #tpu.memory_space<vmem>>, %arg12: memref<80x128xf32, #tpu.memory_space<vmem>>, %arg13: memref<10240x128xf32, #tpu.memory_space<vmem_shared>>, %arg14: memref<!tpu.dma_semaphore, #tpu.memory_space<semaphore_mem>>, %arg15: memref<!tpu.dma_semaphore, #tpu.memory_space<semaphore_mem>>, %arg16: memref<!tpu.dma_semaphore, #tpu.memory_space<semaphore_mem>>, %arg17: memref<!tpu.dma_semaphore, #tpu.memory_space<semaphore_mem>>, %arg18: memref<!tpu.dma_semaphore, #tpu.memory_space<semaphore_mem>>, %arg19: memref<!tpu.dma_semaphore, #tpu.memory_space<semaphore_mem>>) attributes {dimension_semantics = [#tpu.dimension_semantics<core_parallel>, #tpu.dimension_semantics<subcore_parallel>], iteration_bounds = array<i64: 2, 16>, scalar_prefetch = 0 : i64, scratch_operands = 13 : i64, tpu.core_type = #tpu.core_type<sc_vector_subcore>, window_params = [{transform_indices = #map}, {transform_indices = #map1}, {transform_indices = #map2}, {transform_indices = #map2}, {transform_indices = #map3}]} {
    %mul3A = arith.constant 2 : i32
    %mul3A_0 = arith.muli %arg1, %mul3A : i32
    %add3A = arith.addi %mul3A_0, %arg0 : i32
    %mul3A_1 = arith.constant 10000 : i32
    %mul3A_2 = arith.muli %add3A, %mul3A_1 : i32
    %broadcast_in_dim3A = arith.constant 0.000000e+00 : f32
    %broadcast_in_dim3A_3 = vector.broadcast %broadcast_in_dim3A : f32 to vector<16xf32>
    %scan3A = arith.constant 0 : i32
    %scan3A_4 = arith.constant 0 : i32
    %scan3A_5 = arith.constant 80 : i32
    %scan3A_6 = arith.addi %scan3A_4, %scan3A_5 : i32
    %scan3A_7 = arith.constant 1 : i32
    %scan3A_8 = scf.for %scan3A_82 = %scan3A_4 to %scan3A_6 step %scan3A_7 iter_args(%scan3A_83 = %scan3A) -> (i32)  : i32 {
      %swap3A = arith.index_cast %scan3A_82 : i32 to index
      %swap3A_84 = arith.constant 0 : index
      %swap3A_85 = tpu.vector_load %arg11[%swap3A, %swap3A_84] {strides = array<i32>} : memref<80x128xf32, #tpu.memory_space<vmem>>, vector<1x16xf32>,
      %swap3A_86 = vector.shape_cast %swap3A_85 : vector<1x16xf32> to vector<16xf32>
      %swap3A_87 = vector.shape_cast %broadcast_in_dim3A_3 : vector<16xf32> to vector<1x16xf32>
      tpu.vector_store %arg11[%swap3A, %swap3A_84], %swap3A_87 {strides = array<i32>} : memref<80x128xf32, #tpu.memory_space<vmem>>, vector<1x16xf32>,
      %swap3A_88 = arith.index_cast %scan3A_82 : i32 to index
      %swap3A_89 = arith.constant 16 : index
      %swap3A_90 = tpu.vector_load %arg11[%swap3A_88, %swap3A_89] {strides = array<i32>} : memref<80x128xf32, #tpu.memory_space<vmem>>, vector<1x16xf32>,
      %swap3A_91 = vector.shape_cast %swap3A_90 : vector<1x16xf32> to vector<16xf32>
      %swap3A_92 = vector.shape_cast %broadcast_in_dim3A_3 : vector<16xf32> to vector<1x16xf32>
      tpu.vector_store %arg11[%swap3A_88, %swap3A_89], %swap3A_92 {strides = array<i32>} : memref<80x128xf32, #tpu.memory_space<vmem>>, vector<1x16xf32>,
      %swap3A_93 = arith.index_cast %scan3A_82 : i32 to index
      %swap3A_94 = arith.constant 32 : index
      %swap3A_95 = tpu.vector_load %arg11[%swap3A_93, %swap3A_94] {strides = array<i32>} : memref<80x128xf32, #tpu.memory_space<vmem>>, vector<1x16xf32>,
      %swap3A_96 = vector.shape_cast %swap3A_95 : vector<1x16xf32> to vector<16xf32>
      %swap3A_97 = vector.shape_cast %broadcast_in_dim3A_3 : vector<16xf32> to vector<1x16xf32>
      tpu.vector_store %arg11[%swap3A_93, %swap3A_94], %swap3A_97 {strides = array<i32>} : memref<80x128xf32, #tpu.memory_space<vmem>>, vector<1x16xf32>,
      %swap3A_98 = arith.index_cast %scan3A_82 : i32 to index
      %swap3A_99 = arith.constant 48 : index
      %swap3A_100 = tpu.vector_load %arg11[%swap3A_98, %swap3A_99] {strides = array<i32>} : memref<80x128xf32, #tpu.memory_space<vmem>>, vector<1x16xf32>,
      %swap3A_101 = vector.shape_cast %swap3A_100 : vector<1x16xf32> to vector<16xf32>
      %swap3A_102 = vector.shape_cast %broadcast_in_dim3A_3 : vector<16xf32> to vector<1x16xf32>
      tpu.vector_store %arg11[%swap3A_98, %swap3A_99], %swap3A_102 {strides = array<i32>} : memref<80x128xf32, #tpu.memory_space<vmem>>, vector<1x16xf32>,
      %swap3A_103 = arith.index_cast %scan3A_82 : i32 to index
      %swap3A_104 = arith.constant 64 : index
      %swap3A_105 = tpu.vector_load %arg11[%swap3A_103, %swap3A_104] {strides = array<i32>} : memref<80x128xf32, #tpu.memory_space<vmem>>, vector<1x16xf32>,
      %swap3A_106 = vector.shape_cast %swap3A_105 : vector<1x16xf32> to vector<16xf32>
      %swap3A_107 = vector.shape_cast %broadcast_in_dim3A_3 : vector<16xf32> to vector<1x16xf32>
      tpu.vector_store %arg11[%swap3A_103, %swap3A_104], %swap3A_107 {strides = array<i32>} : memref<80x128xf32, #tpu.memory_space<vmem>>, vector<1x16xf32>,
      %swap3A_108 = arith.index_cast %scan3A_82 : i32 to index
      %swap3A_109 = arith.constant 80 : index
      %swap3A_110 = tpu.vector_load %arg11[%swap3A_108, %swap3A_109] {strides = array<i32>} : memref<80x128xf32, #tpu.memory_space<vmem>>, vector<1x16xf32>,
      %swap3A_111 = vector.shape_cast %swap3A_110 : vector<1x16xf32> to vector<16xf32>
      %swap3A_112 = vector.shape_cast %broadcast_in_dim3A_3 : vector<16xf32> to vector<1x16xf32>
      tpu.vector_store %arg11[%swap3A_108, %swap3A_109], %swap3A_112 {strides = array<i32>} : memref<80x128xf32, #tpu.memory_space<vmem>>, vector<1x16xf32>,
      %swap3A_113 = arith.index_cast %scan3A_82 : i32 to index
      %swap3A_114 = arith.constant 96 : index
      %swap3A_115 = tpu.vector_load %arg11[%swap3A_113, %swap3A_114] {strides = array<i32>} : memref<80x128xf32, #tpu.memory_space<vmem>>, vector<1x16xf32>,
      %swap3A_116 = vector.shape_cast %swap3A_115 : vector<1x16xf32> to vector<16xf32>
      %swap3A_117 = vector.shape_cast %broadcast_in_dim3A_3 : vector<16xf32> to vector<1x16xf32>
      tpu.vector_store %arg11[%swap3A_113, %swap3A_114], %swap3A_117 {strides = array<i32>} : memref<80x128xf32, #tpu.memory_space<vmem>>, vector<1x16xf32>,
      %swap3A_118 = arith.index_cast %scan3A_82 : i32 to index
      %swap3A_119 = arith.constant 112 : index
      %swap3A_120 = tpu.vector_load %arg11[%swap3A_118, %swap3A_119] {strides = array<i32>} : memref<80x128xf32, #tpu.memory_space<vmem>>, vector<1x16xf32>,
      %swap3A_121 = vector.shape_cast %swap3A_120 : vector<1x16xf32> to vector<16xf32>
      %swap3A_122 = vector.shape_cast %broadcast_in_dim3A_3 : vector<16xf32> to vector<1x16xf32>
      tpu.vector_store %arg11[%swap3A_118, %swap3A_119], %swap3A_122 {strides = array<i32>} : memref<80x128xf32, #tpu.memory_space<vmem>>, vector<1x16xf32>,
      %scan3A_123 = arith.constant 0 : i32
      scf.yield %scan3A_123 : i32
    }
    %scan3A_9 = arith.constant 80 : i32
    %mul3A_10 = arith.constant 640 : i32
    %mul3A_11 = arith.muli %arg1, %mul3A_10 : i32
    %add3A_12 = arith.constant 0 : i32
    %add3A_13 = arith.addi %mul3A_11, %add3A_12 : i32
    "tpu.region"() ({
      %run_scoped3A = tpu.sem_alloc : memref<!tpu.dma_semaphore, #tpu.memory_space<semaphore_mem>>
      %dma_start3A = arith.constant 0 : i32
      %dma_start3A_82 = tpu.memref_slice %arg13[%add3A_13, %dma_start3A] : memref<10240x128xf32, #tpu.memory_space<vmem_shared>> -> memref<80x128xf32, #tpu.memory_space<vmem_shared>>
      %dma_start3A_83 = arith.constant 0 : i32
      %dma_start3A_84 = tpu.memref_slice %arg13[%add3A_13, %dma_start3A_83] : memref<10240x128xf32, #tpu.memory_space<vmem_shared>> -> memref<80x128xf32, #tpu.memory_space<vmem_shared>>
      tpu.enqueue_dma source(%arg11 : memref<80x128xf32, #tpu.memory_space<vmem>>) target(%dma_start3A_84 : memref<80x128xf32, #tpu.memory_space<vmem_shared>>) target_semaphore(%run_scoped3A : memref<!tpu.dma_semaphore, #tpu.memory_space<semaphore_mem>>)
      %dma_wait3A = arith.constant 0 : i32
      %dma_wait3A_85 = tpu.memref_slice %arg13[%add3A_13, %dma_wait3A] : memref<10240x128xf32, #tpu.memory_space<vmem_shared>> -> memref<80x128xf32, #tpu.memory_space<vmem_shared>>
      %dma_wait3A_86 = arith.constant 0 : i32
      %dma_wait3A_87 = tpu.memref_slice %arg13[%add3A_13, %dma_wait3A_86] : memref<10240x128xf32, #tpu.memory_space<vmem_shared>> -> memref<80x128xf32, #tpu.memory_space<vmem_shared>>
      tpu.wait_dma2 semaphore(%run_scoped3A : memref<!tpu.dma_semaphore, #tpu.memory_space<semaphore_mem>>) src(%arg11 : memref<80x128xf32, #tpu.memory_space<vmem>>) dst(%dma_wait3A_87 : memref<80x128xf32, #tpu.memory_space<vmem_shared>>)
      tpu.yield
    }) : () -> ()
    %mul3A_14 = arith.constant 640 : i32
    %mul3A_15 = arith.muli %arg1, %mul3A_14 : i32
    %add3A_16 = arith.constant 80 : i32
    %add3A_17 = arith.addi %mul3A_15, %add3A_16 : i32
    "tpu.region"() ({
      %run_scoped3A = tpu.sem_alloc : memref<!tpu.dma_semaphore, #tpu.memory_space<semaphore_mem>>
      %dma_start3A = arith.constant 0 : i32
      %dma_start3A_82 = tpu.memref_slice %arg13[%add3A_17, %dma_start3A] : memref<10240x128xf32, #tpu.memory_space<vmem_shared>> -> memref<80x128xf32, #tpu.memory_space<vmem_shared>>
      %dma_start3A_83 = arith.constant 0 : i32
      %dma_start3A_84 = tpu.memref_slice %arg13[%add3A_17, %dma_start3A_83] : memref<10240x128xf32, #tpu.memory_space<vmem_shared>> -> memref<80x128xf32, #tpu.memory_space<vmem_shared>>
      tpu.enqueue_dma source(%arg11 : memref<80x128xf32, #tpu.memory_space<vmem>>) target(%dma_start3A_84 : memref<80x128xf32, #tpu.memory_space<vmem_shared>>) target_semaphore(%run_scoped3A : memref<!tpu.dma_semaphore, #tpu.memory_space<semaphore_mem>>)
      %dma_wait3A = arith.constant 0 : i32
      %dma_wait3A_85 = tpu.memref_slice %arg13[%add3A_17, %dma_wait3A] : memref<10240x128xf32, #tpu.memory_space<vmem_shared>> -> memref<80x128xf32, #tpu.memory_space<vmem_shared>>
      %dma_wait3A_86 = arith.constant 0 : i32
      %dma_wait3A_87 = tpu.memref_slice %arg13[%add3A_17, %dma_wait3A_86] : memref<10240x128xf32, #tpu.memory_space<vmem_shared>> -> memref<80x128xf32, #tpu.memory_space<vmem_shared>>
      tpu.wait_dma2 semaphore(%run_scoped3A : memref<!tpu.dma_semaphore, #tpu.memory_space<semaphore_mem>>) src(%arg11 : memref<80x128xf32, #tpu.memory_space<vmem>>) dst(%dma_wait3A_87 : memref<80x128xf32, #tpu.memory_space<vmem_shared>>)
      tpu.yield
    }) : () -> ()
    %mul3A_18 = arith.constant 640 : i32
    %mul3A_19 = arith.muli %arg1, %mul3A_18 : i32
    %add3A_20 = arith.constant 160 : i32
    %add3A_21 = arith.addi %mul3A_19, %add3A_20 : i32
    "tpu.region"() ({
      %run_scoped3A = tpu.sem_alloc : memref<!tpu.dma_semaphore, #tpu.memory_space<semaphore_mem>>
      %dma_start3A = arith.constant 0 : i32
      %dma_start3A_82 = tpu.memref_slice %arg13[%add3A_21, %dma_start3A] : memref<10240x128xf32, #tpu.memory_space<vmem_shared>> -> memref<80x128xf32, #tpu.memory_space<vmem_shared>>
      %dma_start3A_83 = arith.constant 0 : i32
      %dma_start3A_84 = tpu.memref_slice %arg13[%add3A_21, %dma_start3A_83] : memref<10240x128xf32, #tpu.memory_space<vmem_shared>> -> memref<80x128xf32, #tpu.memory_space<vmem_shared>>
      tpu.enqueue_dma source(%arg11 : memref<80x128xf32, #tpu.memory_space<vmem>>) target(%dma_start3A_84 : memref<80x128xf32, #tpu.memory_space<vmem_shared>>) target_semaphore(%run_scoped3A : memref<!tpu.dma_semaphore, #tpu.memory_space<semaphore_mem>>)
      %dma_wait3A = arith.constant 0 : i32
      %dma_wait3A_85 = tpu.memref_slice %arg13[%add3A_21, %dma_wait3A] : memref<10240x128xf32, #tpu.memory_space<vmem_shared>> -> memref<80x128xf32, #tpu.memory_space<vmem_shared>>
      %dma_wait3A_86 = arith.constant 0 : i32
      %dma_wait3A_87 = tpu.memref_slice %arg13[%add3A_21, %dma_wait3A_86] : memref<10240x128xf32, #tpu.memory_space<vmem_shared>> -> memref<80x128xf32, #tpu.memory_space<vmem_shared>>
      tpu.wait_dma2 semaphore(%run_scoped3A : memref<!tpu.dma_semaphore, #tpu.memory_space<semaphore_mem>>) src(%arg11 : memref<80x128xf32, #tpu.memory_space<vmem>>) dst(%dma_wait3A_87 : memref<80x128xf32, #tpu.memory_space<vmem_shared>>)
      tpu.yield
    }) : () -> ()
    %mul3A_22 = arith.constant 640 : i32
    %mul3A_23 = arith.muli %arg1, %mul3A_22 : i32
    %add3A_24 = arith.constant 240 : i32
    %add3A_25 = arith.addi %mul3A_23, %add3A_24 : i32
    "tpu.region"() ({
      %run_scoped3A = tpu.sem_alloc : memref<!tpu.dma_semaphore, #tpu.memory_space<semaphore_mem>>
      %dma_start3A = arith.constant 0 : i32
      %dma_start3A_82 = tpu.memref_slice %arg13[%add3A_25, %dma_start3A] : memref<10240x128xf32, #tpu.memory_space<vmem_shared>> -> memref<80x128xf32, #tpu.memory_space<vmem_shared>>
      %dma_start3A_83 = arith.constant 0 : i32
      %dma_start3A_84 = tpu.memref_slice %arg13[%add3A_25, %dma_start3A_83] : memref<10240x128xf32, #tpu.memory_space<vmem_shared>> -> memref<80x128xf32, #tpu.memory_space<vmem_shared>>
      tpu.enqueue_dma source(%arg11 : memref<80x128xf32, #tpu.memory_space<vmem>>) target(%dma_start3A_84 : memref<80x128xf32, #tpu.memory_space<vmem_shared>>) target_semaphore(%run_scoped3A : memref<!tpu.dma_semaphore, #tpu.memory_space<semaphore_mem>>)
      %dma_wait3A = arith.constant 0 : i32
      %dma_wait3A_85 = tpu.memref_slice %arg13[%add3A_25, %dma_wait3A] : memref<10240x128xf32, #tpu.memory_space<vmem_shared>> -> memref<80x128xf32, #tpu.memory_space<vmem_shared>>
      %dma_wait3A_86 = arith.constant 0 : i32
      %dma_wait3A_87 = tpu.memref_slice %arg13[%add3A_25, %dma_wait3A_86] : memref<10240x128xf32, #tpu.memory_space<vmem_shared>> -> memref<80x128xf32, #tpu.memory_space<vmem_shared>>
      tpu.wait_dma2 semaphore(%run_scoped3A : memref<!tpu.dma_semaphore, #tpu.memory_space<semaphore_mem>>) src(%arg11 : memref<80x128xf32, #tpu.memory_space<vmem>>) dst(%dma_wait3A_87 : memref<80x128xf32, #tpu.memory_space<vmem_shared>>)
      tpu.yield
    }) : () -> ()
    %mul3A_26 = arith.constant 640 : i32
    %mul3A_27 = arith.muli %arg1, %mul3A_26 : i32
    %add3A_28 = arith.constant 320 : i32
    %add3A_29 = arith.addi %mul3A_27, %add3A_28 : i32
    "tpu.region"() ({
      %run_scoped3A = tpu.sem_alloc : memref<!tpu.dma_semaphore, #tpu.memory_space<semaphore_mem>>
      %dma_start3A = arith.constant 0 : i32
      %dma_start3A_82 = tpu.memref_slice %arg13[%add3A_29, %dma_start3A] : memref<10240x128xf32, #tpu.memory_space<vmem_shared>> -> memref<80x128xf32, #tpu.memory_space<vmem_shared>>
      %dma_start3A_83 = arith.constant 0 : i32
      %dma_start3A_84 = tpu.memref_slice %arg13[%add3A_29, %dma_start3A_83] : memref<10240x128xf32, #tpu.memory_space<vmem_shared>> -> memref<80x128xf32, #tpu.memory_space<vmem_shared>>
      tpu.enqueue_dma source(%arg11 : memref<80x128xf32, #tpu.memory_space<vmem>>) target(%dma_start3A_84 : memref<80x128xf32, #tpu.memory_space<vmem_shared>>) target_semaphore(%run_scoped3A : memref<!tpu.dma_semaphore, #tpu.memory_space<semaphore_mem>>)
      %dma_wait3A = arith.constant 0 : i32
      %dma_wait3A_85 = tpu.memref_slice %arg13[%add3A_29, %dma_wait3A] : memref<10240x128xf32, #tpu.memory_space<vmem_shared>> -> memref<80x128xf32, #tpu.memory_space<vmem_shared>>
      %dma_wait3A_86 = arith.constant 0 : i32
      %dma_wait3A_87 = tpu.memref_slice %arg13[%add3A_29, %dma_wait3A_86] : memref<10240x128xf32, #tpu.memory_space<vmem_shared>> -> memref<80x128xf32, #tpu.memory_space<vmem_shared>>
      tpu.wait_dma2 semaphore(%run_scoped3A : memref<!tpu.dma_semaphore, #tpu.memory_space<semaphore_mem>>) src(%arg11 : memref<80x128xf32, #tpu.memory_space<vmem>>) dst(%dma_wait3A_87 : memref<80x128xf32, #tpu.memory_space<vmem_shared>>)
      tpu.yield
    }) : () -> ()
    %mul3A_30 = arith.constant 640 : i32
    %mul3A_31 = arith.muli %arg1, %mul3A_30 : i32
    %add3A_32 = arith.constant 400 : i32
    %add3A_33 = arith.addi %mul3A_31, %add3A_32 : i32
    "tpu.region"() ({
      %run_scoped3A = tpu.sem_alloc : memref<!tpu.dma_semaphore, #tpu.memory_space<semaphore_mem>>
      %dma_start3A = arith.constant 0 : i32
      %dma_start3A_82 = tpu.memref_slice %arg13[%add3A_33, %dma_start3A] : memref<10240x128xf32, #tpu.memory_space<vmem_shared>> -> memref<80x128xf32, #tpu.memory_space<vmem_shared>>
      %dma_start3A_83 = arith.constant 0 : i32
      %dma_start3A_84 = tpu.memref_slice %arg13[%add3A_33, %dma_start3A_83] : memref<10240x128xf32, #tpu.memory_space<vmem_shared>> -> memref<80x128xf32, #tpu.memory_space<vmem_shared>>
      tpu.enqueue_dma source(%arg11 : memref<80x128xf32, #tpu.memory_space<vmem>>) target(%dma_start3A_84 : memref<80x128xf32, #tpu.memory_space<vmem_shared>>) target_semaphore(%run_scoped3A : memref<!tpu.dma_semaphore, #tpu.memory_space<semaphore_mem>>)
      %dma_wait3A = arith.constant 0 : i32
      %dma_wait3A_85 = tpu.memref_slice %arg13[%add3A_33, %dma_wait3A] : memref<10240x128xf32, #tpu.memory_space<vmem_shared>> -> memref<80x128xf32, #tpu.memory_space<vmem_shared>>
      %dma_wait3A_86 = arith.constant 0 : i32
      %dma_wait3A_87 = tpu.memref_slice %arg13[%add3A_33, %dma_wait3A_86] : memref<10240x128xf32, #tpu.memory_space<vmem_shared>> -> memref<80x128xf32, #tpu.memory_space<vmem_shared>>
      tpu.wait_dma2 semaphore(%run_scoped3A : memref<!tpu.dma_semaphore, #tpu.memory_space<semaphore_mem>>) src(%arg11 : memref<80x128xf32, #tpu.memory_space<vmem>>) dst(%dma_wait3A_87 : memref<80x128xf32, #tpu.memory_space<vmem_shared>>)
      tpu.yield
    }) : () -> ()
    %mul3A_34 = arith.constant 640 : i32
    %mul3A_35 = arith.muli %arg1, %mul3A_34 : i32
    %add3A_36 = arith.constant 480 : i32
    %add3A_37 = arith.addi %mul3A_35, %add3A_36 : i32
    "tpu.region"() ({
      %run_scoped3A = tpu.sem_alloc : memref<!tpu.dma_semaphore, #tpu.memory_space<semaphore_mem>>
      %dma_start3A = arith.constant 0 : i32
      %dma_start3A_82 = tpu.memref_slice %arg13[%add3A_37, %dma_start3A] : memref<10240x128xf32, #tpu.memory_space<vmem_shared>> -> memref<80x128xf32, #tpu.memory_space<vmem_shared>>
      %dma_start3A_83 = arith.constant 0 : i32
      %dma_start3A_84 = tpu.memref_slice %arg13[%add3A_37, %dma_start3A_83] : memref<10240x128xf32, #tpu.memory_space<vmem_shared>> -> memref<80x128xf32, #tpu.memory_space<vmem_shared>>
      tpu.enqueue_dma source(%arg11 : memref<80x128xf32, #tpu.memory_space<vmem>>) target(%dma_start3A_84 : memref<80x128xf32, #tpu.memory_space<vmem_shared>>) target_semaphore(%run_scoped3A : memref<!tpu.dma_semaphore, #tpu.memory_space<semaphore_mem>>)
      %dma_wait3A = arith.constant 0 : i32
      %dma_wait3A_85 = tpu.memref_slice %arg13[%add3A_37, %dma_wait3A] : memref<10240x128xf32, #tpu.memory_space<vmem_shared>> -> memref<80x128xf32, #tpu.memory_space<vmem_shared>>
      %dma_wait3A_86 = arith.constant 0 : i32
      %dma_wait3A_87 = tpu.memref_slice %arg13[%add3A_37, %dma_wait3A_86] : memref<10240x128xf32, #tpu.memory_space<vmem_shared>> -> memref<80x128xf32, #tpu.memory_space<vmem_shared>>
      tpu.wait_dma2 semaphore(%run_scoped3A : memref<!tpu.dma_semaphore, #tpu.memory_space<semaphore_mem>>) src(%arg11 : memref<80x128xf32, #tpu.memory_space<vmem>>) dst(%dma_wait3A_87 : memref<80x128xf32, #tpu.memory_space<vmem_shared>>)
      tpu.yield
    }) : () -> ()
    %mul3A_38 = arith.constant 640 : i32
    %mul3A_39 = arith.muli %arg1, %mul3A_38 : i32
    %add3A_40 = arith.constant 560 : i32
    %add3A_41 = arith.addi %mul3A_39, %add3A_40 : i32
    "tpu.region"() ({
      %run_scoped3A = tpu.sem_alloc : memref<!tpu.dma_semaphore, #tpu.memory_space<semaphore_mem>>
      %dma_start3A = arith.constant 0 : i32
      %dma_start3A_82 = tpu.memref_slice %arg13[%add3A_41, %dma_start3A] : memref<10240x128xf32, #tpu.memory_space<vmem_shared>> -> memref<80x128xf32, #tpu.memory_space<vmem_shared>>
      %dma_start3A_83 = arith.constant 0 : i32
      %dma_start3A_84 = tpu.memref_slice %arg13[%add3A_41, %dma_start3A_83] : memref<10240x128xf32, #tpu.memory_space<vmem_shared>> -> memref<80x128xf32, #tpu.memory_space<vmem_shared>>
      tpu.enqueue_dma source(%arg11 : memref<80x128xf32, #tpu.memory_space<vmem>>) target(%dma_start3A_84 : memref<80x128xf32, #tpu.memory_space<vmem_shared>>) target_semaphore(%run_scoped3A : memref<!tpu.dma_semaphore, #tpu.memory_space<semaphore_mem>>)
      %dma_wait3A = arith.constant 0 : i32
      %dma_wait3A_85 = tpu.memref_slice %arg13[%add3A_41, %dma_wait3A] : memref<10240x128xf32, #tpu.memory_space<vmem_shared>> -> memref<80x128xf32, #tpu.memory_space<vmem_shared>>
      %dma_wait3A_86 = arith.constant 0 : i32
      %dma_wait3A_87 = tpu.memref_slice %arg13[%add3A_41, %dma_wait3A_86] : memref<10240x128xf32, #tpu.memory_space<vmem_shared>> -> memref<80x128xf32, #tpu.memory_space<vmem_shared>>
      tpu.wait_dma2 semaphore(%run_scoped3A : memref<!tpu.dma_semaphore, #tpu.memory_space<semaphore_mem>>) src(%arg11 : memref<80x128xf32, #tpu.memory_space<vmem>>) dst(%dma_wait3A_87 : memref<80x128xf32, #tpu.memory_space<vmem_shared>>)
      tpu.yield
    }) : () -> ()
    %barrier3A = arith.constant 0 : index
    tpu.barrier barrier_id(%barrier3A)
    %scan3A_42 = arith.constant 0 : i32
    %scan3A_43 = arith.constant 0 : i32
    %scan3A_44 = arith.constant 5 : i32
    %scan3A_45 = arith.addi %scan3A_43, %scan3A_44 : i32
    %scan3A_46 = arith.constant 1 : i32
    %scan3A_47 = scf.for %scan3A_82 = %scan3A_43 to %scan3A_45 step %scan3A_46 iter_args(%scan3A_83 = %scan3A_42) -> (i32)  : i32 {
      "tpu.region"() ({
        %run_scoped3A = tpu.sem_alloc : memref<!tpu.dma_semaphore, #tpu.memory_space<semaphore_mem>>
        %dma_start3A_170 = arith.constant 0 : i32
        %dma_start3A_171 = arith.constant 0 : i32
        %dma_start3A_172 = arith.constant 0 : i32
        %dma_start3A_173 = tpu.memref_slice %arg2[%add3A, %scan3A_82, %dma_start3A_170, %dma_start3A_171, %dma_start3A_172] : memref<32x5x25x2x40xi32, #tpu.memory_space<hbm>> -> memref<1x1x25x2x40xi32, #tpu.memory_space<hbm>>
        %dma_start3A_174 = tpu.memref_squeeze %dma_start3A_173 : memref<1x1x25x2x40xi32, #tpu.memory_space<hbm>> -> memref<25x2x40xi32, #tpu.memory_space<hbm>>
        %dma_start3A_175 = arith.constant 0 : i32
        %dma_start3A_176 = arith.constant 0 : i32
        %dma_start3A_177 = arith.constant 0 : i32
        %dma_start3A_178 = tpu.memref_slice %arg2[%add3A, %scan3A_82, %dma_start3A_175, %dma_start3A_176, %dma_start3A_177] : memref<32x5x25x2x40xi32, #tpu.memory_space<hbm>> -> memref<1x1x25x2x40xi32, #tpu.memory_space<hbm>>
        %dma_start3A_179 = tpu.memref_squeeze %dma_start3A_178 : memref<1x1x25x2x40xi32, #tpu.memory_space<hbm>> -> memref<25x2x40xi32, #tpu.memory_space<hbm>>
        tpu.enqueue_dma source(%dma_start3A_179 : memref<25x2x40xi32, #tpu.memory_space<hbm>>) target(%arg7 : memref<25x2x40xi32, #tpu.memory_space<vmem>>) target_semaphore(%run_scoped3A : memref<!tpu.dma_semaphore, #tpu.memory_space<semaphore_mem>>)
        %dma_wait3A_180 = arith.constant 0 : i32
        %dma_wait3A_181 = arith.constant 0 : i32
        %dma_wait3A_182 = arith.constant 0 : i32
        %dma_wait3A_183 = tpu.memref_slice %arg2[%add3A, %scan3A_82, %dma_wait3A_180, %dma_wait3A_181, %dma_wait3A_182] : memref<32x5x25x2x40xi32, #tpu.memory_space<hbm>> -> memref<1x1x25x2x40xi32, #tpu.memory_space<hbm>>
        %dma_wait3A_184 = tpu.memref_squeeze %dma_wait3A_183 : memref<1x1x25x2x40xi32, #tpu.memory_space<hbm>> -> memref<25x2x40xi32, #tpu.memory_space<hbm>>
        %dma_wait3A_185 = arith.constant 0 : i32
        %dma_wait3A_186 = arith.constant 0 : i32
        %dma_wait3A_187 = arith.constant 0 : i32
        %dma_wait3A_188 = tpu.memref_slice %arg2[%add3A, %scan3A_82, %dma_wait3A_185, %dma_wait3A_186, %dma_wait3A_187] : memref<32x5x25x2x40xi32, #tpu.memory_space<hbm>> -> memref<1x1x25x2x40xi32, #tpu.memory_space<hbm>>
        %dma_wait3A_189 = tpu.memref_squeeze %dma_wait3A_188 : memref<1x1x25x2x40xi32, #tpu.memory_space<hbm>> -> memref<25x2x40xi32, #tpu.memory_space<hbm>>
        tpu.wait_dma2 semaphore(%run_scoped3A : memref<!tpu.dma_semaphore, #tpu.memory_space<semaphore_mem>>) src(%dma_wait3A_189 : memref<25x2x40xi32, #tpu.memory_space<hbm>>) dst(%arg7 : memref<25x2x40xi32, #tpu.memory_space<vmem>>)
        tpu.yield
      }) : () -> ()
      "tpu.region"() ({
        %run_scoped3A = tpu.sem_alloc : memref<!tpu.dma_semaphore, #tpu.memory_space<semaphore_mem>>
        %dma_start3A_170 = arith.constant 0 : i32
        %dma_start3A_171 = arith.constant 0 : i32
        %dma_start3A_172 = tpu.memref_slice %arg3[%add3A, %scan3A_82, %dma_start3A_170, %dma_start3A_171] : memref<32x5x25x80xi32, #tpu.memory_space<hbm>> -> memref<1x1x25x80xi32, #tpu.memory_space<hbm>>
        %dma_start3A_173 = tpu.memref_squeeze %dma_start3A_172 : memref<1x1x25x80xi32, #tpu.memory_space<hbm>> -> memref<25x80xi32, #tpu.memory_space<hbm>>
        %dma_start3A_174 = arith.constant 0 : i32
        %dma_start3A_175 = arith.constant 0 : i32
        %dma_start3A_176 = tpu.memref_slice %arg3[%add3A, %scan3A_82, %dma_start3A_174, %dma_start3A_175] : memref<32x5x25x80xi32, #tpu.memory_space<hbm>> -> memref<1x1x25x80xi32, #tpu.memory_space<hbm>>
        %dma_start3A_177 = tpu.memref_squeeze %dma_start3A_176 : memref<1x1x25x80xi32, #tpu.memory_space<hbm>> -> memref<25x80xi32, #tpu.memory_space<hbm>>
        tpu.enqueue_dma source(%dma_start3A_177 : memref<25x80xi32, #tpu.memory_space<hbm>>) target(%arg8 : memref<25x80xi32, #tpu.memory_space<vmem>>) target_semaphore(%run_scoped3A : memref<!tpu.dma_semaphore, #tpu.memory_space<semaphore_mem>>)
        %dma_wait3A_178 = arith.constant 0 : i32
        %dma_wait3A_179 = arith.constant 0 : i32
        %dma_wait3A_180 = tpu.memref_slice %arg3[%add3A, %scan3A_82, %dma_wait3A_178, %dma_wait3A_179] : memref<32x5x25x80xi32, #tpu.memory_space<hbm>> -> memref<1x1x25x80xi32, #tpu.memory_space<hbm>>
        %dma_wait3A_181 = tpu.memref_squeeze %dma_wait3A_180 : memref<1x1x25x80xi32, #tpu.memory_space<hbm>> -> memref<25x80xi32, #tpu.memory_space<hbm>>
        %dma_wait3A_182 = arith.constant 0 : i32
        %dma_wait3A_183 = arith.constant 0 : i32
        %dma_wait3A_184 = tpu.memref_slice %arg3[%add3A, %scan3A_82, %dma_wait3A_182, %dma_wait3A_183] : memref<32x5x25x80xi32, #tpu.memory_space<hbm>> -> memref<1x1x25x80xi32, #tpu.memory_space<hbm>>
        %dma_wait3A_185 = tpu.memref_squeeze %dma_wait3A_184 : memref<1x1x25x80xi32, #tpu.memory_space<hbm>> -> memref<25x80xi32, #tpu.memory_space<hbm>>
        tpu.wait_dma2 semaphore(%run_scoped3A : memref<!tpu.dma_semaphore, #tpu.memory_space<semaphore_mem>>) src(%dma_wait3A_185 : memref<25x80xi32, #tpu.memory_space<hbm>>) dst(%arg8 : memref<25x80xi32, #tpu.memory_space<vmem>>)
        tpu.yield
      }) : () -> ()
      %mul3A_84 = arith.constant 25 : i32
      %mul3A_85 = arith.muli %scan3A_82, %mul3A_84 : i32
      %add3A_86 = arith.constant 0 : i32
      %add3A_87 = arith.addi %mul3A_85, %add3A_86 : i32
      %mul3A_88 = arith.constant 80 : i32
      %mul3A_89 = arith.muli %add3A_87, %mul3A_88 : i32
      %add3A_90 = arith.addi %mul3A_2, %mul3A_89 : i32
      %dma_start3A = arith.constant 0 : i32
      %dma_start3A_91 = tpu.memref_slice %arg5[%add3A_90, %dma_start3A] : memref<320000x128xf32, #tpu.memory_space<hbm>> -> memref<80x128xf32, #tpu.memory_space<hbm>>
      %dma_start3A_92 = arith.constant 0 : i32
      %dma_start3A_93 = tpu.memref_slice %arg5[%add3A_90, %dma_start3A_92] : memref<320000x128xf32, #tpu.memory_space<hbm>> -> memref<80x128xf32, #tpu.memory_space<hbm>>
      tpu.enqueue_dma source(%dma_start3A_93 : memref<80x128xf32, #tpu.memory_space<hbm>>) target(%arg11 : memref<80x128xf32, #tpu.memory_space<vmem>>) target_semaphore(%arg16 : memref<!tpu.dma_semaphore, #tpu.memory_space<semaphore_mem>>)
      %dma_start3A_94 = arith.constant 0 : i32
      %dma_start3A_95 = arith.constant 0 : i32
      %dma_start3A_96 = arith.constant 0 : i32
      %dma_start3A_97 = tpu.memref_slice %arg7[%dma_start3A_94, %dma_start3A_95, %dma_start3A_96] : memref<25x2x40xi32, #tpu.memory_space<vmem>> -> memref<1x1x40xi32, #tpu.memory_space<vmem>>
      %dma_start3A_98 = tpu.memref_squeeze %dma_start3A_97 : memref<1x1x40xi32, #tpu.memory_space<vmem>> -> memref<40xi32, #tpu.memory_space<vmem>>
      %dma_start3A_99 = arith.constant 0 : i32
      %dma_start3A_100 = arith.constant 0 : i32
      %dma_start3A_101 = tpu.memref_slice %arg4[%dma_start3A_99, %dma_start3A_100] : memref<10000x128xf32, #tpu.memory_space<hbm>> -> memref<10000x128xf32, #tpu.memory_space<hbm>>
      tpu.enqueue_indirect_dma source(%dma_start3A_101 : memref<10000x128xf32, #tpu.memory_space<hbm>>) target(%arg9 : memref<40x128xf32, #tpu.memory_space<vmem>>) offsets(%dma_start3A_98 : memref<40xi32, #tpu.memory_space<vmem>>) semaphore(%arg14 : memref<!tpu.dma_semaphore, #tpu.memory_space<semaphore_mem>>)
      %dma_start3A_102 = arith.constant 0 : i32
      %dma_start3A_103 = arith.constant 1 : i32
      %dma_start3A_104 = arith.constant 0 : i32
      %dma_start3A_105 = tpu.memref_slice %arg7[%dma_start3A_102, %dma_start3A_103, %dma_start3A_104] : memref<25x2x40xi32, #tpu.memory_space<vmem>> -> memref<1x1x40xi32, #tpu.memory_space<vmem>>
      %dma_start3A_106 = tpu.memref_squeeze %dma_start3A_105 : memref<1x1x40xi32, #tpu.memory_space<vmem>> -> memref<40xi32, #tpu.memory_space<vmem>>
      %dma_start3A_107 = arith.constant 0 : i32
      %dma_start3A_108 = arith.constant 0 : i32
      %dma_start3A_109 = tpu.memref_slice %arg4[%dma_start3A_107, %dma_start3A_108] : memref<10000x128xf32, #tpu.memory_space<hbm>> -> memref<10000x128xf32, #tpu.memory_space<hbm>>
      tpu.enqueue_indirect_dma source(%dma_start3A_109 : memref<10000x128xf32, #tpu.memory_space<hbm>>) target(%arg10 : memref<40x128xf32, #tpu.memory_space<vmem>>) offsets(%dma_start3A_106 : memref<40xi32, #tpu.memory_space<vmem>>) semaphore(%arg15 : memref<!tpu.dma_semaphore, #tpu.memory_space<semaphore_mem>>)
      %scan3A_110 = arith.constant 0 : i32
      %scan3A_111 = arith.constant 0 : i32
      %scan3A_112 = arith.constant 12 : i32
      %scan3A_113 = arith.addi %scan3A_111, %scan3A_112 : i32
      %scan3A_114 = arith.constant 1 : i32
      %scan3A_115 = scf.for %scan3A_170 = %scan3A_111 to %scan3A_113 step %scan3A_114 iter_args(%scan3A_171 = %scan3A_110) -> (i32)  : i32 {
        %mul3A_172 = arith.constant 2 : i32
        %mul3A_173 = arith.muli %scan3A_170, %mul3A_172 : i32
        %add3A_174 = arith.constant 0 : i32
        %add3A_175 = arith.addi %mul3A_173, %add3A_174 : i32
        %gt3A = arith.constant 0 : i32
        %gt3A_176 = arith.cmpi sgt, %scan3A_170, %gt3A : i32
        %convert_element_type3A = arith.extui %gt3A_176 : i1 to i32
        %cond3A = arith.constant 0 : i32
        %cond3A_177 = arith.cmpi ne, %convert_element_type3A, %cond3A : i32
        scf.if %cond3A_177 {
          %sub3A_322 = arith.constant 1 : i32
          %sub3A_323 = arith.subi %add3A_175, %sub3A_322 : i32
          %dma_wait3A_324 = arith.constant 0 : i32
          %dma_wait3A_325 = tpu.memref_slice %arg8[%sub3A_323, %dma_wait3A_324] : memref<25x80xi32, #tpu.memory_space<vmem>> -> memref<1x80xi32, #tpu.memory_space<vmem>>
          %dma_wait3A_326 = tpu.memref_squeeze %dma_wait3A_325 : memref<1x80xi32, #tpu.memory_space<vmem>> -> memref<80xi32, #tpu.memory_space<vmem>>
          %dma_wait3A_327 = arith.constant 0 : i32
          %dma_wait3A_328 = arith.constant 0 : i32
          %dma_wait3A_329 = tpu.memref_slice %arg13[%dma_wait3A_327, %dma_wait3A_328] : memref<10240x128xf32, #tpu.memory_space<vmem_shared>> -> memref<10240x128xf32, #tpu.memory_space<vmem_shared>>
          tpu.wait_indirect_dma semaphore(%arg19 : memref<!tpu.dma_semaphore, #tpu.memory_space<semaphore_mem>>) src(%arg12 : memref<80x128xf32, #tpu.memory_space<vmem>>) dst(%dma_wait3A_329 : memref<10240x128xf32, #tpu.memory_space<vmem_shared>>)
        } else {
        }
        %add3A_178 = arith.constant 1 : i32
        %add3A_179 = arith.addi %add3A_175, %add3A_178 : i32
        %mul3A_180 = arith.constant 25 : i32
        %mul3A_181 = arith.muli %scan3A_82, %mul3A_180 : i32
        %add3A_182 = arith.addi %mul3A_181, %add3A_179 : i32
        %mul3A_183 = arith.constant 80 : i32
        %mul3A_184 = arith.muli %add3A_182, %mul3A_183 : i32
        %add3A_185 = arith.addi %mul3A_2, %mul3A_184 : i32
        %dma_start3A_186 = arith.constant 0 : i32
        %dma_start3A_187 = tpu.memref_slice %arg5[%add3A_185, %dma_start3A_186] : memref<320000x128xf32, #tpu.memory_space<hbm>> -> memref<80x128xf32, #tpu.memory_space<hbm>>
        %dma_start3A_188 = arith.constant 0 : i32
        %dma_start3A_189 = tpu.memref_slice %arg5[%add3A_185, %dma_start3A_188] : memref<320000x128xf32, #tpu.memory_space<hbm>> -> memref<80x128xf32, #tpu.memory_space<hbm>>
        tpu.enqueue_dma source(%dma_start3A_189 : memref<80x128xf32, #tpu.memory_space<hbm>>) target(%arg12 : memref<80x128xf32, #tpu.memory_space<vmem>>) target_semaphore(%arg17 : memref<!tpu.dma_semaphore, #tpu.memory_space<semaphore_mem>>)
        %dma_wait3A_190 = arith.constant 0 : i32
        %dma_wait3A_191 = arith.constant 0 : i32
        %dma_wait3A_192 = tpu.memref_slice %arg7[%add3A_175, %dma_wait3A_190, %dma_wait3A_191] : memref<25x2x40xi32, #tpu.memory_space<vmem>> -> memref<1x1x40xi32, #tpu.memory_space<vmem>>
        %dma_wait3A_193 = tpu.memref_squeeze %dma_wait3A_192 : memref<1x1x40xi32, #tpu.memory_space<vmem>> -> memref<40xi32, #tpu.memory_space<vmem>>
        %dma_wait3A_194 = arith.constant 0 : i32
        %dma_wait3A_195 = arith.constant 0 : i32
        %dma_wait3A_196 = tpu.memref_slice %arg4[%dma_wait3A_194, %dma_wait3A_195] : memref<10000x128xf32, #tpu.memory_space<hbm>> -> memref<10000x128xf32, #tpu.memory_space<hbm>>
        tpu.wait_indirect_dma semaphore(%arg14 : memref<!tpu.dma_semaphore, #tpu.memory_space<semaphore_mem>>) src(%dma_wait3A_196 : memref<10000x128xf32, #tpu.memory_space<hbm>>) dst(%arg9 : memref<40x128xf32, #tpu.memory_space<vmem>>)
        %mul3A_197 = arith.constant 25 : i32
        %mul3A_198 = arith.muli %scan3A_82, %mul3A_197 : i32
        %add3A_199 = arith.addi %mul3A_198, %add3A_175 : i32
        %mul3A_200 = arith.constant 80 : i32
        %mul3A_201 = arith.muli %add3A_199, %mul3A_200 : i32
        %add3A_202 = arith.addi %mul3A_2, %mul3A_201 : i32
        %dma_wait3A_203 = arith.constant 0 : i32
        %dma_wait3A_204 = tpu.memref_slice %arg5[%add3A_202, %dma_wait3A_203] : memref<320000x128xf32, #tpu.memory_space<hbm>> -> memref<80x128xf32, #tpu.memory_space<hbm>>
        %dma_wait3A_205 = arith.constant 0 : i32
        %dma_wait3A_206 = tpu.memref_slice %arg5[%add3A_202, %dma_wait3A_205] : memref<320000x128xf32, #tpu.memory_space<hbm>> -> memref<80x128xf32, #tpu.memory_space<hbm>>
        tpu.wait_dma2 semaphore(%arg16 : memref<!tpu.dma_semaphore, #tpu.memory_space<semaphore_mem>>) src(%dma_wait3A_206 : memref<80x128xf32, #tpu.memory_space<hbm>>) dst(%arg11 : memref<80x128xf32, #tpu.memory_space<vmem>>)
        %parallel_loop3A_207 = arith.constant 0 : i32
        %parallel_loop3A_208 = arith.constant 40 : i32
        %parallel_loop3A_209 = arith.constant 1 : i32
        scf.for %parallel_loop3A_322 = %parallel_loop3A_207 to %parallel_loop3A_208 step %parallel_loop3A_209  : i32 {
          %parallel_loop3A_323 = arith.constant 0 : i32
          %parallel_loop3A_324 = arith.addi %parallel_loop3A_323, %parallel_loop3A_322 : i32
          %parallel_loop3A_325 = arith.index_cast %parallel_loop3A_324 : i32 to index
          %parallel_loop3A_326 = arith.constant 0 : index
          %parallel_loop3A_327 = tpu.vector_load %arg11[%parallel_loop3A_325, %parallel_loop3A_326] {strides = array<i32>} : memref<80x128xf32, #tpu.memory_space<vmem>>, vector<1x16xf32>,
          %parallel_loop3A_328 = vector.shape_cast %parallel_loop3A_327 : vector<1x16xf32> to vector<16xf32>
          %parallel_loop3A_329 = arith.index_cast %parallel_loop3A_322 : i32 to index
          %parallel_loop3A_330 = arith.constant 0 : index
          %parallel_loop3A_331 = tpu.vector_load %arg9[%parallel_loop3A_329, %parallel_loop3A_330] {strides = array<i32>} : memref<40x128xf32, #tpu.memory_space<vmem>>, vector<1x16xf32>,
          %parallel_loop3A_332 = vector.shape_cast %parallel_loop3A_331 : vector<1x16xf32> to vector<16xf32>
          %parallel_loop3A_333 = arith.mulf %parallel_loop3A_328, %parallel_loop3A_332 : vector<16xf32>
          %parallel_loop3A_334 = arith.constant 0 : i32
          %parallel_loop3A_335 = arith.addi %parallel_loop3A_334, %parallel_loop3A_322 : i32
          %parallel_loop3A_336 = arith.index_cast %parallel_loop3A_335 : i32 to index
          %parallel_loop3A_337 = arith.constant 0 : index
          %parallel_loop3A_338 = tpu.vector_load %arg11[%parallel_loop3A_336, %parallel_loop3A_337] {strides = array<i32>} : memref<80x128xf32, #tpu.memory_space<vmem>>, vector<1x16xf32>,
          %parallel_loop3A_339 = vector.shape_cast %parallel_loop3A_338 : vector<1x16xf32> to vector<16xf32>
          %parallel_loop3A_340 = vector.shape_cast %parallel_loop3A_333 : vector<16xf32> to vector<1x16xf32>
          tpu.vector_store %arg11[%parallel_loop3A_336, %parallel_loop3A_337], %parallel_loop3A_340 {strides = array<i32>} : memref<80x128xf32, #tpu.memory_space<vmem>>, vector<1x16xf32>,
          %parallel_loop3A_341 = arith.constant 0 : i32
          %parallel_loop3A_342 = arith.addi %parallel_loop3A_341, %parallel_loop3A_322 : i32
          %parallel_loop3A_343 = arith.index_cast %parallel_loop3A_342 : i32 to index
          %parallel_loop3A_344 = arith.constant 16 : index
          %parallel_loop3A_345 = tpu.vector_load %arg11[%parallel_loop3A_343, %parallel_loop3A_344] {strides = array<i32>} : memref<80x128xf32, #tpu.memory_space<vmem>>, vector<1x16xf32>,
          %parallel_loop3A_346 = vector.shape_cast %parallel_loop3A_345 : vector<1x16xf32> to vector<16xf32>
          %parallel_loop3A_347 = arith.index_cast %parallel_loop3A_322 : i32 to index
          %parallel_loop3A_348 = arith.constant 16 : index
          %parallel_loop3A_349 = tpu.vector_load %arg9[%parallel_loop3A_347, %parallel_loop3A_348] {strides = array<i32>} : memref<40x128xf32, #tpu.memory_space<vmem>>, vector<1x16xf32>,
          %parallel_loop3A_350 = vector.shape_cast %parallel_loop3A_349 : vector<1x16xf32> to vector<16xf32>
          %parallel_loop3A_351 = arith.mulf %parallel_loop3A_346, %parallel_loop3A_350 : vector<16xf32>
          %parallel_loop3A_352 = arith.constant 0 : i32
          %parallel_loop3A_353 = arith.addi %parallel_loop3A_352, %parallel_loop3A_322 : i32
          %parallel_loop3A_354 = arith.index_cast %parallel_loop3A_353 : i32 to index
          %parallel_loop3A_355 = arith.constant 16 : index
          %parallel_loop3A_356 = tpu.vector_load %arg11[%parallel_loop3A_354, %parallel_loop3A_355] {strides = array<i32>} : memref<80x128xf32, #tpu.memory_space<vmem>>, vector<1x16xf32>,
          %parallel_loop3A_357 = vector.shape_cast %parallel_loop3A_356 : vector<1x16xf32> to vector<16xf32>
          %parallel_loop3A_358 = vector.shape_cast %parallel_loop3A_351 : vector<16xf32> to vector<1x16xf32>
          tpu.vector_store %arg11[%parallel_loop3A_354, %parallel_loop3A_355], %parallel_loop3A_358 {strides = array<i32>} : memref<80x128xf32, #tpu.memory_space<vmem>>, vector<1x16xf32>,
          %parallel_loop3A_359 = arith.constant 0 : i32
          %parallel_loop3A_360 = arith.addi %parallel_loop3A_359, %parallel_loop3A_322 : i32
          %parallel_loop3A_361 = arith.index_cast %parallel_loop3A_360 : i32 to index
          %parallel_loop3A_362 = arith.constant 32 : index
          %parallel_loop3A_363 = tpu.vector_load %arg11[%parallel_loop3A_361, %parallel_loop3A_362] {strides = array<i32>} : memref<80x128xf32, #tpu.memory_space<vmem>>, vector<1x16xf32>,
          %parallel_loop3A_364 = vector.shape_cast %parallel_loop3A_363 : vector<1x16xf32> to vector<16xf32>
          %parallel_loop3A_365 = arith.index_cast %parallel_loop3A_322 : i32 to index
          %parallel_loop3A_366 = arith.constant 32 : index
          %parallel_loop3A_367 = tpu.vector_load %arg9[%parallel_loop3A_365, %parallel_loop3A_366] {strides = array<i32>} : memref<40x128xf32, #tpu.memory_space<vmem>>, vector<1x16xf32>,
          %parallel_loop3A_368 = vector.shape_cast %parallel_loop3A_367 : vector<1x16xf32> to vector<16xf32>
          %parallel_loop3A_369 = arith.mulf %parallel_loop3A_364, %parallel_loop3A_368 : vector<16xf32>
          %parallel_loop3A_370 = arith.constant 0 : i32
          %parallel_loop3A_371 = arith.addi %parallel_loop3A_370, %parallel_loop3A_322 : i32
          %parallel_loop3A_372 = arith.index_cast %parallel_loop3A_371 : i32 to index
          %parallel_loop3A_373 = arith.constant 32 : index
          %parallel_loop3A_374 = tpu.vector_load %arg11[%parallel_loop3A_372, %parallel_loop3A_373] {strides = array<i32>} : memref<80x128xf32, #tpu.memory_space<vmem>>, vector<1x16xf32>,
          %parallel_loop3A_375 = vector.shape_cast %parallel_loop3A_374 : vector<1x16xf32> to vector<16xf32>
          %parallel_loop3A_376 = vector.shape_cast %parallel_loop3A_369 : vector<16xf32> to vector<1x16xf32>
          tpu.vector_store %arg11[%parallel_loop3A_372, %parallel_loop3A_373], %parallel_loop3A_376 {strides = array<i32>} : memref<80x128xf32, #tpu.memory_space<vmem>>, vector<1x16xf32>,
          %parallel_loop3A_377 = arith.constant 0 : i32
          %parallel_loop3A_378 = arith.addi %parallel_loop3A_377, %parallel_loop3A_322 : i32
          %parallel_loop3A_379 = arith.index_cast %parallel_loop3A_378 : i32 to index
          %parallel_loop3A_380 = arith.constant 48 : index
          %parallel_loop3A_381 = tpu.vector_load %arg11[%parallel_loop3A_379, %parallel_loop3A_380] {strides = array<i32>} : memref<80x128xf32, #tpu.memory_space<vmem>>, vector<1x16xf32>,
          %parallel_loop3A_382 = vector.shape_cast %parallel_loop3A_381 : vector<1x16xf32> to vector<16xf32>
          %parallel_loop3A_383 = arith.index_cast %parallel_loop3A_322 : i32 to index
          %parallel_loop3A_384 = arith.constant 48 : index
          %parallel_loop3A_385 = tpu.vector_load %arg9[%parallel_loop3A_383, %parallel_loop3A_384] {strides = array<i32>} : memref<40x128xf32, #tpu.memory_space<vmem>>, vector<1x16xf32>,
          %parallel_loop3A_386 = vector.shape_cast %parallel_loop3A_385 : vector<1x16xf32> to vector<16xf32>
          %parallel_loop3A_387 = arith.mulf %parallel_loop3A_382, %parallel_loop3A_386 : vector<16xf32>
          %parallel_loop3A_388 = arith.constant 0 : i32
          %parallel_loop3A_389 = arith.addi %parallel_loop3A_388, %parallel_loop3A_322 : i32
          %parallel_loop3A_390 = arith.index_cast %parallel_loop3A_389 : i32 to index
          %parallel_loop3A_391 = arith.constant 48 : index
          %parallel_loop3A_392 = tpu.vector_load %arg11[%parallel_loop3A_390, %parallel_loop3A_391] {strides = array<i32>} : memref<80x128xf32, #tpu.memory_space<vmem>>, vector<1x16xf32>,
          %parallel_loop3A_393 = vector.shape_cast %parallel_loop3A_392 : vector<1x16xf32> to vector<16xf32>
          %parallel_loop3A_394 = vector.shape_cast %parallel_loop3A_387 : vector<16xf32> to vector<1x16xf32>
          tpu.vector_store %arg11[%parallel_loop3A_390, %parallel_loop3A_391], %parallel_loop3A_394 {strides = array<i32>} : memref<80x128xf32, #tpu.memory_space<vmem>>, vector<1x16xf32>,
          %parallel_loop3A_395 = arith.constant 0 : i32
          %parallel_loop3A_396 = arith.addi %parallel_loop3A_395, %parallel_loop3A_322 : i32
          %parallel_loop3A_397 = arith.index_cast %parallel_loop3A_396 : i32 to index
          %parallel_loop3A_398 = arith.constant 64 : index
          %parallel_loop3A_399 = tpu.vector_load %arg11[%parallel_loop3A_397, %parallel_loop3A_398] {strides = array<i32>} : memref<80x128xf32, #tpu.memory_space<vmem>>, vector<1x16xf32>,
          %parallel_loop3A_400 = vector.shape_cast %parallel_loop3A_399 : vector<1x16xf32> to vector<16xf32>
          %parallel_loop3A_401 = arith.index_cast %parallel_loop3A_322 : i32 to index
          %parallel_loop3A_402 = arith.constant 64 : index
          %parallel_loop3A_403 = tpu.vector_load %arg9[%parallel_loop3A_401, %parallel_loop3A_402] {strides = array<i32>} : memref<40x128xf32, #tpu.memory_space<vmem>>, vector<1x16xf32>,
          %parallel_loop3A_404 = vector.shape_cast %parallel_loop3A_403 : vector<1x16xf32> to vector<16xf32>
          %parallel_loop3A_405 = arith.mulf %parallel_loop3A_400, %parallel_loop3A_404 : vector<16xf32>
          %parallel_loop3A_406 = arith.constant 0 : i32
          %parallel_loop3A_407 = arith.addi %parallel_loop3A_406, %parallel_loop3A_322 : i32
          %parallel_loop3A_408 = arith.index_cast %parallel_loop3A_407 : i32 to index
          %parallel_loop3A_409 = arith.constant 64 : index
          %parallel_loop3A_410 = tpu.vector_load %arg11[%parallel_loop3A_408, %parallel_loop3A_409] {strides = array<i32>} : memref<80x128xf32, #tpu.memory_space<vmem>>, vector<1x16xf32>,
          %parallel_loop3A_411 = vector.shape_cast %parallel_loop3A_410 : vector<1x16xf32> to vector<16xf32>
          %parallel_loop3A_412 = vector.shape_cast %parallel_loop3A_405 : vector<16xf32> to vector<1x16xf32>
          tpu.vector_store %arg11[%parallel_loop3A_408, %parallel_loop3A_409], %parallel_loop3A_412 {strides = array<i32>} : memref<80x128xf32, #tpu.memory_space<vmem>>, vector<1x16xf32>,
          %parallel_loop3A_413 = arith.constant 0 : i32
          %parallel_loop3A_414 = arith.addi %parallel_loop3A_413, %parallel_loop3A_322 : i32
          %parallel_loop3A_415 = arith.index_cast %parallel_loop3A_414 : i32 to index
          %parallel_loop3A_416 = arith.constant 80 : index
          %parallel_loop3A_417 = tpu.vector_load %arg11[%parallel_loop3A_415, %parallel_loop3A_416] {strides = array<i32>} : memref<80x128xf32, #tpu.memory_space<vmem>>, vector<1x16xf32>,
          %parallel_loop3A_418 = vector.shape_cast %parallel_loop3A_417 : vector<1x16xf32> to vector<16xf32>
          %parallel_loop3A_419 = arith.index_cast %parallel_loop3A_322 : i32 to index
          %parallel_loop3A_420 = arith.constant 80 : index
          %parallel_loop3A_421 = tpu.vector_load %arg9[%parallel_loop3A_419, %parallel_loop3A_420] {strides = array<i32>} : memref<40x128xf32, #tpu.memory_space<vmem>>, vector<1x16xf32>,
          %parallel_loop3A_422 = vector.shape_cast %parallel_loop3A_421 : vector<1x16xf32> to vector<16xf32>
          %parallel_loop3A_423 = arith.mulf %parallel_loop3A_418, %parallel_loop3A_422 : vector<16xf32>
          %parallel_loop3A_424 = arith.constant 0 : i32
          %parallel_loop3A_425 = arith.addi %parallel_loop3A_424, %parallel_loop3A_322 : i32
          %parallel_loop3A_426 = arith.index_cast %parallel_loop3A_425 : i32 to index
          %parallel_loop3A_427 = arith.constant 80 : index
          %parallel_loop3A_428 = tpu.vector_load %arg11[%parallel_loop3A_426, %parallel_loop3A_427] {strides = array<i32>} : memref<80x128xf32, #tpu.memory_space<vmem>>, vector<1x16xf32>,
          %parallel_loop3A_429 = vector.shape_cast %parallel_loop3A_428 : vector<1x16xf32> to vector<16xf32>
          %parallel_loop3A_430 = vector.shape_cast %parallel_loop3A_423 : vector<16xf32> to vector<1x16xf32>
          tpu.vector_store %arg11[%parallel_loop3A_426, %parallel_loop3A_427], %parallel_loop3A_430 {strides = array<i32>} : memref<80x128xf32, #tpu.memory_space<vmem>>, vector<1x16xf32>,
          %parallel_loop3A_431 = arith.constant 0 : i32
          %parallel_loop3A_432 = arith.addi %parallel_loop3A_431, %parallel_loop3A_322 : i32
          %parallel_loop3A_433 = arith.index_cast %parallel_loop3A_432 : i32 to index
          %parallel_loop3A_434 = arith.constant 96 : index
          %parallel_loop3A_435 = tpu.vector_load %arg11[%parallel_loop3A_433, %parallel_loop3A_434] {strides = array<i32>} : memref<80x128xf32, #tpu.memory_space<vmem>>, vector<1x16xf32>,
          %parallel_loop3A_436 = vector.shape_cast %parallel_loop3A_435 : vector<1x16xf32> to vector<16xf32>
          %parallel_loop3A_437 = arith.index_cast %parallel_loop3A_322 : i32 to index
          %parallel_loop3A_438 = arith.constant 96 : index
          %parallel_loop3A_439 = tpu.vector_load %arg9[%parallel_loop3A_437, %parallel_loop3A_438] {strides = array<i32>} : memref<40x128xf32, #tpu.memory_space<vmem>>, vector<1x16xf32>,
          %parallel_loop3A_440 = vector.shape_cast %parallel_loop3A_439 : vector<1x16xf32> to vector<16xf32>
          %parallel_loop3A_441 = arith.mulf %parallel_loop3A_436, %parallel_loop3A_440 : vector<16xf32>
          %parallel_loop3A_442 = arith.constant 0 : i32
          %parallel_loop3A_443 = arith.addi %parallel_loop3A_442, %parallel_loop3A_322 : i32
          %parallel_loop3A_444 = arith.index_cast %parallel_loop3A_443 : i32 to index
          %parallel_loop3A_445 = arith.constant 96 : index
          %parallel_loop3A_446 = tpu.vector_load %arg11[%parallel_loop3A_444, %parallel_loop3A_445] {strides = array<i32>} : memref<80x128xf32, #tpu.memory_space<vmem>>, vector<1x16xf32>,
          %parallel_loop3A_447 = vector.shape_cast %parallel_loop3A_446 : vector<1x16xf32> to vector<16xf32>
          %parallel_loop3A_448 = vector.shape_cast %parallel_loop3A_441 : vector<16xf32> to vector<1x16xf32>
          tpu.vector_store %arg11[%parallel_loop3A_444, %parallel_loop3A_445], %parallel_loop3A_448 {strides = array<i32>} : memref<80x128xf32, #tpu.memory_space<vmem>>, vector<1x16xf32>,
          %parallel_loop3A_449 = arith.constant 0 : i32
          %parallel_loop3A_450 = arith.addi %parallel_loop3A_449, %parallel_loop3A_322 : i32
          %parallel_loop3A_451 = arith.index_cast %parallel_loop3A_450 : i32 to index
          %parallel_loop3A_452 = arith.constant 112 : index
          %parallel_loop3A_453 = tpu.vector_load %arg11[%parallel_loop3A_451, %parallel_loop3A_452] {strides = array<i32>} : memref<80x128xf32, #tpu.memory_space<vmem>>, vector<1x16xf32>,
          %parallel_loop3A_454 = vector.shape_cast %parallel_loop3A_453 : vector<1x16xf32> to vector<16xf32>
          %parallel_loop3A_455 = arith.index_cast %parallel_loop3A_322 : i32 to index
          %parallel_loop3A_456 = arith.constant 112 : index
          %parallel_loop3A_457 = tpu.vector_load %arg9[%parallel_loop3A_455, %parallel_loop3A_456] {strides = array<i32>} : memref<40x128xf32, #tpu.memory_space<vmem>>, vector<1x16xf32>,
          %parallel_loop3A_458 = vector.shape_cast %parallel_loop3A_457 : vector<1x16xf32> to vector<16xf32>
          %parallel_loop3A_459 = arith.mulf %parallel_loop3A_454, %parallel_loop3A_458 : vector<16xf32>
          %parallel_loop3A_460 = arith.constant 0 : i32
          %parallel_loop3A_461 = arith.addi %parallel_loop3A_460, %parallel_loop3A_322 : i32
          %parallel_loop3A_462 = arith.index_cast %parallel_loop3A_461 : i32 to index
          %parallel_loop3A_463 = arith.constant 112 : index
          %parallel_loop3A_464 = tpu.vector_load %arg11[%parallel_loop3A_462, %parallel_loop3A_463] {strides = array<i32>} : memref<80x128xf32, #tpu.memory_space<vmem>>, vector<1x16xf32>,
          %parallel_loop3A_465 = vector.shape_cast %parallel_loop3A_464 : vector<1x16xf32> to vector<16xf32>
          %parallel_loop3A_466 = vector.shape_cast %parallel_loop3A_459 : vector<16xf32> to vector<1x16xf32>
          tpu.vector_store %arg11[%parallel_loop3A_462, %parallel_loop3A_463], %parallel_loop3A_466 {strides = array<i32>} : memref<80x128xf32, #tpu.memory_space<vmem>>, vector<1x16xf32>,
        } {sc.loop_unroll_factor = 2 : i64, sc.parallel_access}
        %add3A_210 = arith.constant 1 : i32
        %add3A_211 = arith.addi %add3A_175, %add3A_210 : i32
        %dma_start3A_212 = arith.constant 0 : i32
        %dma_start3A_213 = arith.constant 0 : i32
        %dma_start3A_214 = tpu.memref_slice %arg7[%add3A_211, %dma_start3A_212, %dma_start3A_213] : memref<25x2x40xi32, #tpu.memory_space<vmem>> -> memref<1x1x40xi32, #tpu.memory_space<vmem>>
        %dma_start3A_215 = tpu.memref_squeeze %dma_start3A_214 : memref<1x1x40xi32, #tpu.memory_space<vmem>> -> memref<40xi32, #tpu.memory_space<vmem>>
        %dma_start3A_216 = arith.constant 0 : i32
        %dma_start3A_217 = arith.constant 0 : i32
        %dma_start3A_218 = tpu.memref_slice %arg4[%dma_start3A_216, %dma_start3A_217] : memref<10000x128xf32, #tpu.memory_space<hbm>> -> memref<10000x128xf32, #tpu.memory_space<hbm>>
        tpu.enqueue_indirect_dma source(%dma_start3A_218 : memref<10000x128xf32, #tpu.memory_space<hbm>>) target(%arg9 : memref<40x128xf32, #tpu.memory_space<vmem>>) offsets(%dma_start3A_215 : memref<40xi32, #tpu.memory_space<vmem>>) semaphore(%arg14 : memref<!tpu.dma_semaphore, #tpu.memory_space<semaphore_mem>>)
        %dma_wait3A_219 = arith.constant 1 : i32
        %dma_wait3A_220 = arith.constant 0 : i32
        %dma_wait3A_221 = tpu.memref_slice %arg7[%add3A_175, %dma_wait3A_219, %dma_wait3A_220] : memref<25x2x40xi32, #tpu.memory_space<vmem>> -> memref<1x1x40xi32, #tpu.memory_space<vmem>>
        %dma_wait3A_222 = tpu.memref_squeeze %dma_wait3A_221 : memref<1x1x40xi32, #tpu.memory_space<vmem>> -> memref<40xi32, #tpu.memory_space<vmem>>
        %dma_wait3A_223 = arith.constant 0 : i32
        %dma_wait3A_224 = arith.constant 0 : i32
        %dma_wait3A_225 = tpu.memref_slice %arg4[%dma_wait3A_223, %dma_wait3A_224] : memref<10000x128xf32, #tpu.memory_space<hbm>> -> memref<10000x128xf32, #tpu.memory_space<hbm>>
        tpu.wait_indirect_dma semaphore(%arg15 : memref<!tpu.dma_semaphore, #tpu.memory_space<semaphore_mem>>) src(%dma_wait3A_225 : memref<10000x128xf32, #tpu.memory_space<hbm>>) dst(%arg10 : memref<40x128xf32, #tpu.memory_space<vmem>>)
        %parallel_loop3A_226 = arith.constant 0 : i32
        %parallel_loop3A_227 = arith.constant 40 : i32
        %parallel_loop3A_228 = arith.constant 1 : i32
        scf.for %parallel_loop3A_322 = %parallel_loop3A_226 to %parallel_loop3A_227 step %parallel_loop3A_228  : i32 {
          %parallel_loop3A_323 = arith.constant 40 : i32
          %parallel_loop3A_324 = arith.addi %parallel_loop3A_323, %parallel_loop3A_322 : i32
          %parallel_loop3A_325 = arith.index_cast %parallel_loop3A_324 : i32 to index
          %parallel_loop3A_326 = arith.constant 0 : index
          %parallel_loop3A_327 = tpu.vector_load %arg11[%parallel_loop3A_325, %parallel_loop3A_326] {strides = array<i32>} : memref<80x128xf32, #tpu.memory_space<vmem>>, vector<1x16xf32>,
          %parallel_loop3A_328 = vector.shape_cast %parallel_loop3A_327 : vector<1x16xf32> to vector<16xf32>
          %parallel_loop3A_329 = arith.index_cast %parallel_loop3A_322 : i32 to index
          %parallel_loop3A_330 = arith.constant 0 : index
          %parallel_loop3A_331 = tpu.vector_load %arg10[%parallel_loop3A_329, %parallel_loop3A_330] {strides = array<i32>} : memref<40x128xf32, #tpu.memory_space<vmem>>, vector<1x16xf32>,
          %parallel_loop3A_332 = vector.shape_cast %parallel_loop3A_331 : vector<1x16xf32> to vector<16xf32>
          %parallel_loop3A_333 = arith.mulf %parallel_loop3A_328, %parallel_loop3A_332 : vector<16xf32>
          %parallel_loop3A_334 = arith.constant 40 : i32
          %parallel_loop3A_335 = arith.addi %parallel_loop3A_334, %parallel_loop3A_322 : i32
          %parallel_loop3A_336 = arith.index_cast %parallel_loop3A_335 : i32 to index
          %parallel_loop3A_337 = arith.constant 0 : index
          %parallel_loop3A_338 = tpu.vector_load %arg11[%parallel_loop3A_336, %parallel_loop3A_337] {strides = array<i32>} : memref<80x128xf32, #tpu.memory_space<vmem>>, vector<1x16xf32>,
          %parallel_loop3A_339 = vector.shape_cast %parallel_loop3A_338 : vector<1x16xf32> to vector<16xf32>
          %parallel_loop3A_340 = vector.shape_cast %parallel_loop3A_333 : vector<16xf32> to vector<1x16xf32>
          tpu.vector_store %arg11[%parallel_loop3A_336, %parallel_loop3A_337], %parallel_loop3A_340 {strides = array<i32>} : memref<80x128xf32, #tpu.memory_space<vmem>>, vector<1x16xf32>,
          %parallel_loop3A_341 = arith.constant 40 : i32
          %parallel_loop3A_342 = arith.addi %parallel_loop3A_341, %parallel_loop3A_322 : i32
          %parallel_loop3A_343 = arith.index_cast %parallel_loop3A_342 : i32 to index
          %parallel_loop3A_344 = arith.constant 16 : index
          %parallel_loop3A_345 = tpu.vector_load %arg11[%parallel_loop3A_343, %parallel_loop3A_344] {strides = array<i32>} : memref<80x128xf32, #tpu.memory_space<vmem>>, vector<1x16xf32>,
          %parallel_loop3A_346 = vector.shape_cast %parallel_loop3A_345 : vector<1x16xf32> to vector<16xf32>
          %parallel_loop3A_347 = arith.index_cast %parallel_loop3A_322 : i32 to index
          %parallel_loop3A_348 = arith.constant 16 : index
          %parallel_loop3A_349 = tpu.vector_load %arg10[%parallel_loop3A_347, %parallel_loop3A_348] {strides = array<i32>} : memref<40x128xf32, #tpu.memory_space<vmem>>, vector<1x16xf32>,
          %parallel_loop3A_350 = vector.shape_cast %parallel_loop3A_349 : vector<1x16xf32> to vector<16xf32>
          %parallel_loop3A_351 = arith.mulf %parallel_loop3A_346, %parallel_loop3A_350 : vector<16xf32>
          %parallel_loop3A_352 = arith.constant 40 : i32
          %parallel_loop3A_353 = arith.addi %parallel_loop3A_352, %parallel_loop3A_322 : i32
          %parallel_loop3A_354 = arith.index_cast %parallel_loop3A_353 : i32 to index
          %parallel_loop3A_355 = arith.constant 16 : index
          %parallel_loop3A_356 = tpu.vector_load %arg11[%parallel_loop3A_354, %parallel_loop3A_355] {strides = array<i32>} : memref<80x128xf32, #tpu.memory_space<vmem>>, vector<1x16xf32>,
          %parallel_loop3A_357 = vector.shape_cast %parallel_loop3A_356 : vector<1x16xf32> to vector<16xf32>
          %parallel_loop3A_358 = vector.shape_cast %parallel_loop3A_351 : vector<16xf32> to vector<1x16xf32>
          tpu.vector_store %arg11[%parallel_loop3A_354, %parallel_loop3A_355], %parallel_loop3A_358 {strides = array<i32>} : memref<80x128xf32, #tpu.memory_space<vmem>>, vector<1x16xf32>,
          %parallel_loop3A_359 = arith.constant 40 : i32
          %parallel_loop3A_360 = arith.addi %parallel_loop3A_359, %parallel_loop3A_322 : i32
          %parallel_loop3A_361 = arith.index_cast %parallel_loop3A_360 : i32 to index
          %parallel_loop3A_362 = arith.constant 32 : index
          %parallel_loop3A_363 = tpu.vector_load %arg11[%parallel_loop3A_361, %parallel_loop3A_362] {strides = array<i32>} : memref<80x128xf32, #tpu.memory_space<vmem>>, vector<1x16xf32>,
          %parallel_loop3A_364 = vector.shape_cast %parallel_loop3A_363 : vector<1x16xf32> to vector<16xf32>
          %parallel_loop3A_365 = arith.index_cast %parallel_loop3A_322 : i32 to index
          %parallel_loop3A_366 = arith.constant 32 : index
          %parallel_loop3A_367 = tpu.vector_load %arg10[%parallel_loop3A_365, %parallel_loop3A_366] {strides = array<i32>} : memref<40x128xf32, #tpu.memory_space<vmem>>, vector<1x16xf32>,
          %parallel_loop3A_368 = vector.shape_cast %parallel_loop3A_367 : vector<1x16xf32> to vector<16xf32>
          %parallel_loop3A_369 = arith.mulf %parallel_loop3A_364, %parallel_loop3A_368 : vector<16xf32>
          %parallel_loop3A_370 = arith.constant 40 : i32
          %parallel_loop3A_371 = arith.addi %parallel_loop3A_370, %parallel_loop3A_322 : i32
          %parallel_loop3A_372 = arith.index_cast %parallel_loop3A_371 : i32 to index
          %parallel_loop3A_373 = arith.constant 32 : index
          %parallel_loop3A_374 = tpu.vector_load %arg11[%parallel_loop3A_372, %parallel_loop3A_373] {strides = array<i32>} : memref<80x128xf32, #tpu.memory_space<vmem>>, vector<1x16xf32>,
          %parallel_loop3A_375 = vector.shape_cast %parallel_loop3A_374 : vector<1x16xf32> to vector<16xf32>
          %parallel_loop3A_376 = vector.shape_cast %parallel_loop3A_369 : vector<16xf32> to vector<1x16xf32>
          tpu.vector_store %arg11[%parallel_loop3A_372, %parallel_loop3A_373], %parallel_loop3A_376 {strides = array<i32>} : memref<80x128xf32, #tpu.memory_space<vmem>>, vector<1x16xf32>,
          %parallel_loop3A_377 = arith.constant 40 : i32
          %parallel_loop3A_378 = arith.addi %parallel_loop3A_377, %parallel_loop3A_322 : i32
          %parallel_loop3A_379 = arith.index_cast %parallel_loop3A_378 : i32 to index
          %parallel_loop3A_380 = arith.constant 48 : index
          %parallel_loop3A_381 = tpu.vector_load %arg11[%parallel_loop3A_379, %parallel_loop3A_380] {strides = array<i32>} : memref<80x128xf32, #tpu.memory_space<vmem>>, vector<1x16xf32>,
          %parallel_loop3A_382 = vector.shape_cast %parallel_loop3A_381 : vector<1x16xf32> to vector<16xf32>
          %parallel_loop3A_383 = arith.index_cast %parallel_loop3A_322 : i32 to index
          %parallel_loop3A_384 = arith.constant 48 : index
          %parallel_loop3A_385 = tpu.vector_load %arg10[%parallel_loop3A_383, %parallel_loop3A_384] {strides = array<i32>} : memref<40x128xf32, #tpu.memory_space<vmem>>, vector<1x16xf32>,
          %parallel_loop3A_386 = vector.shape_cast %parallel_loop3A_385 : vector<1x16xf32> to vector<16xf32>
          %parallel_loop3A_387 = arith.mulf %parallel_loop3A_382, %parallel_loop3A_386 : vector<16xf32>
          %parallel_loop3A_388 = arith.constant 40 : i32
          %parallel_loop3A_389 = arith.addi %parallel_loop3A_388, %parallel_loop3A_322 : i32
          %parallel_loop3A_390 = arith.index_cast %parallel_loop3A_389 : i32 to index
          %parallel_loop3A_391 = arith.constant 48 : index
          %parallel_loop3A_392 = tpu.vector_load %arg11[%parallel_loop3A_390, %parallel_loop3A_391] {strides = array<i32>} : memref<80x128xf32, #tpu.memory_space<vmem>>, vector<1x16xf32>,
          %parallel_loop3A_393 = vector.shape_cast %parallel_loop3A_392 : vector<1x16xf32> to vector<16xf32>
          %parallel_loop3A_394 = vector.shape_cast %parallel_loop3A_387 : vector<16xf32> to vector<1x16xf32>
          tpu.vector_store %arg11[%parallel_loop3A_390, %parallel_loop3A_391], %parallel_loop3A_394 {strides = array<i32>} : memref<80x128xf32, #tpu.memory_space<vmem>>, vector<1x16xf32>,
          %parallel_loop3A_395 = arith.constant 40 : i32
          %parallel_loop3A_396 = arith.addi %parallel_loop3A_395, %parallel_loop3A_322 : i32
          %parallel_loop3A_397 = arith.index_cast %parallel_loop3A_396 : i32 to index
          %parallel_loop3A_398 = arith.constant 64 : index
          %parallel_loop3A_399 = tpu.vector_load %arg11[%parallel_loop3A_397, %parallel_loop3A_398] {strides = array<i32>} : memref<80x128xf32, #tpu.memory_space<vmem>>, vector<1x16xf32>,
          %parallel_loop3A_400 = vector.shape_cast %parallel_loop3A_399 : vector<1x16xf32> to vector<16xf32>
          %parallel_loop3A_401 = arith.index_cast %parallel_loop3A_322 : i32 to index
          %parallel_loop3A_402 = arith.constant 64 : index
          %parallel_loop3A_403 = tpu.vector_load %arg10[%parallel_loop3A_401, %parallel_loop3A_402] {strides = array<i32>} : memref<40x128xf32, #tpu.memory_space<vmem>>, vector<1x16xf32>,
          %parallel_loop3A_404 = vector.shape_cast %parallel_loop3A_403 : vector<1x16xf32> to vector<16xf32>
          %parallel_loop3A_405 = arith.mulf %parallel_loop3A_400, %parallel_loop3A_404 : vector<16xf32>
          %parallel_loop3A_406 = arith.constant 40 : i32
          %parallel_loop3A_407 = arith.addi %parallel_loop3A_406, %parallel_loop3A_322 : i32
          %parallel_loop3A_408 = arith.index_cast %parallel_loop3A_407 : i32 to index
          %parallel_loop3A_409 = arith.constant 64 : index
          %parallel_loop3A_410 = tpu.vector_load %arg11[%parallel_loop3A_408, %parallel_loop3A_409] {strides = array<i32>} : memref<80x128xf32, #tpu.memory_space<vmem>>, vector<1x16xf32>,
          %parallel_loop3A_411 = vector.shape_cast %parallel_loop3A_410 : vector<1x16xf32> to vector<16xf32>
          %parallel_loop3A_412 = vector.shape_cast %parallel_loop3A_405 : vector<16xf32> to vector<1x16xf32>
          tpu.vector_store %arg11[%parallel_loop3A_408, %parallel_loop3A_409], %parallel_loop3A_412 {strides = array<i32>} : memref<80x128xf32, #tpu.memory_space<vmem>>, vector<1x16xf32>,
          %parallel_loop3A_413 = arith.constant 40 : i32
          %parallel_loop3A_414 = arith.addi %parallel_loop3A_413, %parallel_loop3A_322 : i32
          %parallel_loop3A_415 = arith.index_cast %parallel_loop3A_414 : i32 to index
          %parallel_loop3A_416 = arith.constant 80 : index
          %parallel_loop3A_417 = tpu.vector_load %arg11[%parallel_loop3A_415, %parallel_loop3A_416] {strides = array<i32>} : memref<80x128xf32, #tpu.memory_space<vmem>>, vector<1x16xf32>,
          %parallel_loop3A_418 = vector.shape_cast %parallel_loop3A_417 : vector<1x16xf32> to vector<16xf32>
          %parallel_loop3A_419 = arith.index_cast %parallel_loop3A_322 : i32 to index
          %parallel_loop3A_420 = arith.constant 80 : index
          %parallel_loop3A_421 = tpu.vector_load %arg10[%parallel_loop3A_419, %parallel_loop3A_420] {strides = array<i32>} : memref<40x128xf32, #tpu.memory_space<vmem>>, vector<1x16xf32>,
          %parallel_loop3A_422 = vector.shape_cast %parallel_loop3A_421 : vector<1x16xf32> to vector<16xf32>
          %parallel_loop3A_423 = arith.mulf %parallel_loop3A_418, %parallel_loop3A_422 : vector<16xf32>
          %parallel_loop3A_424 = arith.constant 40 : i32
          %parallel_loop3A_425 = arith.addi %parallel_loop3A_424, %parallel_loop3A_322 : i32
          %parallel_loop3A_426 = arith.index_cast %parallel_loop3A_425 : i32 to index
          %parallel_loop3A_427 = arith.constant 80 : index
          %parallel_loop3A_428 = tpu.vector_load %arg11[%parallel_loop3A_426, %parallel_loop3A_427] {strides = array<i32>} : memref<80x128xf32, #tpu.memory_space<vmem>>, vector<1x16xf32>,
          %parallel_loop3A_429 = vector.shape_cast %parallel_loop3A_428 : vector<1x16xf32> to vector<16xf32>
          %parallel_loop3A_430 = vector.shape_cast %parallel_loop3A_423 : vector<16xf32> to vector<1x16xf32>
          tpu.vector_store %arg11[%parallel_loop3A_426, %parallel_loop3A_427], %parallel_loop3A_430 {strides = array<i32>} : memref<80x128xf32, #tpu.memory_space<vmem>>, vector<1x16xf32>,
          %parallel_loop3A_431 = arith.constant 40 : i32
          %parallel_loop3A_432 = arith.addi %parallel_loop3A_431, %parallel_loop3A_322 : i32
          %parallel_loop3A_433 = arith.index_cast %parallel_loop3A_432 : i32 to index
          %parallel_loop3A_434 = arith.constant 96 : index
          %parallel_loop3A_435 = tpu.vector_load %arg11[%parallel_loop3A_433, %parallel_loop3A_434] {strides = array<i32>} : memref<80x128xf32, #tpu.memory_space<vmem>>, vector<1x16xf32>,
          %parallel_loop3A_436 = vector.shape_cast %parallel_loop3A_435 : vector<1x16xf32> to vector<16xf32>
          %parallel_loop3A_437 = arith.index_cast %parallel_loop3A_322 : i32 to index
          %parallel_loop3A_438 = arith.constant 96 : index
          %parallel_loop3A_439 = tpu.vector_load %arg10[%parallel_loop3A_437, %parallel_loop3A_438] {strides = array<i32>} : memref<40x128xf32, #tpu.memory_space<vmem>>, vector<1x16xf32>,
          %parallel_loop3A_440 = vector.shape_cast %parallel_loop3A_439 : vector<1x16xf32> to vector<16xf32>
          %parallel_loop3A_441 = arith.mulf %parallel_loop3A_436, %parallel_loop3A_440 : vector<16xf32>
          %parallel_loop3A_442 = arith.constant 40 : i32
          %parallel_loop3A_443 = arith.addi %parallel_loop3A_442, %parallel_loop3A_322 : i32
          %parallel_loop3A_444 = arith.index_cast %parallel_loop3A_443 : i32 to index
          %parallel_loop3A_445 = arith.constant 96 : index
          %parallel_loop3A_446 = tpu.vector_load %arg11[%parallel_loop3A_444, %parallel_loop3A_445] {strides = array<i32>} : memref<80x128xf32, #tpu.memory_space<vmem>>, vector<1x16xf32>,
          %parallel_loop3A_447 = vector.shape_cast %parallel_loop3A_446 : vector<1x16xf32> to vector<16xf32>
          %parallel_loop3A_448 = vector.shape_cast %parallel_loop3A_441 : vector<16xf32> to vector<1x16xf32>
          tpu.vector_store %arg11[%parallel_loop3A_444, %parallel_loop3A_445], %parallel_loop3A_448 {strides = array<i32>} : memref<80x128xf32, #tpu.memory_space<vmem>>, vector<1x16xf32>,
          %parallel_loop3A_449 = arith.constant 40 : i32
          %parallel_loop3A_450 = arith.addi %parallel_loop3A_449, %parallel_loop3A_322 : i32
          %parallel_loop3A_451 = arith.index_cast %parallel_loop3A_450 : i32 to index
          %parallel_loop3A_452 = arith.constant 112 : index
          %parallel_loop3A_453 = tpu.vector_load %arg11[%parallel_loop3A_451, %parallel_loop3A_452] {strides = array<i32>} : memref<80x128xf32, #tpu.memory_space<vmem>>, vector<1x16xf32>,
          %parallel_loop3A_454 = vector.shape_cast %parallel_loop3A_453 : vector<1x16xf32> to vector<16xf32>
          %parallel_loop3A_455 = arith.index_cast %parallel_loop3A_322 : i32 to index
          %parallel_loop3A_456 = arith.constant 112 : index
          %parallel_loop3A_457 = tpu.vector_load %arg10[%parallel_loop3A_455, %parallel_loop3A_456] {strides = array<i32>} : memref<40x128xf32, #tpu.memory_space<vmem>>, vector<1x16xf32>,
          %parallel_loop3A_458 = vector.shape_cast %parallel_loop3A_457 : vector<1x16xf32> to vector<16xf32>
          %parallel_loop3A_459 = arith.mulf %parallel_loop3A_454, %parallel_loop3A_458 : vector<16xf32>
          %parallel_loop3A_460 = arith.constant 40 : i32
          %parallel_loop3A_461 = arith.addi %parallel_loop3A_460, %parallel_loop3A_322 : i32
          %parallel_loop3A_462 = arith.index_cast %parallel_loop3A_461 : i32 to index
          %parallel_loop3A_463 = arith.constant 112 : index
          %parallel_loop3A_464 = tpu.vector_load %arg11[%parallel_loop3A_462, %parallel_loop3A_463] {strides = array<i32>} : memref<80x128xf32, #tpu.memory_space<vmem>>, vector<1x16xf32>,
          %parallel_loop3A_465 = vector.shape_cast %parallel_loop3A_464 : vector<1x16xf32> to vector<16xf32>
          %parallel_loop3A_466 = vector.shape_cast %parallel_loop3A_459 : vector<16xf32> to vector<1x16xf32>
          tpu.vector_store %arg11[%parallel_loop3A_462, %parallel_loop3A_463], %parallel_loop3A_466 {strides = array<i32>} : memref<80x128xf32, #tpu.memory_space<vmem>>, vector<1x16xf32>,
        } {sc.loop_unroll_factor = 2 : i64, sc.parallel_access}
        %add3A_229 = arith.constant 1 : i32
        %add3A_230 = arith.addi %add3A_175, %add3A_229 : i32
        %dma_start3A_231 = arith.constant 1 : i32
        %dma_start3A_232 = arith.constant 0 : i32
        %dma_start3A_233 = tpu.memref_slice %arg7[%add3A_230, %dma_start3A_231, %dma_start3A_232] : memref<25x2x40xi32, #tpu.memory_space<vmem>> -> memref<1x1x40xi32, #tpu.memory_space<vmem>>
        %dma_start3A_234 = tpu.memref_squeeze %dma_start3A_233 : memref<1x1x40xi32, #tpu.memory_space<vmem>> -> memref<40xi32, #tpu.memory_space<vmem>>
        %dma_start3A_235 = arith.constant 0 : i32
        %dma_start3A_236 = arith.constant 0 : i32
        %dma_start3A_237 = tpu.memref_slice %arg4[%dma_start3A_235, %dma_start3A_236] : memref<10000x128xf32, #tpu.memory_space<hbm>> -> memref<10000x128xf32, #tpu.memory_space<hbm>>
        tpu.enqueue_indirect_dma source(%dma_start3A_237 : memref<10000x128xf32, #tpu.memory_space<hbm>>) target(%arg10 : memref<40x128xf32, #tpu.memory_space<vmem>>) offsets(%dma_start3A_234 : memref<40xi32, #tpu.memory_space<vmem>>) semaphore(%arg15 : memref<!tpu.dma_semaphore, #tpu.memory_space<semaphore_mem>>)
        %dma_start3A_238 = arith.constant 0 : i32
        %dma_start3A_239 = tpu.memref_slice %arg8[%add3A_175, %dma_start3A_238] : memref<25x80xi32, #tpu.memory_space<vmem>> -> memref<1x80xi32, #tpu.memory_space<vmem>>
        %dma_start3A_240 = tpu.memref_squeeze %dma_start3A_239 : memref<1x80xi32, #tpu.memory_space<vmem>> -> memref<80xi32, #tpu.memory_space<vmem>>
        %dma_start3A_241 = arith.constant 0 : i32
        %dma_start3A_242 = arith.constant 0 : i32
        %dma_start3A_243 = tpu.memref_slice %arg13[%dma_start3A_241, %dma_start3A_242] : memref<10240x128xf32, #tpu.memory_space<vmem_shared>> -> memref<10240x128xf32, #tpu.memory_space<vmem_shared>>
        tpu.enqueue_indirect_dma source(%arg11 : memref<80x128xf32, #tpu.memory_space<vmem>>) target(%dma_start3A_243 : memref<10240x128xf32, #tpu.memory_space<vmem_shared>>) offsets(%dma_start3A_240 : memref<80xi32, #tpu.memory_space<vmem>>) semaphore(%arg18 : memref<!tpu.dma_semaphore, #tpu.memory_space<semaphore_mem>>) {add = true}
        %mul3A_244 = arith.constant 2 : i32
        %mul3A_245 = arith.muli %scan3A_170, %mul3A_244 : i32
        %add3A_246 = arith.constant 1 : i32
        %add3A_247 = arith.addi %mul3A_245, %add3A_246 : i32
        %sub3A = arith.constant 1 : i32
        %sub3A_248 = arith.subi %add3A_247, %sub3A : i32
        %dma_wait3A_249 = arith.constant 0 : i32
        %dma_wait3A_250 = tpu.memref_slice %arg8[%sub3A_248, %dma_wait3A_249] : memref<25x80xi32, #tpu.memory_space<vmem>> -> memref<1x80xi32, #tpu.memory_space<vmem>>
        %dma_wait3A_251 = tpu.memref_squeeze %dma_wait3A_250 : memref<1x80xi32, #tpu.memory_space<vmem>> -> memref<80xi32, #tpu.memory_space<vmem>>
        %dma_wait3A_252 = arith.constant 0 : i32
        %dma_wait3A_253 = arith.constant 0 : i32
        %dma_wait3A_254 = tpu.memref_slice %arg13[%dma_wait3A_252, %dma_wait3A_253] : memref<10240x128xf32, #tpu.memory_space<vmem_shared>> -> memref<10240x128xf32, #tpu.memory_space<vmem_shared>>
        tpu.wait_indirect_dma semaphore(%arg18 : memref<!tpu.dma_semaphore, #tpu.memory_space<semaphore_mem>>) src(%arg11 : memref<80x128xf32, #tpu.memory_space<vmem>>) dst(%dma_wait3A_254 : memref<10240x128xf32, #tpu.memory_space<vmem_shared>>)
        %add3A_255 = arith.constant 1 : i32
        %add3A_256 = arith.addi %add3A_247, %add3A_255 : i32
        %mul3A_257 = arith.constant 25 : i32
        %mul3A_258 = arith.muli %scan3A_82, %mul3A_257 : i32
        %add3A_259 = arith.addi %mul3A_258, %add3A_256 : i32
        %mul3A_260 = arith.constant 80 : i32
        %mul3A_261 = arith.muli %add3A_259, %mul3A_260 : i32
        %add3A_262 = arith.addi %mul3A_2, %mul3A_261 : i32
        %dma_start3A_263 = arith.constant 0 : i32
        %dma_start3A_264 = tpu.memref_slice %arg5[%add3A_262, %dma_start3A_263] : memref<320000x128xf32, #tpu.memory_space<hbm>> -> memref<80x128xf32, #tpu.memory_space<hbm>>
        %dma_start3A_265 = arith.constant 0 : i32
        %dma_start3A_266 = tpu.memref_slice %arg5[%add3A_262, %dma_start3A_265] : memref<320000x128xf32, #tpu.memory_space<hbm>> -> memref<80x128xf32, #tpu.memory_space<hbm>>
        tpu.enqueue_dma source(%dma_start3A_266 : memref<80x128xf32, #tpu.memory_space<hbm>>) target(%arg11 : memref<80x128xf32, #tpu.memory_space<vmem>>) target_semaphore(%arg16 : memref<!tpu.dma_semaphore, #tpu.memory_space<semaphore_mem>>)
        %dma_wait3A_267 = arith.constant 0 : i32
        %dma_wait3A_268 = arith.constant 0 : i32
        %dma_wait3A_269 = tpu.memref_slice %arg7[%add3A_247, %dma_wait3A_267, %dma_wait3A_268] : memref<25x2x40xi32, #tpu.memory_space<vmem>> -> memref<1x1x40xi32, #tpu.memory_space<vmem>>
        %dma_wait3A_270 = tpu.memref_squeeze %dma_wait3A_269 : memref<1x1x40xi32, #tpu.memory_space<vmem>> -> memref<40xi32, #tpu.memory_space<vmem>>
        %dma_wait3A_271 = arith.constant 0 : i32
        %dma_wait3A_272 = arith.constant 0 : i32
        %dma_wait3A_273 = tpu.memref_slice %arg4[%dma_wait3A_271, %dma_wait3A_272] : memref<10000x128xf32, #tpu.memory_space<hbm>> -> memref<10000x128xf32, #tpu.memory_space<hbm>>
        tpu.wait_indirect_dma semaphore(%arg14 : memref<!tpu.dma_semaphore, #tpu.memory_space<semaphore_mem>>) src(%dma_wait3A_273 : memref<10000x128xf32, #tpu.memory_space<hbm>>) dst(%arg9 : memref<40x128xf32, #tpu.memory_space<vmem>>)
        %mul3A_274 = arith.constant 25 : i32
        %mul3A_275 = arith.muli %scan3A_82, %mul3A_274 : i32
        %add3A_276 = arith.addi %mul3A_275, %add3A_247 : i32
        %mul3A_277 = arith.constant 80 : i32
        %mul3A_278 = arith.muli %add3A_276, %mul3A_277 : i32
        %add3A_279 = arith.addi %mul3A_2, %mul3A_278 : i32
        %dma_wait3A_280 = arith.constant 0 : i32
        %dma_wait3A_281 = tpu.memref_slice %arg5[%add3A_279, %dma_wait3A_280] : memref<320000x128xf32, #tpu.memory_space<hbm>> -> memref<80x128xf32, #tpu.memory_space<hbm>>
        %dma_wait3A_282 = arith.constant 0 : i32
        %dma_wait3A_283 = tpu.memref_slice %arg5[%add3A_279, %dma_wait3A_282] : memref<320000x128xf32, #tpu.memory_space<hbm>> -> memref<80x128xf32, #tpu.memory_space<hbm>>
        tpu.wait_dma2 semaphore(%arg17 : memref<!tpu.dma_semaphore, #tpu.memory_space<semaphore_mem>>) src(%dma_wait3A_283 : memref<80x128xf32, #tpu.memory_space<hbm>>) dst(%arg12 : memref<80x128xf32, #tpu.memory_space<vmem>>)
        %parallel_loop3A_284 = arith.constant 0 : i32
        %parallel_loop3A_285 = arith.constant 40 : i32
        %parallel_loop3A_286 = arith.constant 1 : i32
        scf.for %parallel_loop3A_322 = %parallel_loop3A_284 to %parallel_loop3A_285 step %parallel_loop3A_286  : i32 {
          %parallel_loop3A_323 = arith.constant 0 : i32
          %parallel_loop3A_324 = arith.addi %parallel_loop3A_323, %parallel_loop3A_322 : i32
          %parallel_loop3A_325 = arith.index_cast %parallel_loop3A_324 : i32 to index
          %parallel_loop3A_326 = arith.constant 0 : index
          %parallel_loop3A_327 = tpu.vector_load %arg12[%parallel_loop3A_325, %parallel_loop3A_326] {strides = array<i32>} : memref<80x128xf32, #tpu.memory_space<vmem>>, vector<1x16xf32>,
          %parallel_loop3A_328 = vector.shape_cast %parallel_loop3A_327 : vector<1x16xf32> to vector<16xf32>
          %parallel_loop3A_329 = arith.index_cast %parallel_loop3A_322 : i32 to index
          %parallel_loop3A_330 = arith.constant 0 : index
          %parallel_loop3A_331 = tpu.vector_load %arg9[%parallel_loop3A_329, %parallel_loop3A_330] {strides = array<i32>} : memref<40x128xf32, #tpu.memory_space<vmem>>, vector<1x16xf32>,
          %parallel_loop3A_332 = vector.shape_cast %parallel_loop3A_331 : vector<1x16xf32> to vector<16xf32>
          %parallel_loop3A_333 = arith.mulf %parallel_loop3A_328, %parallel_loop3A_332 : vector<16xf32>
          %parallel_loop3A_334 = arith.constant 0 : i32
          %parallel_loop3A_335 = arith.addi %parallel_loop3A_334, %parallel_loop3A_322 : i32
          %parallel_loop3A_336 = arith.index_cast %parallel_loop3A_335 : i32 to index
          %parallel_loop3A_337 = arith.constant 0 : index
          %parallel_loop3A_338 = tpu.vector_load %arg12[%parallel_loop3A_336, %parallel_loop3A_337] {strides = array<i32>} : memref<80x128xf32, #tpu.memory_space<vmem>>, vector<1x16xf32>,
          %parallel_loop3A_339 = vector.shape_cast %parallel_loop3A_338 : vector<1x16xf32> to vector<16xf32>
          %parallel_loop3A_340 = vector.shape_cast %parallel_loop3A_333 : vector<16xf32> to vector<1x16xf32>
          tpu.vector_store %arg12[%parallel_loop3A_336, %parallel_loop3A_337], %parallel_loop3A_340 {strides = array<i32>} : memref<80x128xf32, #tpu.memory_space<vmem>>, vector<1x16xf32>,
          %parallel_loop3A_341 = arith.constant 0 : i32
          %parallel_loop3A_342 = arith.addi %parallel_loop3A_341, %parallel_loop3A_322 : i32
          %parallel_loop3A_343 = arith.index_cast %parallel_loop3A_342 : i32 to index
          %parallel_loop3A_344 = arith.constant 16 : index
          %parallel_loop3A_345 = tpu.vector_load %arg12[%parallel_loop3A_343, %parallel_loop3A_344] {strides = array<i32>} : memref<80x128xf32, #tpu.memory_space<vmem>>, vector<1x16xf32>,
          %parallel_loop3A_346 = vector.shape_cast %parallel_loop3A_345 : vector<1x16xf32> to vector<16xf32>
          %parallel_loop3A_347 = arith.index_cast %parallel_loop3A_322 : i32 to index
          %parallel_loop3A_348 = arith.constant 16 : index
          %parallel_loop3A_349 = tpu.vector_load %arg9[%parallel_loop3A_347, %parallel_loop3A_348] {strides = array<i32>} : memref<40x128xf32, #tpu.memory_space<vmem>>, vector<1x16xf32>,
          %parallel_loop3A_350 = vector.shape_cast %parallel_loop3A_349 : vector<1x16xf32> to vector<16xf32>
          %parallel_loop3A_351 = arith.mulf %parallel_loop3A_346, %parallel_loop3A_350 : vector<16xf32>
          %parallel_loop3A_352 = arith.constant 0 : i32
          %parallel_loop3A_353 = arith.addi %parallel_loop3A_352, %parallel_loop3A_322 : i32
          %parallel_loop3A_354 = arith.index_cast %parallel_loop3A_353 : i32 to index
          %parallel_loop3A_355 = arith.constant 16 : index
          %parallel_loop3A_356 = tpu.vector_load %arg12[%parallel_loop3A_354, %parallel_loop3A_355] {strides = array<i32>} : memref<80x128xf32, #tpu.memory_space<vmem>>, vector<1x16xf32>,
          %parallel_loop3A_357 = vector.shape_cast %parallel_loop3A_356 : vector<1x16xf32> to vector<16xf32>
          %parallel_loop3A_358 = vector.shape_cast %parallel_loop3A_351 : vector<16xf32> to vector<1x16xf32>
          tpu.vector_store %arg12[%parallel_loop3A_354, %parallel_loop3A_355], %parallel_loop3A_358 {strides = array<i32>} : memref<80x128xf32, #tpu.memory_space<vmem>>, vector<1x16xf32>,
          %parallel_loop3A_359 = arith.constant 0 : i32
          %parallel_loop3A_360 = arith.addi %parallel_loop3A_359, %parallel_loop3A_322 : i32
          %parallel_loop3A_361 = arith.index_cast %parallel_loop3A_360 : i32 to index
          %parallel_loop3A_362 = arith.constant 32 : index
          %parallel_loop3A_363 = tpu.vector_load %arg12[%parallel_loop3A_361, %parallel_loop3A_362] {strides = array<i32>} : memref<80x128xf32, #tpu.memory_space<vmem>>, vector<1x16xf32>,
          %parallel_loop3A_364 = vector.shape_cast %parallel_loop3A_363 : vector<1x16xf32> to vector<16xf32>
          %parallel_loop3A_365 = arith.index_cast %parallel_loop3A_322 : i32 to index
          %parallel_loop3A_366 = arith.constant 32 : index
          %parallel_loop3A_367 = tpu.vector_load %arg9[%parallel_loop3A_365, %parallel_loop3A_366] {strides = array<i32>} : memref<40x128xf32, #tpu.memory_space<vmem>>, vector<1x16xf32>,
          %parallel_loop3A_368 = vector.shape_cast %parallel_loop3A_367 : vector<1x16xf32> to vector<16xf32>
          %parallel_loop3A_369 = arith.mulf %parallel_loop3A_364, %parallel_loop3A_368 : vector<16xf32>
          %parallel_loop3A_370 = arith.constant 0 : i32
          %parallel_loop3A_371 = arith.addi %parallel_loop3A_370, %parallel_loop3A_322 : i32
          %parallel_loop3A_372 = arith.index_cast %parallel_loop3A_371 : i32 to index
          %parallel_loop3A_373 = arith.constant 32 : index
          %parallel_loop3A_374 = tpu.vector_load %arg12[%parallel_loop3A_372, %parallel_loop3A_373] {strides = array<i32>} : memref<80x128xf32, #tpu.memory_space<vmem>>, vector<1x16xf32>,
          %parallel_loop3A_375 = vector.shape_cast %parallel_loop3A_374 : vector<1x16xf32> to vector<16xf32>
          %parallel_loop3A_376 = vector.shape_cast %parallel_loop3A_369 : vector<16xf32> to vector<1x16xf32>
          tpu.vector_store %arg12[%parallel_loop3A_372, %parallel_loop3A_373], %parallel_loop3A_376 {strides = array<i32>} : memref<80x128xf32, #tpu.memory_space<vmem>>, vector<1x16xf32>,
          %parallel_loop3A_377 = arith.constant 0 : i32
          %parallel_loop3A_378 = arith.addi %parallel_loop3A_377, %parallel_loop3A_322 : i32
          %parallel_loop3A_379 = arith.index_cast %parallel_loop3A_378 : i32 to index
          %parallel_loop3A_380 = arith.constant 48 : index
          %parallel_loop3A_381 = tpu.vector_load %arg12[%parallel_loop3A_379, %parallel_loop3A_380] {strides = array<i32>} : memref<80x128xf32, #tpu.memory_space<vmem>>, vector<1x16xf32>,
          %parallel_loop3A_382 = vector.shape_cast %parallel_loop3A_381 : vector<1x16xf32> to vector<16xf32>
          %parallel_loop3A_383 = arith.index_cast %parallel_loop3A_322 : i32 to index
          %parallel_loop3A_384 = arith.constant 48 : index
          %parallel_loop3A_385 = tpu.vector_load %arg9[%parallel_loop3A_383, %parallel_loop3A_384] {strides = array<i32>} : memref<40x128xf32, #tpu.memory_space<vmem>>, vector<1x16xf32>,
          %parallel_loop3A_386 = vector.shape_cast %parallel_loop3A_385 : vector<1x16xf32> to vector<16xf32>
          %parallel_loop3A_387 = arith.mulf %parallel_loop3A_382, %parallel_loop3A_386 : vector<16xf32>
          %parallel_loop3A_388 = arith.constant 0 : i32
          %parallel_loop3A_389 = arith.addi %parallel_loop3A_388, %parallel_loop3A_322 : i32
          %parallel_loop3A_390 = arith.index_cast %parallel_loop3A_389 : i32 to index
          %parallel_loop3A_391 = arith.constant 48 : index
          %parallel_loop3A_392 = tpu.vector_load %arg12[%parallel_loop3A_390, %parallel_loop3A_391] {strides = array<i32>} : memref<80x128xf32, #tpu.memory_space<vmem>>, vector<1x16xf32>,
          %parallel_loop3A_393 = vector.shape_cast %parallel_loop3A_392 : vector<1x16xf32> to vector<16xf32>
          %parallel_loop3A_394 = vector.shape_cast %parallel_loop3A_387 : vector<16xf32> to vector<1x16xf32>
          tpu.vector_store %arg12[%parallel_loop3A_390, %parallel_loop3A_391], %parallel_loop3A_394 {strides = array<i32>} : memref<80x128xf32, #tpu.memory_space<vmem>>, vector<1x16xf32>,
          %parallel_loop3A_395 = arith.constant 0 : i32
          %parallel_loop3A_396 = arith.addi %parallel_loop3A_395, %parallel_loop3A_322 : i32
          %parallel_loop3A_397 = arith.index_cast %parallel_loop3A_396 : i32 to index
          %parallel_loop3A_398 = arith.constant 64 : index
          %parallel_loop3A_399 = tpu.vector_load %arg12[%parallel_loop3A_397, %parallel_loop3A_398] {strides = array<i32>} : memref<80x128xf32, #tpu.memory_space<vmem>>, vector<1x16xf32>,
          %parallel_loop3A_400 = vector.shape_cast %parallel_loop3A_399 : vector<1x16xf32> to vector<16xf32>
          %parallel_loop3A_401 = arith.index_cast %parallel_loop3A_322 : i32 to index
          %parallel_loop3A_402 = arith.constant 64 : index
          %parallel_loop3A_403 = tpu.vector_load %arg9[%parallel_loop3A_401, %parallel_loop3A_402] {strides = array<i32>} : memref<40x128xf32, #tpu.memory_space<vmem>>, vector<1x16xf32>,
          %parallel_loop3A_404 = vector.shape_cast %parallel_loop3A_403 : vector<1x16xf32> to vector<16xf32>
          %parallel_loop3A_405 = arith.mulf %parallel_loop3A_400, %parallel_loop3A_404 : vector<16xf32>
          %parallel_loop3A_406 = arith.constant 0 : i32
          %parallel_loop3A_407 = arith.addi %parallel_loop3A_406, %parallel_loop3A_322 : i32
          %parallel_loop3A_408 = arith.index_cast %parallel_loop3A_407 : i32 to index
          %parallel_loop3A_409 = arith.constant 64 : index
          %parallel_loop3A_410 = tpu.vector_load %arg12[%parallel_loop3A_408, %parallel_loop3A_409] {strides = array<i32>} : memref<80x128xf32, #tpu.memory_space<vmem>>, vector<1x16xf32>,
          %parallel_loop3A_411 = vector.shape_cast %parallel_loop3A_410 : vector<1x16xf32> to vector<16xf32>
          %parallel_loop3A_412 = vector.shape_cast %parallel_loop3A_405 : vector<16xf32> to vector<1x16xf32>
          tpu.vector_store %arg12[%parallel_loop3A_408, %parallel_loop3A_409], %parallel_loop3A_412 {strides = array<i32>} : memref<80x128xf32, #tpu.memory_space<vmem>>, vector<1x16xf32>,
          %parallel_loop3A_413 = arith.constant 0 : i32
          %parallel_loop3A_414 = arith.addi %parallel_loop3A_413, %parallel_loop3A_322 : i32
          %parallel_loop3A_415 = arith.index_cast %parallel_loop3A_414 : i32 to index
          %parallel_loop3A_416 = arith.constant 80 : index
          %parallel_loop3A_417 = tpu.vector_load %arg12[%parallel_loop3A_415, %parallel_loop3A_416] {strides = array<i32>} : memref<80x128xf32, #tpu.memory_space<vmem>>, vector<1x16xf32>,
          %parallel_loop3A_418 = vector.shape_cast %parallel_loop3A_417 : vector<1x16xf32> to vector<16xf32>
          %parallel_loop3A_419 = arith.index_cast %parallel_loop3A_322 : i32 to index
          %parallel_loop3A_420 = arith.constant 80 : index
          %parallel_loop3A_421 = tpu.vector_load %arg9[%parallel_loop3A_419, %parallel_loop3A_420] {strides = array<i32>} : memref<40x128xf32, #tpu.memory_space<vmem>>, vector<1x16xf32>,
          %parallel_loop3A_422 = vector.shape_cast %parallel_loop3A_421 : vector<1x16xf32> to vector<16xf32>
          %parallel_loop3A_423 = arith.mulf %parallel_loop3A_418, %parallel_loop3A_422 : vector<16xf32>
          %parallel_loop3A_424 = arith.constant 0 : i32
          %parallel_loop3A_425 = arith.addi %parallel_loop3A_424, %parallel_loop3A_322 : i32
          %parallel_loop3A_426 = arith.index_cast %parallel_loop3A_425 : i32 to index
          %parallel_loop3A_427 = arith.constant 80 : index
          %parallel_loop3A_428 = tpu.vector_load %arg12[%parallel_loop3A_426, %parallel_loop3A_427] {strides = array<i32>} : memref<80x128xf32, #tpu.memory_space<vmem>>, vector<1x16xf32>,
          %parallel_loop3A_429 = vector.shape_cast %parallel_loop3A_428 : vector<1x16xf32> to vector<16xf32>
          %parallel_loop3A_430 = vector.shape_cast %parallel_loop3A_423 : vector<16xf32> to vector<1x16xf32>
          tpu.vector_store %arg12[%parallel_loop3A_426, %parallel_loop3A_427], %parallel_loop3A_430 {strides = array<i32>} : memref<80x128xf32, #tpu.memory_space<vmem>>, vector<1x16xf32>,
          %parallel_loop3A_431 = arith.constant 0 : i32
          %parallel_loop3A_432 = arith.addi %parallel_loop3A_431, %parallel_loop3A_322 : i32
          %parallel_loop3A_433 = arith.index_cast %parallel_loop3A_432 : i32 to index
          %parallel_loop3A_434 = arith.constant 96 : index
          %parallel_loop3A_435 = tpu.vector_load %arg12[%parallel_loop3A_433, %parallel_loop3A_434] {strides = array<i32>} : memref<80x128xf32, #tpu.memory_space<vmem>>, vector<1x16xf32>,
          %parallel_loop3A_436 = vector.shape_cast %parallel_loop3A_435 : vector<1x16xf32> to vector<16xf32>
          %parallel_loop3A_437 = arith.index_cast %parallel_loop3A_322 : i32 to index
          %parallel_loop3A_438 = arith.constant 96 : index
          %parallel_loop3A_439 = tpu.vector_load %arg9[%parallel_loop3A_437, %parallel_loop3A_438] {strides = array<i32>} : memref<40x128xf32, #tpu.memory_space<vmem>>, vector<1x16xf32>,
          %parallel_loop3A_440 = vector.shape_cast %parallel_loop3A_439 : vector<1x16xf32> to vector<16xf32>
          %parallel_loop3A_441 = arith.mulf %parallel_loop3A_436, %parallel_loop3A_440 : vector<16xf32>
          %parallel_loop3A_442 = arith.constant 0 : i32
          %parallel_loop3A_443 = arith.addi %parallel_loop3A_442, %parallel_loop3A_322 : i32
          %parallel_loop3A_444 = arith.index_cast %parallel_loop3A_443 : i32 to index
          %parallel_loop3A_445 = arith.constant 96 : index
          %parallel_loop3A_446 = tpu.vector_load %arg12[%parallel_loop3A_444, %parallel_loop3A_445] {strides = array<i32>} : memref<80x128xf32, #tpu.memory_space<vmem>>, vector<1x16xf32>,
          %parallel_loop3A_447 = vector.shape_cast %parallel_loop3A_446 : vector<1x16xf32> to vector<16xf32>
          %parallel_loop3A_448 = vector.shape_cast %parallel_loop3A_441 : vector<16xf32> to vector<1x16xf32>
          tpu.vector_store %arg12[%parallel_loop3A_444, %parallel_loop3A_445], %parallel_loop3A_448 {strides = array<i32>} : memref<80x128xf32, #tpu.memory_space<vmem>>, vector<1x16xf32>,
          %parallel_loop3A_449 = arith.constant 0 : i32
          %parallel_loop3A_450 = arith.addi %parallel_loop3A_449, %parallel_loop3A_322 : i32
          %parallel_loop3A_451 = arith.index_cast %parallel_loop3A_450 : i32 to index
          %parallel_loop3A_452 = arith.constant 112 : index
          %parallel_loop3A_453 = tpu.vector_load %arg12[%parallel_loop3A_451, %parallel_loop3A_452] {strides = array<i32>} : memref<80x128xf32, #tpu.memory_space<vmem>>, vector<1x16xf32>,
          %parallel_loop3A_454 = vector.shape_cast %parallel_loop3A_453 : vector<1x16xf32> to vector<16xf32>
          %parallel_loop3A_455 = arith.index_cast %parallel_loop3A_322 : i32 to index
          %parallel_loop3A_456 = arith.constant 112 : index
          %parallel_loop3A_457 = tpu.vector_load %arg9[%parallel_loop3A_455, %parallel_loop3A_456] {strides = array<i32>} : memref<40x128xf32, #tpu.memory_space<vmem>>, vector<1x16xf32>,
          %parallel_loop3A_458 = vector.shape_cast %parallel_loop3A_457 : vector<1x16xf32> to vector<16xf32>
          %parallel_loop3A_459 = arith.mulf %parallel_loop3A_454, %parallel_loop3A_458 : vector<16xf32>
          %parallel_loop3A_460 = arith.constant 0 : i32
          %parallel_loop3A_461 = arith.addi %parallel_loop3A_460, %parallel_loop3A_322 : i32
          %parallel_loop3A_462 = arith.index_cast %parallel_loop3A_461 : i32 to index
          %parallel_loop3A_463 = arith.constant 112 : index
          %parallel_loop3A_464 = tpu.vector_load %arg12[%parallel_loop3A_462, %parallel_loop3A_463] {strides = array<i32>} : memref<80x128xf32, #tpu.memory_space<vmem>>, vector<1x16xf32>,
          %parallel_loop3A_465 = vector.shape_cast %parallel_loop3A_464 : vector<1x16xf32> to vector<16xf32>
          %parallel_loop3A_466 = vector.shape_cast %parallel_loop3A_459 : vector<16xf32> to vector<1x16xf32>
          tpu.vector_store %arg12[%parallel_loop3A_462, %parallel_loop3A_463], %parallel_loop3A_466 {strides = array<i32>} : memref<80x128xf32, #tpu.memory_space<vmem>>, vector<1x16xf32>,
        } {sc.loop_unroll_factor = 2 : i64, sc.parallel_access}
        %add3A_287 = arith.constant 1 : i32
        %add3A_288 = arith.addi %add3A_247, %add3A_287 : i32
        %dma_start3A_289 = arith.constant 0 : i32
        %dma_start3A_290 = arith.constant 0 : i32
        %dma_start3A_291 = tpu.memref_slice %arg7[%add3A_288, %dma_start3A_289, %dma_start3A_290] : memref<25x2x40xi32, #tpu.memory_space<vmem>> -> memref<1x1x40xi32, #tpu.memory_space<vmem>>
        %dma_start3A_292 = tpu.memref_squeeze %dma_start3A_291 : memref<1x1x40xi32, #tpu.memory_space<vmem>> -> memref<40xi32, #tpu.memory_space<vmem>>
        %dma_start3A_293 = arith.constant 0 : i32
        %dma_start3A_294 = arith.constant 0 : i32
        %dma_start3A_295 = tpu.memref_slice %arg4[%dma_start3A_293, %dma_start3A_294] : memref<10000x128xf32, #tpu.memory_space<hbm>> -> memref<10000x128xf32, #tpu.memory_space<hbm>>
        tpu.enqueue_indirect_dma source(%dma_start3A_295 : memref<10000x128xf32, #tpu.memory_space<hbm>>) target(%arg9 : memref<40x128xf32, #tpu.memory_space<vmem>>) offsets(%dma_start3A_292 : memref<40xi32, #tpu.memory_space<vmem>>) semaphore(%arg14 : memref<!tpu.dma_semaphore, #tpu.memory_space<semaphore_mem>>)
        %dma_wait3A_296 = arith.constant 1 : i32
        %dma_wait3A_297 = arith.constant 0 : i32
        %dma_wait3A_298 = tpu.memref_slice %arg7[%add3A_247, %dma_wait3A_296, %dma_wait3A_297] : memref<25x2x40xi32, #tpu.memory_space<vmem>> -> memref<1x1x40xi32, #tpu.memory_space<vmem>>
        %dma_wait3A_299 = tpu.memref_squeeze %dma_wait3A_298 : memref<1x1x40xi32, #tpu.memory_space<vmem>> -> memref<40xi32, #tpu.memory_space<vmem>>
        %dma_wait3A_300 = arith.constant 0 : i32
        %dma_wait3A_301 = arith.constant 0 : i32
        %dma_wait3A_302 = tpu.memref_slice %arg4[%dma_wait3A_300, %dma_wait3A_301] : memref<10000x128xf32, #tpu.memory_space<hbm>> -> memref<10000x128xf32, #tpu.memory_space<hbm>>
        tpu.wait_indirect_dma semaphore(%arg15 : memref<!tpu.dma_semaphore, #tpu.memory_space<semaphore_mem>>) src(%dma_wait3A_302 : memref<10000x128xf32, #tpu.memory_space<hbm>>) dst(%arg10 : memref<40x128xf32, #tpu.memory_space<vmem>>)
        %parallel_loop3A_303 = arith.constant 0 : i32
        %parallel_loop3A_304 = arith.constant 40 : i32
        %parallel_loop3A_305 = arith.constant 1 : i32
        scf.for %parallel_loop3A_322 = %parallel_loop3A_303 to %parallel_loop3A_304 step %parallel_loop3A_305  : i32 {
          %parallel_loop3A_323 = arith.constant 40 : i32
          %parallel_loop3A_324 = arith.addi %parallel_loop3A_323, %parallel_loop3A_322 : i32
          %parallel_loop3A_325 = arith.index_cast %parallel_loop3A_324 : i32 to index
          %parallel_loop3A_326 = arith.constant 0 : index
          %parallel_loop3A_327 = tpu.vector_load %arg12[%parallel_loop3A_325, %parallel_loop3A_326] {strides = array<i32>} : memref<80x128xf32, #tpu.memory_space<vmem>>, vector<1x16xf32>,
          %parallel_loop3A_328 = vector.shape_cast %parallel_loop3A_327 : vector<1x16xf32> to vector<16xf32>
          %parallel_loop3A_329 = arith.index_cast %parallel_loop3A_322 : i32 to index
          %parallel_loop3A_330 = arith.constant 0 : index
          %parallel_loop3A_331 = tpu.vector_load %arg10[%parallel_loop3A_329, %parallel_loop3A_330] {strides = array<i32>} : memref<40x128xf32, #tpu.memory_space<vmem>>, vector<1x16xf32>,
          %parallel_loop3A_332 = vector.shape_cast %parallel_loop3A_331 : vector<1x16xf32> to vector<16xf32>
          %parallel_loop3A_333 = arith.mulf %parallel_loop3A_328, %parallel_loop3A_332 : vector<16xf32>
          %parallel_loop3A_334 = arith.constant 40 : i32
          %parallel_loop3A_335 = arith.addi %parallel_loop3A_334, %parallel_loop3A_322 : i32
          %parallel_loop3A_336 = arith.index_cast %parallel_loop3A_335 : i32 to index
          %parallel_loop3A_337 = arith.constant 0 : index
          %parallel_loop3A_338 = tpu.vector_load %arg12[%parallel_loop3A_336, %parallel_loop3A_337] {strides = array<i32>} : memref<80x128xf32, #tpu.memory_space<vmem>>, vector<1x16xf32>,
          %parallel_loop3A_339 = vector.shape_cast %parallel_loop3A_338 : vector<1x16xf32> to vector<16xf32>
          %parallel_loop3A_340 = vector.shape_cast %parallel_loop3A_333 : vector<16xf32> to vector<1x16xf32>
          tpu.vector_store %arg12[%parallel_loop3A_336, %parallel_loop3A_337], %parallel_loop3A_340 {strides = array<i32>} : memref<80x128xf32, #tpu.memory_space<vmem>>, vector<1x16xf32>,
          %parallel_loop3A_341 = arith.constant 40 : i32
          %parallel_loop3A_342 = arith.addi %parallel_loop3A_341, %parallel_loop3A_322 : i32
          %parallel_loop3A_343 = arith.index_cast %parallel_loop3A_342 : i32 to index
          %parallel_loop3A_344 = arith.constant 16 : index
          %parallel_loop3A_345 = tpu.vector_load %arg12[%parallel_loop3A_343, %parallel_loop3A_344] {strides = array<i32>} : memref<80x128xf32, #tpu.memory_space<vmem>>, vector<1x16xf32>,
          %parallel_loop3A_346 = vector.shape_cast %parallel_loop3A_345 : vector<1x16xf32> to vector<16xf32>
          %parallel_loop3A_347 = arith.index_cast %parallel_loop3A_322 : i32 to index
          %parallel_loop3A_348 = arith.constant 16 : index
          %parallel_loop3A_349 = tpu.vector_load %arg10[%parallel_loop3A_347, %parallel_loop3A_348] {strides = array<i32>} : memref<40x128xf32, #tpu.memory_space<vmem>>, vector<1x16xf32>,
          %parallel_loop3A_350 = vector.shape_cast %parallel_loop3A_349 : vector<1x16xf32> to vector<16xf32>
          %parallel_loop3A_351 = arith.mulf %parallel_loop3A_346, %parallel_loop3A_350 : vector<16xf32>
          %parallel_loop3A_352 = arith.constant 40 : i32
          %parallel_loop3A_353 = arith.addi %parallel_loop3A_352, %parallel_loop3A_322 : i32
          %parallel_loop3A_354 = arith.index_cast %parallel_loop3A_353 : i32 to index
          %parallel_loop3A_355 = arith.constant 16 : index
          %parallel_loop3A_356 = tpu.vector_load %arg12[%parallel_loop3A_354, %parallel_loop3A_355] {strides = array<i32>} : memref<80x128xf32, #tpu.memory_space<vmem>>, vector<1x16xf32>,
          %parallel_loop3A_357 = vector.shape_cast %parallel_loop3A_356 : vector<1x16xf32> to vector<16xf32>
          %parallel_loop3A_358 = vector.shape_cast %parallel_loop3A_351 : vector<16xf32> to vector<1x16xf32>
          tpu.vector_store %arg12[%parallel_loop3A_354, %parallel_loop3A_355], %parallel_loop3A_358 {strides = array<i32>} : memref<80x128xf32, #tpu.memory_space<vmem>>, vector<1x16xf32>,
          %parallel_loop3A_359 = arith.constant 40 : i32
          %parallel_loop3A_360 = arith.addi %parallel_loop3A_359, %parallel_loop3A_322 : i32
          %parallel_loop3A_361 = arith.index_cast %parallel_loop3A_360 : i32 to index
          %parallel_loop3A_362 = arith.constant 32 : index
          %parallel_loop3A_363 = tpu.vector_load %arg12[%parallel_loop3A_361, %parallel_loop3A_362] {strides = array<i32>} : memref<80x128xf32, #tpu.memory_space<vmem>>, vector<1x16xf32>,
          %parallel_loop3A_364 = vector.shape_cast %parallel_loop3A_363 : vector<1x16xf32> to vector<16xf32>
          %parallel_loop3A_365 = arith.index_cast %parallel_loop3A_322 : i32 to index
          %parallel_loop3A_366 = arith.constant 32 : index
          %parallel_loop3A_367 = tpu.vector_load %arg10[%parallel_loop3A_365, %parallel_loop3A_366] {strides = array<i32>} : memref<40x128xf32, #tpu.memory_space<vmem>>, vector<1x16xf32>,
          %parallel_loop3A_368 = vector.shape_cast %parallel_loop3A_367 : vector<1x16xf32> to vector<16xf32>
          %parallel_loop3A_369 = arith.mulf %parallel_loop3A_364, %parallel_loop3A_368 : vector<16xf32>
          %parallel_loop3A_370 = arith.constant 40 : i32
          %parallel_loop3A_371 = arith.addi %parallel_loop3A_370, %parallel_loop3A_322 : i32
          %parallel_loop3A_372 = arith.index_cast %parallel_loop3A_371 : i32 to index
          %parallel_loop3A_373 = arith.constant 32 : index
          %parallel_loop3A_374 = tpu.vector_load %arg12[%parallel_loop3A_372, %parallel_loop3A_373] {strides = array<i32>} : memref<80x128xf32, #tpu.memory_space<vmem>>, vector<1x16xf32>,
          %parallel_loop3A_375 = vector.shape_cast %parallel_loop3A_374 : vector<1x16xf32> to vector<16xf32>
          %parallel_loop3A_376 = vector.shape_cast %parallel_loop3A_369 : vector<16xf32> to vector<1x16xf32>
          tpu.vector_store %arg12[%parallel_loop3A_372, %parallel_loop3A_373], %parallel_loop3A_376 {strides = array<i32>} : memref<80x128xf32, #tpu.memory_space<vmem>>, vector<1x16xf32>,
          %parallel_loop3A_377 = arith.constant 40 : i32
          %parallel_loop3A_378 = arith.addi %parallel_loop3A_377, %parallel_loop3A_322 : i32
          %parallel_loop3A_379 = arith.index_cast %parallel_loop3A_378 : i32 to index
          %parallel_loop3A_380 = arith.constant 48 : index
          %parallel_loop3A_381 = tpu.vector_load %arg12[%parallel_loop3A_379, %parallel_loop3A_380] {strides = array<i32>} : memref<80x128xf32, #tpu.memory_space<vmem>>, vector<1x16xf32>,
          %parallel_loop3A_382 = vector.shape_cast %parallel_loop3A_381 : vector<1x16xf32> to vector<16xf32>
          %parallel_loop3A_383 = arith.index_cast %parallel_loop3A_322 : i32 to index
          %parallel_loop3A_384 = arith.constant 48 : index
          %parallel_loop3A_385 = tpu.vector_load %arg10[%parallel_loop3A_383, %parallel_loop3A_384] {strides = array<i32>} : memref<40x128xf32, #tpu.memory_space<vmem>>, vector<1x16xf32>,
          %parallel_loop3A_386 = vector.shape_cast %parallel_loop3A_385 : vector<1x16xf32> to vector<16xf32>
          %parallel_loop3A_387 = arith.mulf %parallel_loop3A_382, %parallel_loop3A_386 : vector<16xf32>
          %parallel_loop3A_388 = arith.constant 40 : i32
          %parallel_loop3A_389 = arith.addi %parallel_loop3A_388, %parallel_loop3A_322 : i32
          %parallel_loop3A_390 = arith.index_cast %parallel_loop3A_389 : i32 to index
          %parallel_loop3A_391 = arith.constant 48 : index
          %parallel_loop3A_392 = tpu.vector_load %arg12[%parallel_loop3A_390, %parallel_loop3A_391] {strides = array<i32>} : memref<80x128xf32, #tpu.memory_space<vmem>>, vector<1x16xf32>,
          %parallel_loop3A_393 = vector.shape_cast %parallel_loop3A_392 : vector<1x16xf32> to vector<16xf32>
          %parallel_loop3A_394 = vector.shape_cast %parallel_loop3A_387 : vector<16xf32> to vector<1x16xf32>
          tpu.vector_store %arg12[%parallel_loop3A_390, %parallel_loop3A_391], %parallel_loop3A_394 {strides = array<i32>} : memref<80x128xf32, #tpu.memory_space<vmem>>, vector<1x16xf32>,
          %parallel_loop3A_395 = arith.constant 40 : i32
          %parallel_loop3A_396 = arith.addi %parallel_loop3A_395, %parallel_loop3A_322 : i32
          %parallel_loop3A_397 = arith.index_cast %parallel_loop3A_396 : i32 to index
          %parallel_loop3A_398 = arith.constant 64 : index
          %parallel_loop3A_399 = tpu.vector_load %arg12[%parallel_loop3A_397, %parallel_loop3A_398] {strides = array<i32>} : memref<80x128xf32, #tpu.memory_space<vmem>>, vector<1x16xf32>,
          %parallel_loop3A_400 = vector.shape_cast %parallel_loop3A_399 : vector<1x16xf32> to vector<16xf32>
          %parallel_loop3A_401 = arith.index_cast %parallel_loop3A_322 : i32 to index
          %parallel_loop3A_402 = arith.constant 64 : index
          %parallel_loop3A_403 = tpu.vector_load %arg10[%parallel_loop3A_401, %parallel_loop3A_402] {strides = array<i32>} : memref<40x128xf32, #tpu.memory_space<vmem>>, vector<1x16xf32>,
          %parallel_loop3A_404 = vector.shape_cast %parallel_loop3A_403 : vector<1x16xf32> to vector<16xf32>
          %parallel_loop3A_405 = arith.mulf %parallel_loop3A_400, %parallel_loop3A_404 : vector<16xf32>
          %parallel_loop3A_406 = arith.constant 40 : i32
          %parallel_loop3A_407 = arith.addi %parallel_loop3A_406, %parallel_loop3A_322 : i32
          %parallel_loop3A_408 = arith.index_cast %parallel_loop3A_407 : i32 to index
          %parallel_loop3A_409 = arith.constant 64 : index
          %parallel_loop3A_410 = tpu.vector_load %arg12[%parallel_loop3A_408, %parallel_loop3A_409] {strides = array<i32>} : memref<80x128xf32, #tpu.memory_space<vmem>>, vector<1x16xf32>,
          %parallel_loop3A_411 = vector.shape_cast %parallel_loop3A_410 : vector<1x16xf32> to vector<16xf32>
          %parallel_loop3A_412 = vector.shape_cast %parallel_loop3A_405 : vector<16xf32> to vector<1x16xf32>
          tpu.vector_store %arg12[%parallel_loop3A_408, %parallel_loop3A_409], %parallel_loop3A_412 {strides = array<i32>} : memref<80x128xf32, #tpu.memory_space<vmem>>, vector<1x16xf32>,
          %parallel_loop3A_413 = arith.constant 40 : i32
          %parallel_loop3A_414 = arith.addi %parallel_loop3A_413, %parallel_loop3A_322 : i32
          %parallel_loop3A_415 = arith.index_cast %parallel_loop3A_414 : i32 to index
          %parallel_loop3A_416 = arith.constant 80 : index
          %parallel_loop3A_417 = tpu.vector_load %arg12[%parallel_loop3A_415, %parallel_loop3A_416] {strides = array<i32>} : memref<80x128xf32, #tpu.memory_space<vmem>>, vector<1x16xf32>,
          %parallel_loop3A_418 = vector.shape_cast %parallel_loop3A_417 : vector<1x16xf32> to vector<16xf32>
          %parallel_loop3A_419 = arith.index_cast %parallel_loop3A_322 : i32 to index
          %parallel_loop3A_420 = arith.constant 80 : index
          %parallel_loop3A_421 = tpu.vector_load %arg10[%parallel_loop3A_419, %parallel_loop3A_420] {strides = array<i32>} : memref<40x128xf32, #tpu.memory_space<vmem>>, vector<1x16xf32>,
          %parallel_loop3A_422 = vector.shape_cast %parallel_loop3A_421 : vector<1x16xf32> to vector<16xf32>
          %parallel_loop3A_423 = arith.mulf %parallel_loop3A_418, %parallel_loop3A_422 : vector<16xf32>
          %parallel_loop3A_424 = arith.constant 40 : i32
          %parallel_loop3A_425 = arith.addi %parallel_loop3A_424, %parallel_loop3A_322 : i32
          %parallel_loop3A_426 = arith.index_cast %parallel_loop3A_425 : i32 to index
          %parallel_loop3A_427 = arith.constant 80 : index
          %parallel_loop3A_428 = tpu.vector_load %arg12[%parallel_loop3A_426, %parallel_loop3A_427] {strides = array<i32>} : memref<80x128xf32, #tpu.memory_space<vmem>>, vector<1x16xf32>,
          %parallel_loop3A_429 = vector.shape_cast %parallel_loop3A_428 : vector<1x16xf32> to vector<16xf32>
          %parallel_loop3A_430 = vector.shape_cast %parallel_loop3A_423 : vector<16xf32> to vector<1x16xf32>
          tpu.vector_store %arg12[%parallel_loop3A_426, %parallel_loop3A_427], %parallel_loop3A_430 {strides = array<i32>} : memref<80x128xf32, #tpu.memory_space<vmem>>, vector<1x16xf32>,
          %parallel_loop3A_431 = arith.constant 40 : i32
          %parallel_loop3A_432 = arith.addi %parallel_loop3A_431, %parallel_loop3A_322 : i32
          %parallel_loop3A_433 = arith.index_cast %parallel_loop3A_432 : i32 to index
          %parallel_loop3A_434 = arith.constant 96 : index
          %parallel_loop3A_435 = tpu.vector_load %arg12[%parallel_loop3A_433, %parallel_loop3A_434] {strides = array<i32>} : memref<80x128xf32, #tpu.memory_space<vmem>>, vector<1x16xf32>,
          %parallel_loop3A_436 = vector.shape_cast %parallel_loop3A_435 : vector<1x16xf32> to vector<16xf32>
          %parallel_loop3A_437 = arith.index_cast %parallel_loop3A_322 : i32 to index
          %parallel_loop3A_438 = arith.constant 96 : index
          %parallel_loop3A_439 = tpu.vector_load %arg10[%parallel_loop3A_437, %parallel_loop3A_438] {strides = array<i32>} : memref<40x128xf32, #tpu.memory_space<vmem>>, vector<1x16xf32>,
          %parallel_loop3A_440 = vector.shape_cast %parallel_loop3A_439 : vector<1x16xf32> to vector<16xf32>
          %parallel_loop3A_441 = arith.mulf %parallel_loop3A_436, %parallel_loop3A_440 : vector<16xf32>
          %parallel_loop3A_442 = arith.constant 40 : i32
          %parallel_loop3A_443 = arith.addi %parallel_loop3A_442, %parallel_loop3A_322 : i32
          %parallel_loop3A_444 = arith.index_cast %parallel_loop3A_443 : i32 to index
          %parallel_loop3A_445 = arith.constant 96 : index
          %parallel_loop3A_446 = tpu.vector_load %arg12[%parallel_loop3A_444, %parallel_loop3A_445] {strides = array<i32>} : memref<80x128xf32, #tpu.memory_space<vmem>>, vector<1x16xf32>,
          %parallel_loop3A_447 = vector.shape_cast %parallel_loop3A_446 : vector<1x16xf32> to vector<16xf32>
          %parallel_loop3A_448 = vector.shape_cast %parallel_loop3A_441 : vector<16xf32> to vector<1x16xf32>
          tpu.vector_store %arg12[%parallel_loop3A_444, %parallel_loop3A_445], %parallel_loop3A_448 {strides = array<i32>} : memref<80x128xf32, #tpu.memory_space<vmem>>, vector<1x16xf32>,
          %parallel_loop3A_449 = arith.constant 40 : i32
          %parallel_loop3A_450 = arith.addi %parallel_loop3A_449, %parallel_loop3A_322 : i32
          %parallel_loop3A_451 = arith.index_cast %parallel_loop3A_450 : i32 to index
          %parallel_loop3A_452 = arith.constant 112 : index
          %parallel_loop3A_453 = tpu.vector_load %arg12[%parallel_loop3A_451, %parallel_loop3A_452] {strides = array<i32>} : memref<80x128xf32, #tpu.memory_space<vmem>>, vector<1x16xf32>,
          %parallel_loop3A_454 = vector.shape_cast %parallel_loop3A_453 : vector<1x16xf32> to vector<16xf32>
          %parallel_loop3A_455 = arith.index_cast %parallel_loop3A_322 : i32 to index
          %parallel_loop3A_456 = arith.constant 112 : index
          %parallel_loop3A_457 = tpu.vector_load %arg10[%parallel_loop3A_455, %parallel_loop3A_456] {strides = array<i32>} : memref<40x128xf32, #tpu.memory_space<vmem>>, vector<1x16xf32>,
          %parallel_loop3A_458 = vector.shape_cast %parallel_loop3A_457 : vector<1x16xf32> to vector<16xf32>
          %parallel_loop3A_459 = arith.mulf %parallel_loop3A_454, %parallel_loop3A_458 : vector<16xf32>
          %parallel_loop3A_460 = arith.constant 40 : i32
          %parallel_loop3A_461 = arith.addi %parallel_loop3A_460, %parallel_loop3A_322 : i32
          %parallel_loop3A_462 = arith.index_cast %parallel_loop3A_461 : i32 to index
          %parallel_loop3A_463 = arith.constant 112 : index
          %parallel_loop3A_464 = tpu.vector_load %arg12[%parallel_loop3A_462, %parallel_loop3A_463] {strides = array<i32>} : memref<80x128xf32, #tpu.memory_space<vmem>>, vector<1x16xf32>,
          %parallel_loop3A_465 = vector.shape_cast %parallel_loop3A_464 : vector<1x16xf32> to vector<16xf32>
          %parallel_loop3A_466 = vector.shape_cast %parallel_loop3A_459 : vector<16xf32> to vector<1x16xf32>
          tpu.vector_store %arg12[%parallel_loop3A_462, %parallel_loop3A_463], %parallel_loop3A_466 {strides = array<i32>} : memref<80x128xf32, #tpu.memory_space<vmem>>, vector<1x16xf32>,
        } {sc.loop_unroll_factor = 2 : i64, sc.parallel_access}
        %add3A_306 = arith.constant 1 : i32
        %add3A_307 = arith.addi %add3A_247, %add3A_306 : i32
        %dma_start3A_308 = arith.constant 1 : i32
        %dma_start3A_309 = arith.constant 0 : i32
        %dma_start3A_310 = tpu.memref_slice %arg7[%add3A_307, %dma_start3A_308, %dma_start3A_309] : memref<25x2x40xi32, #tpu.memory_space<vmem>> -> memref<1x1x40xi32, #tpu.memory_space<vmem>>
        %dma_start3A_311 = tpu.memref_squeeze %dma_start3A_310 : memref<1x1x40xi32, #tpu.memory_space<vmem>> -> memref<40xi32, #tpu.memory_space<vmem>>
        %dma_start3A_312 = arith.constant 0 : i32
        %dma_start3A_313 = arith.constant 0 : i32
        %dma_start3A_314 = tpu.memref_slice %arg4[%dma_start3A_312, %dma_start3A_313] : memref<10000x128xf32, #tpu.memory_space<hbm>> -> memref<10000x128xf32, #tpu.memory_space<hbm>>
        tpu.enqueue_indirect_dma source(%dma_start3A_314 : memref<10000x128xf32, #tpu.memory_space<hbm>>) target(%arg10 : memref<40x128xf32, #tpu.memory_space<vmem>>) offsets(%dma_start3A_311 : memref<40xi32, #tpu.memory_space<vmem>>) semaphore(%arg15 : memref<!tpu.dma_semaphore, #tpu.memory_space<semaphore_mem>>)
        %dma_start3A_315 = arith.constant 0 : i32
        %dma_start3A_316 = tpu.memref_slice %arg8[%add3A_247, %dma_start3A_315] : memref<25x80xi32, #tpu.memory_space<vmem>> -> memref<1x80xi32, #tpu.memory_space<vmem>>
        %dma_start3A_317 = tpu.memref_squeeze %dma_start3A_316 : memref<1x80xi32, #tpu.memory_space<vmem>> -> memref<80xi32, #tpu.memory_space<vmem>>
        %dma_start3A_318 = arith.constant 0 : i32
        %dma_start3A_319 = arith.constant 0 : i32
        %dma_start3A_320 = tpu.memref_slice %arg13[%dma_start3A_318, %dma_start3A_319] : memref<10240x128xf32, #tpu.memory_space<vmem_shared>> -> memref<10240x128xf32, #tpu.memory_space<vmem_shared>>
        tpu.enqueue_indirect_dma source(%arg12 : memref<80x128xf32, #tpu.memory_space<vmem>>) target(%dma_start3A_320 : memref<10240x128xf32, #tpu.memory_space<vmem_shared>>) offsets(%dma_start3A_317 : memref<80xi32, #tpu.memory_space<vmem>>) semaphore(%arg19 : memref<!tpu.dma_semaphore, #tpu.memory_space<semaphore_mem>>) {add = true}
        %scan3A_321 = arith.constant 0 : i32
        scf.yield %scan3A_321 : i32
      }
      %scan3A_116 = arith.constant 12 : i32
      %dma_wait3A = arith.constant 24 : i32
      %dma_wait3A_117 = arith.constant 0 : i32
      %dma_wait3A_118 = arith.constant 0 : i32
      %dma_wait3A_119 = tpu.memref_slice %arg7[%dma_wait3A, %dma_wait3A_117, %dma_wait3A_118] : memref<25x2x40xi32, #tpu.memory_space<vmem>> -> memref<1x1x40xi32, #tpu.memory_space<vmem>>
      %dma_wait3A_120 = tpu.memref_squeeze %dma_wait3A_119 : memref<1x1x40xi32, #tpu.memory_space<vmem>> -> memref<40xi32, #tpu.memory_space<vmem>>
      %dma_wait3A_121 = arith.constant 0 : i32
      %dma_wait3A_122 = arith.constant 0 : i32
      %dma_wait3A_123 = tpu.memref_slice %arg4[%dma_wait3A_121, %dma_wait3A_122] : memref<10000x128xf32, #tpu.memory_space<hbm>> -> memref<10000x128xf32, #tpu.memory_space<hbm>>
      tpu.wait_indirect_dma semaphore(%arg14 : memref<!tpu.dma_semaphore, #tpu.memory_space<semaphore_mem>>) src(%dma_wait3A_123 : memref<10000x128xf32, #tpu.memory_space<hbm>>) dst(%arg9 : memref<40x128xf32, #tpu.memory_space<vmem>>)
      %mul3A_124 = arith.constant 25 : i32
      %mul3A_125 = arith.muli %scan3A_82, %mul3A_124 : i32
      %add3A_126 = arith.constant 24 : i32
      %add3A_127 = arith.addi %mul3A_125, %add3A_126 : i32
      %mul3A_128 = arith.constant 80 : i32
      %mul3A_129 = arith.muli %add3A_127, %mul3A_128 : i32
      %add3A_130 = arith.addi %mul3A_2, %mul3A_129 : i32
      %dma_wait3A_131 = arith.constant 0 : i32
      %dma_wait3A_132 = tpu.memref_slice %arg5[%add3A_130, %dma_wait3A_131] : memref<320000x128xf32, #tpu.memory_space<hbm>> -> memref<80x128xf32, #tpu.memory_space<hbm>>
      %dma_wait3A_133 = arith.constant 0 : i32
      %dma_wait3A_134 = tpu.memref_slice %arg5[%add3A_130, %dma_wait3A_133] : memref<320000x128xf32, #tpu.memory_space<hbm>> -> memref<80x128xf32, #tpu.memory_space<hbm>>
      tpu.wait_dma2 semaphore(%arg16 : memref<!tpu.dma_semaphore, #tpu.memory_space<semaphore_mem>>) src(%dma_wait3A_134 : memref<80x128xf32, #tpu.memory_space<hbm>>) dst(%arg11 : memref<80x128xf32, #tpu.memory_space<vmem>>)
      %dma_wait3A_135 = arith.constant 23 : i32
      %dma_wait3A_136 = arith.constant 0 : i32
      %dma_wait3A_137 = tpu.memref_slice %arg8[%dma_wait3A_135, %dma_wait3A_136] : memref<25x80xi32, #tpu.memory_space<vmem>> -> memref<1x80xi32, #tpu.memory_space<vmem>>
      %dma_wait3A_138 = tpu.memref_squeeze %dma_wait3A_137 : memref<1x80xi32, #tpu.memory_space<vmem>> -> memref<80xi32, #tpu.memory_space<vmem>>
      %dma_wait3A_139 = arith.constant 0 : i32
      %dma_wait3A_140 = arith.constant 0 : i32
      %dma_wait3A_141 = tpu.memref_slice %arg13[%dma_wait3A_139, %dma_wait3A_140] : memref<10240x128xf32, #tpu.memory_space<vmem_shared>> -> memref<10240x128xf32, #tpu.memory_space<vmem_shared>>
      tpu.wait_indirect_dma semaphore(%arg19 : memref<!tpu.dma_semaphore, #tpu.memory_space<semaphore_mem>>) src(%arg12 : memref<80x128xf32, #tpu.memory_space<vmem>>) dst(%dma_wait3A_141 : memref<10240x128xf32, #tpu.memory_space<vmem_shared>>)
      %parallel_loop3A = arith.constant 0 : i32
      %parallel_loop3A_142 = arith.constant 40 : i32
      %parallel_loop3A_143 = arith.constant 1 : i32
      scf.for %parallel_loop3A_170 = %parallel_loop3A to %parallel_loop3A_142 step %parallel_loop3A_143  : i32 {
        %parallel_loop3A_171 = arith.constant 0 : i32
        %parallel_loop3A_172 = arith.addi %parallel_loop3A_171, %parallel_loop3A_170 : i32
        %parallel_loop3A_173 = arith.index_cast %parallel_loop3A_172 : i32 to index
        %parallel_loop3A_174 = arith.constant 0 : index
        %parallel_loop3A_175 = tpu.vector_load %arg11[%parallel_loop3A_173, %parallel_loop3A_174] {strides = array<i32>} : memref<80x128xf32, #tpu.memory_space<vmem>>, vector<1x16xf32>,
        %parallel_loop3A_176 = vector.shape_cast %parallel_loop3A_175 : vector<1x16xf32> to vector<16xf32>
        %parallel_loop3A_177 = arith.index_cast %parallel_loop3A_170 : i32 to index
        %parallel_loop3A_178 = arith.constant 0 : index
        %parallel_loop3A_179 = tpu.vector_load %arg9[%parallel_loop3A_177, %parallel_loop3A_178] {strides = array<i32>} : memref<40x128xf32, #tpu.memory_space<vmem>>, vector<1x16xf32>,
        %parallel_loop3A_180 = vector.shape_cast %parallel_loop3A_179 : vector<1x16xf32> to vector<16xf32>
        %parallel_loop3A_181 = arith.mulf %parallel_loop3A_176, %parallel_loop3A_180 : vector<16xf32>
        %parallel_loop3A_182 = arith.constant 0 : i32
        %parallel_loop3A_183 = arith.addi %parallel_loop3A_182, %parallel_loop3A_170 : i32
        %parallel_loop3A_184 = arith.index_cast %parallel_loop3A_183 : i32 to index
        %parallel_loop3A_185 = arith.constant 0 : index
        %parallel_loop3A_186 = tpu.vector_load %arg11[%parallel_loop3A_184, %parallel_loop3A_185] {strides = array<i32>} : memref<80x128xf32, #tpu.memory_space<vmem>>, vector<1x16xf32>,
        %parallel_loop3A_187 = vector.shape_cast %parallel_loop3A_186 : vector<1x16xf32> to vector<16xf32>
        %parallel_loop3A_188 = vector.shape_cast %parallel_loop3A_181 : vector<16xf32> to vector<1x16xf32>
        tpu.vector_store %arg11[%parallel_loop3A_184, %parallel_loop3A_185], %parallel_loop3A_188 {strides = array<i32>} : memref<80x128xf32, #tpu.memory_space<vmem>>, vector<1x16xf32>,
        %parallel_loop3A_189 = arith.constant 0 : i32
        %parallel_loop3A_190 = arith.addi %parallel_loop3A_189, %parallel_loop3A_170 : i32
        %parallel_loop3A_191 = arith.index_cast %parallel_loop3A_190 : i32 to index
        %parallel_loop3A_192 = arith.constant 16 : index
        %parallel_loop3A_193 = tpu.vector_load %arg11[%parallel_loop3A_191, %parallel_loop3A_192] {strides = array<i32>} : memref<80x128xf32, #tpu.memory_space<vmem>>, vector<1x16xf32>,
        %parallel_loop3A_194 = vector.shape_cast %parallel_loop3A_193 : vector<1x16xf32> to vector<16xf32>
        %parallel_loop3A_195 = arith.index_cast %parallel_loop3A_170 : i32 to index
        %parallel_loop3A_196 = arith.constant 16 : index
        %parallel_loop3A_197 = tpu.vector_load %arg9[%parallel_loop3A_195, %parallel_loop3A_196] {strides = array<i32>} : memref<40x128xf32, #tpu.memory_space<vmem>>, vector<1x16xf32>,
        %parallel_loop3A_198 = vector.shape_cast %parallel_loop3A_197 : vector<1x16xf32> to vector<16xf32>
        %parallel_loop3A_199 = arith.mulf %parallel_loop3A_194, %parallel_loop3A_198 : vector<16xf32>
        %parallel_loop3A_200 = arith.constant 0 : i32
        %parallel_loop3A_201 = arith.addi %parallel_loop3A_200, %parallel_loop3A_170 : i32
        %parallel_loop3A_202 = arith.index_cast %parallel_loop3A_201 : i32 to index
        %parallel_loop3A_203 = arith.constant 16 : index
        %parallel_loop3A_204 = tpu.vector_load %arg11[%parallel_loop3A_202, %parallel_loop3A_203] {strides = array<i32>} : memref<80x128xf32, #tpu.memory_space<vmem>>, vector<1x16xf32>,
        %parallel_loop3A_205 = vector.shape_cast %parallel_loop3A_204 : vector<1x16xf32> to vector<16xf32>
        %parallel_loop3A_206 = vector.shape_cast %parallel_loop3A_199 : vector<16xf32> to vector<1x16xf32>
        tpu.vector_store %arg11[%parallel_loop3A_202, %parallel_loop3A_203], %parallel_loop3A_206 {strides = array<i32>} : memref<80x128xf32, #tpu.memory_space<vmem>>, vector<1x16xf32>,
        %parallel_loop3A_207 = arith.constant 0 : i32
        %parallel_loop3A_208 = arith.addi %parallel_loop3A_207, %parallel_loop3A_170 : i32
        %parallel_loop3A_209 = arith.index_cast %parallel_loop3A_208 : i32 to index
        %parallel_loop3A_210 = arith.constant 32 : index
        %parallel_loop3A_211 = tpu.vector_load %arg11[%parallel_loop3A_209, %parallel_loop3A_210] {strides = array<i32>} : memref<80x128xf32, #tpu.memory_space<vmem>>, vector<1x16xf32>,
        %parallel_loop3A_212 = vector.shape_cast %parallel_loop3A_211 : vector<1x16xf32> to vector<16xf32>
        %parallel_loop3A_213 = arith.index_cast %parallel_loop3A_170 : i32 to index
        %parallel_loop3A_214 = arith.constant 32 : index
        %parallel_loop3A_215 = tpu.vector_load %arg9[%parallel_loop3A_213, %parallel_loop3A_214] {strides = array<i32>} : memref<40x128xf32, #tpu.memory_space<vmem>>, vector<1x16xf32>,
        %parallel_loop3A_216 = vector.shape_cast %parallel_loop3A_215 : vector<1x16xf32> to vector<16xf32>
        %parallel_loop3A_217 = arith.mulf %parallel_loop3A_212, %parallel_loop3A_216 : vector<16xf32>
        %parallel_loop3A_218 = arith.constant 0 : i32
        %parallel_loop3A_219 = arith.addi %parallel_loop3A_218, %parallel_loop3A_170 : i32
        %parallel_loop3A_220 = arith.index_cast %parallel_loop3A_219 : i32 to index
        %parallel_loop3A_221 = arith.constant 32 : index
        %parallel_loop3A_222 = tpu.vector_load %arg11[%parallel_loop3A_220, %parallel_loop3A_221] {strides = array<i32>} : memref<80x128xf32, #tpu.memory_space<vmem>>, vector<1x16xf32>,
        %parallel_loop3A_223 = vector.shape_cast %parallel_loop3A_222 : vector<1x16xf32> to vector<16xf32>
        %parallel_loop3A_224 = vector.shape_cast %parallel_loop3A_217 : vector<16xf32> to vector<1x16xf32>
        tpu.vector_store %arg11[%parallel_loop3A_220, %parallel_loop3A_221], %parallel_loop3A_224 {strides = array<i32>} : memref<80x128xf32, #tpu.memory_space<vmem>>, vector<1x16xf32>,
        %parallel_loop3A_225 = arith.constant 0 : i32
        %parallel_loop3A_226 = arith.addi %parallel_loop3A_225, %parallel_loop3A_170 : i32
        %parallel_loop3A_227 = arith.index_cast %parallel_loop3A_226 : i32 to index
        %parallel_loop3A_228 = arith.constant 48 : index
        %parallel_loop3A_229 = tpu.vector_load %arg11[%parallel_loop3A_227, %parallel_loop3A_228] {strides = array<i32>} : memref<80x128xf32, #tpu.memory_space<vmem>>, vector<1x16xf32>,
        %parallel_loop3A_230 = vector.shape_cast %parallel_loop3A_229 : vector<1x16xf32> to vector<16xf32>
        %parallel_loop3A_231 = arith.index_cast %parallel_loop3A_170 : i32 to index
        %parallel_loop3A_232 = arith.constant 48 : index
        %parallel_loop3A_233 = tpu.vector_load %arg9[%parallel_loop3A_231, %parallel_loop3A_232] {strides = array<i32>} : memref<40x128xf32, #tpu.memory_space<vmem>>, vector<1x16xf32>,
        %parallel_loop3A_234 = vector.shape_cast %parallel_loop3A_233 : vector<1x16xf32> to vector<16xf32>
        %parallel_loop3A_235 = arith.mulf %parallel_loop3A_230, %parallel_loop3A_234 : vector<16xf32>
        %parallel_loop3A_236 = arith.constant 0 : i32
        %parallel_loop3A_237 = arith.addi %parallel_loop3A_236, %parallel_loop3A_170 : i32
        %parallel_loop3A_238 = arith.index_cast %parallel_loop3A_237 : i32 to index
        %parallel_loop3A_239 = arith.constant 48 : index
        %parallel_loop3A_240 = tpu.vector_load %arg11[%parallel_loop3A_238, %parallel_loop3A_239] {strides = array<i32>} : memref<80x128xf32, #tpu.memory_space<vmem>>, vector<1x16xf32>,
        %parallel_loop3A_241 = vector.shape_cast %parallel_loop3A_240 : vector<1x16xf32> to vector<16xf32>
        %parallel_loop3A_242 = vector.shape_cast %parallel_loop3A_235 : vector<16xf32> to vector<1x16xf32>
        tpu.vector_store %arg11[%parallel_loop3A_238, %parallel_loop3A_239], %parallel_loop3A_242 {strides = array<i32>} : memref<80x128xf32, #tpu.memory_space<vmem>>, vector<1x16xf32>,
        %parallel_loop3A_243 = arith.constant 0 : i32
        %parallel_loop3A_244 = arith.addi %parallel_loop3A_243, %parallel_loop3A_170 : i32
        %parallel_loop3A_245 = arith.index_cast %parallel_loop3A_244 : i32 to index
        %parallel_loop3A_246 = arith.constant 64 : index
        %parallel_loop3A_247 = tpu.vector_load %arg11[%parallel_loop3A_245, %parallel_loop3A_246] {strides = array<i32>} : memref<80x128xf32, #tpu.memory_space<vmem>>, vector<1x16xf32>,
        %parallel_loop3A_248 = vector.shape_cast %parallel_loop3A_247 : vector<1x16xf32> to vector<16xf32>
        %parallel_loop3A_249 = arith.index_cast %parallel_loop3A_170 : i32 to index
        %parallel_loop3A_250 = arith.constant 64 : index
        %parallel_loop3A_251 = tpu.vector_load %arg9[%parallel_loop3A_249, %parallel_loop3A_250] {strides = array<i32>} : memref<40x128xf32, #tpu.memory_space<vmem>>, vector<1x16xf32>,
        %parallel_loop3A_252 = vector.shape_cast %parallel_loop3A_251 : vector<1x16xf32> to vector<16xf32>
        %parallel_loop3A_253 = arith.mulf %parallel_loop3A_248, %parallel_loop3A_252 : vector<16xf32>
        %parallel_loop3A_254 = arith.constant 0 : i32
        %parallel_loop3A_255 = arith.addi %parallel_loop3A_254, %parallel_loop3A_170 : i32
        %parallel_loop3A_256 = arith.index_cast %parallel_loop3A_255 : i32 to index
        %parallel_loop3A_257 = arith.constant 64 : index
        %parallel_loop3A_258 = tpu.vector_load %arg11[%parallel_loop3A_256, %parallel_loop3A_257] {strides = array<i32>} : memref<80x128xf32, #tpu.memory_space<vmem>>, vector<1x16xf32>,
        %parallel_loop3A_259 = vector.shape_cast %parallel_loop3A_258 : vector<1x16xf32> to vector<16xf32>
        %parallel_loop3A_260 = vector.shape_cast %parallel_loop3A_253 : vector<16xf32> to vector<1x16xf32>
        tpu.vector_store %arg11[%parallel_loop3A_256, %parallel_loop3A_257], %parallel_loop3A_260 {strides = array<i32>} : memref<80x128xf32, #tpu.memory_space<vmem>>, vector<1x16xf32>,
        %parallel_loop3A_261 = arith.constant 0 : i32
        %parallel_loop3A_262 = arith.addi %parallel_loop3A_261, %parallel_loop3A_170 : i32
        %parallel_loop3A_263 = arith.index_cast %parallel_loop3A_262 : i32 to index
        %parallel_loop3A_264 = arith.constant 80 : index
        %parallel_loop3A_265 = tpu.vector_load %arg11[%parallel_loop3A_263, %parallel_loop3A_264] {strides = array<i32>} : memref<80x128xf32, #tpu.memory_space<vmem>>, vector<1x16xf32>,
        %parallel_loop3A_266 = vector.shape_cast %parallel_loop3A_265 : vector<1x16xf32> to vector<16xf32>
        %parallel_loop3A_267 = arith.index_cast %parallel_loop3A_170 : i32 to index
        %parallel_loop3A_268 = arith.constant 80 : index
        %parallel_loop3A_269 = tpu.vector_load %arg9[%parallel_loop3A_267, %parallel_loop3A_268] {strides = array<i32>} : memref<40x128xf32, #tpu.memory_space<vmem>>, vector<1x16xf32>,
        %parallel_loop3A_270 = vector.shape_cast %parallel_loop3A_269 : vector<1x16xf32> to vector<16xf32>
        %parallel_loop3A_271 = arith.mulf %parallel_loop3A_266, %parallel_loop3A_270 : vector<16xf32>
        %parallel_loop3A_272 = arith.constant 0 : i32
        %parallel_loop3A_273 = arith.addi %parallel_loop3A_272, %parallel_loop3A_170 : i32
        %parallel_loop3A_274 = arith.index_cast %parallel_loop3A_273 : i32 to index
        %parallel_loop3A_275 = arith.constant 80 : index
        %parallel_loop3A_276 = tpu.vector_load %arg11[%parallel_loop3A_274, %parallel_loop3A_275] {strides = array<i32>} : memref<80x128xf32, #tpu.memory_space<vmem>>, vector<1x16xf32>,
        %parallel_loop3A_277 = vector.shape_cast %parallel_loop3A_276 : vector<1x16xf32> to vector<16xf32>
        %parallel_loop3A_278 = vector.shape_cast %parallel_loop3A_271 : vector<16xf32> to vector<1x16xf32>
        tpu.vector_store %arg11[%parallel_loop3A_274, %parallel_loop3A_275], %parallel_loop3A_278 {strides = array<i32>} : memref<80x128xf32, #tpu.memory_space<vmem>>, vector<1x16xf32>,
        %parallel_loop3A_279 = arith.constant 0 : i32
        %parallel_loop3A_280 = arith.addi %parallel_loop3A_279, %parallel_loop3A_170 : i32
        %parallel_loop3A_281 = arith.index_cast %parallel_loop3A_280 : i32 to index
        %parallel_loop3A_282 = arith.constant 96 : index
        %parallel_loop3A_283 = tpu.vector_load %arg11[%parallel_loop3A_281, %parallel_loop3A_282] {strides = array<i32>} : memref<80x128xf32, #tpu.memory_space<vmem>>, vector<1x16xf32>,
        %parallel_loop3A_284 = vector.shape_cast %parallel_loop3A_283 : vector<1x16xf32> to vector<16xf32>
        %parallel_loop3A_285 = arith.index_cast %parallel_loop3A_170 : i32 to index
        %parallel_loop3A_286 = arith.constant 96 : index
        %parallel_loop3A_287 = tpu.vector_load %arg9[%parallel_loop3A_285, %parallel_loop3A_286] {strides = array<i32>} : memref<40x128xf32, #tpu.memory_space<vmem>>, vector<1x16xf32>,
        %parallel_loop3A_288 = vector.shape_cast %parallel_loop3A_287 : vector<1x16xf32> to vector<16xf32>
        %parallel_loop3A_289 = arith.mulf %parallel_loop3A_284, %parallel_loop3A_288 : vector<16xf32>
        %parallel_loop3A_290 = arith.constant 0 : i32
        %parallel_loop3A_291 = arith.addi %parallel_loop3A_290, %parallel_loop3A_170 : i32
        %parallel_loop3A_292 = arith.index_cast %parallel_loop3A_291 : i32 to index
        %parallel_loop3A_293 = arith.constant 96 : index
        %parallel_loop3A_294 = tpu.vector_load %arg11[%parallel_loop3A_292, %parallel_loop3A_293] {strides = array<i32>} : memref<80x128xf32, #tpu.memory_space<vmem>>, vector<1x16xf32>,
        %parallel_loop3A_295 = vector.shape_cast %parallel_loop3A_294 : vector<1x16xf32> to vector<16xf32>
        %parallel_loop3A_296 = vector.shape_cast %parallel_loop3A_289 : vector<16xf32> to vector<1x16xf32>
        tpu.vector_store %arg11[%parallel_loop3A_292, %parallel_loop3A_293], %parallel_loop3A_296 {strides = array<i32>} : memref<80x128xf32, #tpu.memory_space<vmem>>, vector<1x16xf32>,
        %parallel_loop3A_297 = arith.constant 0 : i32
        %parallel_loop3A_298 = arith.addi %parallel_loop3A_297, %parallel_loop3A_170 : i32
        %parallel_loop3A_299 = arith.index_cast %parallel_loop3A_298 : i32 to index
        %parallel_loop3A_300 = arith.constant 112 : index
        %parallel_loop3A_301 = tpu.vector_load %arg11[%parallel_loop3A_299, %parallel_loop3A_300] {strides = array<i32>} : memref<80x128xf32, #tpu.memory_space<vmem>>, vector<1x16xf32>,
        %parallel_loop3A_302 = vector.shape_cast %parallel_loop3A_301 : vector<1x16xf32> to vector<16xf32>
        %parallel_loop3A_303 = arith.index_cast %parallel_loop3A_170 : i32 to index
        %parallel_loop3A_304 = arith.constant 112 : index
        %parallel_loop3A_305 = tpu.vector_load %arg9[%parallel_loop3A_303, %parallel_loop3A_304] {strides = array<i32>} : memref<40x128xf32, #tpu.memory_space<vmem>>, vector<1x16xf32>,
        %parallel_loop3A_306 = vector.shape_cast %parallel_loop3A_305 : vector<1x16xf32> to vector<16xf32>
        %parallel_loop3A_307 = arith.mulf %parallel_loop3A_302, %parallel_loop3A_306 : vector<16xf32>
        %parallel_loop3A_308 = arith.constant 0 : i32
        %parallel_loop3A_309 = arith.addi %parallel_loop3A_308, %parallel_loop3A_170 : i32
        %parallel_loop3A_310 = arith.index_cast %parallel_loop3A_309 : i32 to index
        %parallel_loop3A_311 = arith.constant 112 : index
        %parallel_loop3A_312 = tpu.vector_load %arg11[%parallel_loop3A_310, %parallel_loop3A_311] {strides = array<i32>} : memref<80x128xf32, #tpu.memory_space<vmem>>, vector<1x16xf32>,
        %parallel_loop3A_313 = vector.shape_cast %parallel_loop3A_312 : vector<1x16xf32> to vector<16xf32>
        %parallel_loop3A_314 = vector.shape_cast %parallel_loop3A_307 : vector<16xf32> to vector<1x16xf32>
        tpu.vector_store %arg11[%parallel_loop3A_310, %parallel_loop3A_311], %parallel_loop3A_314 {strides = array<i32>} : memref<80x128xf32, #tpu.memory_space<vmem>>, vector<1x16xf32>,
      } {sc.loop_unroll_factor = 2 : i64, sc.parallel_access}
      %dma_wait3A_144 = arith.constant 24 : i32
      %dma_wait3A_145 = arith.constant 1 : i32
      %dma_wait3A_146 = arith.constant 0 : i32
      %dma_wait3A_147 = tpu.memref_slice %arg7[%dma_wait3A_144, %dma_wait3A_145, %dma_wait3A_146] : memref<25x2x40xi32, #tpu.memory_space<vmem>> -> memref<1x1x40xi32, #tpu.memory_space<vmem>>
      %dma_wait3A_148 = tpu.memref_squeeze %dma_wait3A_147 : memref<1x1x40xi32, #tpu.memory_space<vmem>> -> memref<40xi32, #tpu.memory_space<vmem>>
      %dma_wait3A_149 = arith.constant 0 : i32
      %dma_wait3A_150 = arith.constant 0 : i32
      %dma_wait3A_151 = tpu.memref_slice %arg4[%dma_wait3A_149, %dma_wait3A_150] : memref<10000x128xf32, #tpu.memory_space<hbm>> -> memref<10000x128xf32, #tpu.memory_space<hbm>>
      tpu.wait_indirect_dma semaphore(%arg15 : memref<!tpu.dma_semaphore, #tpu.memory_space<semaphore_mem>>) src(%dma_wait3A_151 : memref<10000x128xf32, #tpu.memory_space<hbm>>) dst(%arg10 : memref<40x128xf32, #tpu.memory_space<vmem>>)
      %parallel_loop3A_152 = arith.constant 0 : i32
      %parallel_loop3A_153 = arith.constant 40 : i32
      %parallel_loop3A_154 = arith.constant 1 : i32
      scf.for %parallel_loop3A_170 = %parallel_loop3A_152 to %parallel_loop3A_153 step %parallel_loop3A_154  : i32 {
        %parallel_loop3A_171 = arith.constant 40 : i32
        %parallel_loop3A_172 = arith.addi %parallel_loop3A_171, %parallel_loop3A_170 : i32
        %parallel_loop3A_173 = arith.index_cast %parallel_loop3A_172 : i32 to index
        %parallel_loop3A_174 = arith.constant 0 : index
        %parallel_loop3A_175 = tpu.vector_load %arg11[%parallel_loop3A_173, %parallel_loop3A_174] {strides = array<i32>} : memref<80x128xf32, #tpu.memory_space<vmem>>, vector<1x16xf32>,
        %parallel_loop3A_176 = vector.shape_cast %parallel_loop3A_175 : vector<1x16xf32> to vector<16xf32>
        %parallel_loop3A_177 = arith.index_cast %parallel_loop3A_170 : i32 to index
        %parallel_loop3A_178 = arith.constant 0 : index
        %parallel_loop3A_179 = tpu.vector_load %arg10[%parallel_loop3A_177, %parallel_loop3A_178] {strides = array<i32>} : memref<40x128xf32, #tpu.memory_space<vmem>>, vector<1x16xf32>,
        %parallel_loop3A_180 = vector.shape_cast %parallel_loop3A_179 : vector<1x16xf32> to vector<16xf32>
        %parallel_loop3A_181 = arith.mulf %parallel_loop3A_176, %parallel_loop3A_180 : vector<16xf32>
        %parallel_loop3A_182 = arith.constant 40 : i32
        %parallel_loop3A_183 = arith.addi %parallel_loop3A_182, %parallel_loop3A_170 : i32
        %parallel_loop3A_184 = arith.index_cast %parallel_loop3A_183 : i32 to index
        %parallel_loop3A_185 = arith.constant 0 : index
        %parallel_loop3A_186 = tpu.vector_load %arg11[%parallel_loop3A_184, %parallel_loop3A_185] {strides = array<i32>} : memref<80x128xf32, #tpu.memory_space<vmem>>, vector<1x16xf32>,
        %parallel_loop3A_187 = vector.shape_cast %parallel_loop3A_186 : vector<1x16xf32> to vector<16xf32>
        %parallel_loop3A_188 = vector.shape_cast %parallel_loop3A_181 : vector<16xf32> to vector<1x16xf32>
        tpu.vector_store %arg11[%parallel_loop3A_184, %parallel_loop3A_185], %parallel_loop3A_188 {strides = array<i32>} : memref<80x128xf32, #tpu.memory_space<vmem>>, vector<1x16xf32>,
        %parallel_loop3A_189 = arith.constant 40 : i32
        %parallel_loop3A_190 = arith.addi %parallel_loop3A_189, %parallel_loop3A_170 : i32
        %parallel_loop3A_191 = arith.index_cast %parallel_loop3A_190 : i32 to index
        %parallel_loop3A_192 = arith.constant 16 : index
        %parallel_loop3A_193 = tpu.vector_load %arg11[%parallel_loop3A_191, %parallel_loop3A_192] {strides = array<i32>} : memref<80x128xf32, #tpu.memory_space<vmem>>, vector<1x16xf32>,
        %parallel_loop3A_194 = vector.shape_cast %parallel_loop3A_193 : vector<1x16xf32> to vector<16xf32>
        %parallel_loop3A_195 = arith.index_cast %parallel_loop3A_170 : i32 to index
        %parallel_loop3A_196 = arith.constant 16 : index
        %parallel_loop3A_197 = tpu.vector_load %arg10[%parallel_loop3A_195, %parallel_loop3A_196] {strides = array<i32>} : memref<40x128xf32, #tpu.memory_space<vmem>>, vector<1x16xf32>,
        %parallel_loop3A_198 = vector.shape_cast %parallel_loop3A_197 : vector<1x16xf32> to vector<16xf32>
        %parallel_loop3A_199 = arith.mulf %parallel_loop3A_194, %parallel_loop3A_198 : vector<16xf32>
        %parallel_loop3A_200 = arith.constant 40 : i32
        %parallel_loop3A_201 = arith.addi %parallel_loop3A_200, %parallel_loop3A_170 : i32
        %parallel_loop3A_202 = arith.index_cast %parallel_loop3A_201 : i32 to index
        %parallel_loop3A_203 = arith.constant 16 : index
        %parallel_loop3A_204 = tpu.vector_load %arg11[%parallel_loop3A_202, %parallel_loop3A_203] {strides = array<i32>} : memref<80x128xf32, #tpu.memory_space<vmem>>, vector<1x16xf32>,
        %parallel_loop3A_205 = vector.shape_cast %parallel_loop3A_204 : vector<1x16xf32> to vector<16xf32>
        %parallel_loop3A_206 = vector.shape_cast %parallel_loop3A_199 : vector<16xf32> to vector<1x16xf32>
        tpu.vector_store %arg11[%parallel_loop3A_202, %parallel_loop3A_203], %parallel_loop3A_206 {strides = array<i32>} : memref<80x128xf32, #tpu.memory_space<vmem>>, vector<1x16xf32>,
        %parallel_loop3A_207 = arith.constant 40 : i32
        %parallel_loop3A_208 = arith.addi %parallel_loop3A_207, %parallel_loop3A_170 : i32
        %parallel_loop3A_209 = arith.index_cast %parallel_loop3A_208 : i32 to index
        %parallel_loop3A_210 = arith.constant 32 : index
        %parallel_loop3A_211 = tpu.vector_load %arg11[%parallel_loop3A_209, %parallel_loop3A_210] {strides = array<i32>} : memref<80x128xf32, #tpu.memory_space<vmem>>, vector<1x16xf32>,
        %parallel_loop3A_212 = vector.shape_cast %parallel_loop3A_211 : vector<1x16xf32> to vector<16xf32>
        %parallel_loop3A_213 = arith.index_cast %parallel_loop3A_170 : i32 to index
        %parallel_loop3A_214 = arith.constant 32 : index
        %parallel_loop3A_215 = tpu.vector_load %arg10[%parallel_loop3A_213, %parallel_loop3A_214] {strides = array<i32>} : memref<40x128xf32, #tpu.memory_space<vmem>>, vector<1x16xf32>,
        %parallel_loop3A_216 = vector.shape_cast %parallel_loop3A_215 : vector<1x16xf32> to vector<16xf32>
        %parallel_loop3A_217 = arith.mulf %parallel_loop3A_212, %parallel_loop3A_216 : vector<16xf32>
        %parallel_loop3A_218 = arith.constant 40 : i32
        %parallel_loop3A_219 = arith.addi %parallel_loop3A_218, %parallel_loop3A_170 : i32
        %parallel_loop3A_220 = arith.index_cast %parallel_loop3A_219 : i32 to index
        %parallel_loop3A_221 = arith.constant 32 : index
        %parallel_loop3A_222 = tpu.vector_load %arg11[%parallel_loop3A_220, %parallel_loop3A_221] {strides = array<i32>} : memref<80x128xf32, #tpu.memory_space<vmem>>, vector<1x16xf32>,
        %parallel_loop3A_223 = vector.shape_cast %parallel_loop3A_222 : vector<1x16xf32> to vector<16xf32>
        %parallel_loop3A_224 = vector.shape_cast %parallel_loop3A_217 : vector<16xf32> to vector<1x16xf32>
        tpu.vector_store %arg11[%parallel_loop3A_220, %parallel_loop3A_221], %parallel_loop3A_224 {strides = array<i32>} : memref<80x128xf32, #tpu.memory_space<vmem>>, vector<1x16xf32>,
        %parallel_loop3A_225 = arith.constant 40 : i32
        %parallel_loop3A_226 = arith.addi %parallel_loop3A_225, %parallel_loop3A_170 : i32
        %parallel_loop3A_227 = arith.index_cast %parallel_loop3A_226 : i32 to index
        %parallel_loop3A_228 = arith.constant 48 : index
        %parallel_loop3A_229 = tpu.vector_load %arg11[%parallel_loop3A_227, %parallel_loop3A_228] {strides = array<i32>} : memref<80x128xf32, #tpu.memory_space<vmem>>, vector<1x16xf32>,
        %parallel_loop3A_230 = vector.shape_cast %parallel_loop3A_229 : vector<1x16xf32> to vector<16xf32>
        %parallel_loop3A_231 = arith.index_cast %parallel_loop3A_170 : i32 to index
        %parallel_loop3A_232 = arith.constant 48 : index
        %parallel_loop3A_233 = tpu.vector_load %arg10[%parallel_loop3A_231, %parallel_loop3A_232] {strides = array<i32>} : memref<40x128xf32, #tpu.memory_space<vmem>>, vector<1x16xf32>,
        %parallel_loop3A_234 = vector.shape_cast %parallel_loop3A_233 : vector<1x16xf32> to vector<16xf32>
        %parallel_loop3A_235 = arith.mulf %parallel_loop3A_230, %parallel_loop3A_234 : vector<16xf32>
        %parallel_loop3A_236 = arith.constant 40 : i32
        %parallel_loop3A_237 = arith.addi %parallel_loop3A_236, %parallel_loop3A_170 : i32
        %parallel_loop3A_238 = arith.index_cast %parallel_loop3A_237 : i32 to index
        %parallel_loop3A_239 = arith.constant 48 : index
        %parallel_loop3A_240 = tpu.vector_load %arg11[%parallel_loop3A_238, %parallel_loop3A_239] {strides = array<i32>} : memref<80x128xf32, #tpu.memory_space<vmem>>, vector<1x16xf32>,
        %parallel_loop3A_241 = vector.shape_cast %parallel_loop3A_240 : vector<1x16xf32> to vector<16xf32>
        %parallel_loop3A_242 = vector.shape_cast %parallel_loop3A_235 : vector<16xf32> to vector<1x16xf32>
        tpu.vector_store %arg11[%parallel_loop3A_238, %parallel_loop3A_239], %parallel_loop3A_242 {strides = array<i32>} : memref<80x128xf32, #tpu.memory_space<vmem>>, vector<1x16xf32>,
        %parallel_loop3A_243 = arith.constant 40 : i32
        %parallel_loop3A_244 = arith.addi %parallel_loop3A_243, %parallel_loop3A_170 : i32
        %parallel_loop3A_245 = arith.index_cast %parallel_loop3A_244 : i32 to index
        %parallel_loop3A_246 = arith.constant 64 : index
        %parallel_loop3A_247 = tpu.vector_load %arg11[%parallel_loop3A_245, %parallel_loop3A_246] {strides = array<i32>} : memref<80x128xf32, #tpu.memory_space<vmem>>, vector<1x16xf32>,
        %parallel_loop3A_248 = vector.shape_cast %parallel_loop3A_247 : vector<1x16xf32> to vector<16xf32>
        %parallel_loop3A_249 = arith.index_cast %parallel_loop3A_170 : i32 to index
        %parallel_loop3A_250 = arith.constant 64 : index
        %parallel_loop3A_251 = tpu.vector_load %arg10[%parallel_loop3A_249, %parallel_loop3A_250] {strides = array<i32>} : memref<40x128xf32, #tpu.memory_space<vmem>>, vector<1x16xf32>,
        %parallel_loop3A_252 = vector.shape_cast %parallel_loop3A_251 : vector<1x16xf32> to vector<16xf32>
        %parallel_loop3A_253 = arith.mulf %parallel_loop3A_248, %parallel_loop3A_252 : vector<16xf32>
        %parallel_loop3A_254 = arith.constant 40 : i32
        %parallel_loop3A_255 = arith.addi %parallel_loop3A_254, %parallel_loop3A_170 : i32
        %parallel_loop3A_256 = arith.index_cast %parallel_loop3A_255 : i32 to index
        %parallel_loop3A_257 = arith.constant 64 : index
        %parallel_loop3A_258 = tpu.vector_load %arg11[%parallel_loop3A_256, %parallel_loop3A_257] {strides = array<i32>} : memref<80x128xf32, #tpu.memory_space<vmem>>, vector<1x16xf32>,
        %parallel_loop3A_259 = vector.shape_cast %parallel_loop3A_258 : vector<1x16xf32> to vector<16xf32>
        %parallel_loop3A_260 = vector.shape_cast %parallel_loop3A_253 : vector<16xf32> to vector<1x16xf32>
        tpu.vector_store %arg11[%parallel_loop3A_256, %parallel_loop3A_257], %parallel_loop3A_260 {strides = array<i32>} : memref<80x128xf32, #tpu.memory_space<vmem>>, vector<1x16xf32>,
        %parallel_loop3A_261 = arith.constant 40 : i32
        %parallel_loop3A_262 = arith.addi %parallel_loop3A_261, %parallel_loop3A_170 : i32
        %parallel_loop3A_263 = arith.index_cast %parallel_loop3A_262 : i32 to index
        %parallel_loop3A_264 = arith.constant 80 : index
        %parallel_loop3A_265 = tpu.vector_load %arg11[%parallel_loop3A_263, %parallel_loop3A_264] {strides = array<i32>} : memref<80x128xf32, #tpu.memory_space<vmem>>, vector<1x16xf32>,
        %parallel_loop3A_266 = vector.shape_cast %parallel_loop3A_265 : vector<1x16xf32> to vector<16xf32>
        %parallel_loop3A_267 = arith.index_cast %parallel_loop3A_170 : i32 to index
        %parallel_loop3A_268 = arith.constant 80 : index
        %parallel_loop3A_269 = tpu.vector_load %arg10[%parallel_loop3A_267, %parallel_loop3A_268] {strides = array<i32>} : memref<40x128xf32, #tpu.memory_space<vmem>>, vector<1x16xf32>,
        %parallel_loop3A_270 = vector.shape_cast %parallel_loop3A_269 : vector<1x16xf32> to vector<16xf32>
        %parallel_loop3A_271 = arith.mulf %parallel_loop3A_266, %parallel_loop3A_270 : vector<16xf32>
        %parallel_loop3A_272 = arith.constant 40 : i32
        %parallel_loop3A_273 = arith.addi %parallel_loop3A_272, %parallel_loop3A_170 : i32
        %parallel_loop3A_274 = arith.index_cast %parallel_loop3A_273 : i32 to index
        %parallel_loop3A_275 = arith.constant 80 : index
        %parallel_loop3A_276 = tpu.vector_load %arg11[%parallel_loop3A_274, %parallel_loop3A_275] {strides = array<i32>} : memref<80x128xf32, #tpu.memory_space<vmem>>, vector<1x16xf32>,
        %parallel_loop3A_277 = vector.shape_cast %parallel_loop3A_276 : vector<1x16xf32> to vector<16xf32>
        %parallel_loop3A_278 = vector.shape_cast %parallel_loop3A_271 : vector<16xf32> to vector<1x16xf32>
        tpu.vector_store %arg11[%parallel_loop3A_274, %parallel_loop3A_275], %parallel_loop3A_278 {strides = array<i32>} : memref<80x128xf32, #tpu.memory_space<vmem>>, vector<1x16xf32>,
        %parallel_loop3A_279 = arith.constant 40 : i32
        %parallel_loop3A_280 = arith.addi %parallel_loop3A_279, %parallel_loop3A_170 : i32
        %parallel_loop3A_281 = arith.index_cast %parallel_loop3A_280 : i32 to index
        %parallel_loop3A_282 = arith.constant 96 : index
        %parallel_loop3A_283 = tpu.vector_load %arg11[%parallel_loop3A_281, %parallel_loop3A_282] {strides = array<i32>} : memref<80x128xf32, #tpu.memory_space<vmem>>, vector<1x16xf32>,
        %parallel_loop3A_284 = vector.shape_cast %parallel_loop3A_283 : vector<1x16xf32> to vector<16xf32>
        %parallel_loop3A_285 = arith.index_cast %parallel_loop3A_170 : i32 to index
        %parallel_loop3A_286 = arith.constant 96 : index
        %parallel_loop3A_287 = tpu.vector_load %arg10[%parallel_loop3A_285, %parallel_loop3A_286] {strides = array<i32>} : memref<40x128xf32, #tpu.memory_space<vmem>>, vector<1x16xf32>,
        %parallel_loop3A_288 = vector.shape_cast %parallel_loop3A_287 : vector<1x16xf32> to vector<16xf32>
        %parallel_loop3A_289 = arith.mulf %parallel_loop3A_284, %parallel_loop3A_288 : vector<16xf32>
        %parallel_loop3A_290 = arith.constant 40 : i32
        %parallel_loop3A_291 = arith.addi %parallel_loop3A_290, %parallel_loop3A_170 : i32
        %parallel_loop3A_292 = arith.index_cast %parallel_loop3A_291 : i32 to index
        %parallel_loop3A_293 = arith.constant 96 : index
        %parallel_loop3A_294 = tpu.vector_load %arg11[%parallel_loop3A_292, %parallel_loop3A_293] {strides = array<i32>} : memref<80x128xf32, #tpu.memory_space<vmem>>, vector<1x16xf32>,
        %parallel_loop3A_295 = vector.shape_cast %parallel_loop3A_294 : vector<1x16xf32> to vector<16xf32>
        %parallel_loop3A_296 = vector.shape_cast %parallel_loop3A_289 : vector<16xf32> to vector<1x16xf32>
        tpu.vector_store %arg11[%parallel_loop3A_292, %parallel_loop3A_293], %parallel_loop3A_296 {strides = array<i32>} : memref<80x128xf32, #tpu.memory_space<vmem>>, vector<1x16xf32>,
        %parallel_loop3A_297 = arith.constant 40 : i32
        %parallel_loop3A_298 = arith.addi %parallel_loop3A_297, %parallel_loop3A_170 : i32
        %parallel_loop3A_299 = arith.index_cast %parallel_loop3A_298 : i32 to index
        %parallel_loop3A_300 = arith.constant 112 : index
        %parallel_loop3A_301 = tpu.vector_load %arg11[%parallel_loop3A_299, %parallel_loop3A_300] {strides = array<i32>} : memref<80x128xf32, #tpu.memory_space<vmem>>, vector<1x16xf32>,
        %parallel_loop3A_302 = vector.shape_cast %parallel_loop3A_301 : vector<1x16xf32> to vector<16xf32>
        %parallel_loop3A_303 = arith.index_cast %parallel_loop3A_170 : i32 to index
        %parallel_loop3A_304 = arith.constant 112 : index
        %parallel_loop3A_305 = tpu.vector_load %arg10[%parallel_loop3A_303, %parallel_loop3A_304] {strides = array<i32>} : memref<40x128xf32, #tpu.memory_space<vmem>>, vector<1x16xf32>,
        %parallel_loop3A_306 = vector.shape_cast %parallel_loop3A_305 : vector<1x16xf32> to vector<16xf32>
        %parallel_loop3A_307 = arith.mulf %parallel_loop3A_302, %parallel_loop3A_306 : vector<16xf32>
        %parallel_loop3A_308 = arith.constant 40 : i32
        %parallel_loop3A_309 = arith.addi %parallel_loop3A_308, %parallel_loop3A_170 : i32
        %parallel_loop3A_310 = arith.index_cast %parallel_loop3A_309 : i32 to index
        %parallel_loop3A_311 = arith.constant 112 : index
        %parallel_loop3A_312 = tpu.vector_load %arg11[%parallel_loop3A_310, %parallel_loop3A_311] {strides = array<i32>} : memref<80x128xf32, #tpu.memory_space<vmem>>, vector<1x16xf32>,
        %parallel_loop3A_313 = vector.shape_cast %parallel_loop3A_312 : vector<1x16xf32> to vector<16xf32>
        %parallel_loop3A_314 = vector.shape_cast %parallel_loop3A_307 : vector<16xf32> to vector<1x16xf32>
        tpu.vector_store %arg11[%parallel_loop3A_310, %parallel_loop3A_311], %parallel_loop3A_314 {strides = array<i32>} : memref<80x128xf32, #tpu.memory_space<vmem>>, vector<1x16xf32>,
      } {sc.loop_unroll_factor = 2 : i64, sc.parallel_access}
      %dma_start3A_155 = arith.constant 24 : i32
      %dma_start3A_156 = arith.constant 0 : i32
      %dma_start3A_157 = tpu.memref_slice %arg8[%dma_start3A_155, %dma_start3A_156] : memref<25x80xi32, #tpu.memory_space<vmem>> -> memref<1x80xi32, #tpu.memory_space<vmem>>
      %dma_start3A_158 = tpu.memref_squeeze %dma_start3A_157 : memref<1x80xi32, #tpu.memory_space<vmem>> -> memref<80xi32, #tpu.memory_space<vmem>>
      %dma_start3A_159 = arith.constant 0 : i32
      %dma_start3A_160 = arith.constant 0 : i32
      %dma_start3A_161 = tpu.memref_slice %arg13[%dma_start3A_159, %dma_start3A_160] : memref<10240x128xf32, #tpu.memory_space<vmem_shared>> -> memref<10240x128xf32, #tpu.memory_space<vmem_shared>>
      tpu.enqueue_indirect_dma source(%arg11 : memref<80x128xf32, #tpu.memory_space<vmem>>) target(%dma_start3A_161 : memref<10240x128xf32, #tpu.memory_space<vmem_shared>>) offsets(%dma_start3A_158 : memref<80xi32, #tpu.memory_space<vmem>>) semaphore(%arg18 : memref<!tpu.dma_semaphore, #tpu.memory_space<semaphore_mem>>) {add = true}
      %dma_wait3A_162 = arith.constant 24 : i32
      %dma_wait3A_163 = arith.constant 0 : i32
      %dma_wait3A_164 = tpu.memref_slice %arg8[%dma_wait3A_162, %dma_wait3A_163] : memref<25x80xi32, #tpu.memory_space<vmem>> -> memref<1x80xi32, #tpu.memory_space<vmem>>
      %dma_wait3A_165 = tpu.memref_squeeze %dma_wait3A_164 : memref<1x80xi32, #tpu.memory_space<vmem>> -> memref<80xi32, #tpu.memory_space<vmem>>
      %dma_wait3A_166 = arith.constant 0 : i32
      %dma_wait3A_167 = arith.constant 0 : i32
      %dma_wait3A_168 = tpu.memref_slice %arg13[%dma_wait3A_166, %dma_wait3A_167] : memref<10240x128xf32, #tpu.memory_space<vmem_shared>> -> memref<10240x128xf32, #tpu.memory_space<vmem_shared>>
      tpu.wait_indirect_dma semaphore(%arg18 : memref<!tpu.dma_semaphore, #tpu.memory_space<semaphore_mem>>) src(%arg11 : memref<80x128xf32, #tpu.memory_space<vmem>>) dst(%dma_wait3A_168 : memref<10240x128xf32, #tpu.memory_space<vmem_shared>>)
      %scan3A_169 = arith.constant 0 : i32
      scf.yield %scan3A_169 : i32
    }
    %scan3A_48 = arith.constant 5 : i32
    %barrier3A_49 = arith.constant 0 : index
    tpu.barrier barrier_id(%barrier3A_49)
    %mul3A_50 = arith.constant 640 : i32
    %mul3A_51 = arith.muli %arg1, %mul3A_50 : i32
    %add3A_52 = arith.constant 0 : i32
    %add3A_53 = arith.addi %mul3A_51, %add3A_52 : i32
    "tpu.region"() ({
      %run_scoped3A = tpu.sem_alloc : memref<!tpu.dma_semaphore, #tpu.memory_space<semaphore_mem>>
      %dma_start3A = arith.constant 0 : i32
      %dma_start3A_82 = tpu.memref_slice %arg13[%add3A_53, %dma_start3A] : memref<10240x128xf32, #tpu.memory_space<vmem_shared>> -> memref<80x128xf32, #tpu.memory_space<vmem_shared>>
      %dma_start3A_83 = arith.constant 0 : i32
      %dma_start3A_84 = tpu.memref_slice %arg13[%add3A_53, %dma_start3A_83] : memref<10240x128xf32, #tpu.memory_space<vmem_shared>> -> memref<80x128xf32, #tpu.memory_space<vmem_shared>>
      tpu.enqueue_dma source(%dma_start3A_84 : memref<80x128xf32, #tpu.memory_space<vmem_shared>>) target(%arg11 : memref<80x128xf32, #tpu.memory_space<vmem>>) target_semaphore(%run_scoped3A : memref<!tpu.dma_semaphore, #tpu.memory_space<semaphore_mem>>)
      %dma_wait3A = arith.constant 0 : i32
      %dma_wait3A_85 = tpu.memref_slice %arg13[%add3A_53, %dma_wait3A] : memref<10240x128xf32, #tpu.memory_space<vmem_shared>> -> memref<80x128xf32, #tpu.memory_space<vmem_shared>>
      %dma_wait3A_86 = arith.constant 0 : i32
      %dma_wait3A_87 = tpu.memref_slice %arg13[%add3A_53, %dma_wait3A_86] : memref<10240x128xf32, #tpu.memory_space<vmem_shared>> -> memref<80x128xf32, #tpu.memory_space<vmem_shared>>
      tpu.wait_dma2 semaphore(%run_scoped3A : memref<!tpu.dma_semaphore, #tpu.memory_space<semaphore_mem>>) src(%dma_wait3A_87 : memref<80x128xf32, #tpu.memory_space<vmem_shared>>) dst(%arg11 : memref<80x128xf32, #tpu.memory_space<vmem>>)
      tpu.yield
    }) : () -> ()
    "tpu.region"() ({
      %run_scoped3A = tpu.sem_alloc : memref<!tpu.dma_semaphore, #tpu.memory_space<semaphore_mem>>
      %dma_start3A = arith.constant 0 : i32
      %dma_start3A_82 = arith.constant 0 : i32
      %dma_start3A_83 = tpu.memref_slice %arg6[%arg0, %dma_start3A, %dma_start3A_82] : memref<2x10240x128xf32, #tpu.memory_space<hbm>> -> memref<1x10240x128xf32, #tpu.memory_space<hbm>>
      %dma_start3A_84 = tpu.memref_squeeze %dma_start3A_83 : memref<1x10240x128xf32, #tpu.memory_space<hbm>> -> memref<10240x128xf32, #tpu.memory_space<hbm>>
      %dma_start3A_85 = arith.constant 0 : i32
      %dma_start3A_86 = tpu.memref_slice %dma_start3A_84[%add3A_53, %dma_start3A_85] : memref<10240x128xf32, #tpu.memory_space<hbm>> -> memref<80x128xf32, #tpu.memory_space<hbm>>
      %dma_start3A_87 = arith.constant 0 : i32
      %dma_start3A_88 = arith.constant 0 : i32
      %dma_start3A_89 = tpu.memref_slice %arg6[%arg0, %dma_start3A_87, %dma_start3A_88] : memref<2x10240x128xf32, #tpu.memory_space<hbm>> -> memref<1x10240x128xf32, #tpu.memory_space<hbm>>
      %dma_start3A_90 = tpu.memref_squeeze %dma_start3A_89 : memref<1x10240x128xf32, #tpu.memory_space<hbm>> -> memref<10240x128xf32, #tpu.memory_space<hbm>>
      %dma_start3A_91 = arith.constant 0 : i32
      %dma_start3A_92 = tpu.memref_slice %dma_start3A_90[%add3A_53, %dma_start3A_91] : memref<10240x128xf32, #tpu.memory_space<hbm>> -> memref<80x128xf32, #tpu.memory_space<hbm>>
      tpu.enqueue_dma source(%arg11 : memref<80x128xf32, #tpu.memory_space<vmem>>) target(%dma_start3A_92 : memref<80x128xf32, #tpu.memory_space<hbm>>) target_semaphore(%run_scoped3A : memref<!tpu.dma_semaphore, #tpu.memory_space<semaphore_mem>>)
      %dma_wait3A = arith.constant 0 : i32
      %dma_wait3A_93 = arith.constant 0 : i32
      %dma_wait3A_94 = tpu.memref_slice %arg6[%arg0, %dma_wait3A, %dma_wait3A_93] : memref<2x10240x128xf32, #tpu.memory_space<hbm>> -> memref<1x10240x128xf32, #tpu.memory_space<hbm>>
      %dma_wait3A_95 = tpu.memref_squeeze %dma_wait3A_94 : memref<1x10240x128xf32, #tpu.memory_space<hbm>> -> memref<10240x128xf32, #tpu.memory_space<hbm>>
      %dma_wait3A_96 = arith.constant 0 : i32
      %dma_wait3A_97 = tpu.memref_slice %dma_wait3A_95[%add3A_53, %dma_wait3A_96] : memref<10240x128xf32, #tpu.memory_space<hbm>> -> memref<80x128xf32, #tpu.memory_space<hbm>>
      %dma_wait3A_98 = arith.constant 0 : i32
      %dma_wait3A_99 = arith.constant 0 : i32
      %dma_wait3A_100 = tpu.memref_slice %arg6[%arg0, %dma_wait3A_98, %dma_wait3A_99] : memref<2x10240x128xf32, #tpu.memory_space<hbm>> -> memref<1x10240x128xf32, #tpu.memory_space<hbm>>
      %dma_wait3A_101 = tpu.memref_squeeze %dma_wait3A_100 : memref<1x10240x128xf32, #tpu.memory_space<hbm>> -> memref<10240x128xf32, #tpu.memory_space<hbm>>
      %dma_wait3A_102 = arith.constant 0 : i32
      %dma_wait3A_103 = tpu.memref_slice %dma_wait3A_101[%add3A_53, %dma_wait3A_102] : memref<10240x128xf32, #tpu.memory_space<hbm>> -> memref<80x128xf32, #tpu.memory_space<hbm>>
      tpu.wait_dma2 semaphore(%run_scoped3A : memref<!tpu.dma_semaphore, #tpu.memory_space<semaphore_mem>>) src(%arg11 : memref<80x128xf32, #tpu.memory_space<vmem>>) dst(%dma_wait3A_103 : memref<80x128xf32, #tpu.memory_space<hbm>>)
      tpu.yield
    }) : () -> ()
    %mul3A_54 = arith.constant 640 : i32
    %mul3A_55 = arith.muli %arg1, %mul3A_54 : i32
    %add3A_56 = arith.constant 80 : i32
    %add3A_57 = arith.addi %mul3A_55, %add3A_56 : i32
    "tpu.region"() ({
      %run_scoped3A = tpu.sem_alloc : memref<!tpu.dma_semaphore, #tpu.memory_space<semaphore_mem>>
      %dma_start3A = arith.constant 0 : i32
      %dma_start3A_82 = tpu.memref_slice %arg13[%add3A_57, %dma_start3A] : memref<10240x128xf32, #tpu.memory_space<vmem_shared>> -> memref<80x128xf32, #tpu.memory_space<vmem_shared>>
      %dma_start3A_83 = arith.constant 0 : i32
      %dma_start3A_84 = tpu.memref_slice %arg13[%add3A_57, %dma_start3A_83] : memref<10240x128xf32, #tpu.memory_space<vmem_shared>> -> memref<80x128xf32, #tpu.memory_space<vmem_shared>>
      tpu.enqueue_dma source(%dma_start3A_84 : memref<80x128xf32, #tpu.memory_space<vmem_shared>>) target(%arg11 : memref<80x128xf32, #tpu.memory_space<vmem>>) target_semaphore(%run_scoped3A : memref<!tpu.dma_semaphore, #tpu.memory_space<semaphore_mem>>)
      %dma_wait3A = arith.constant 0 : i32
      %dma_wait3A_85 = tpu.memref_slice %arg13[%add3A_57, %dma_wait3A] : memref<10240x128xf32, #tpu.memory_space<vmem_shared>> -> memref<80x128xf32, #tpu.memory_space<vmem_shared>>
      %dma_wait3A_86 = arith.constant 0 : i32
      %dma_wait3A_87 = tpu.memref_slice %arg13[%add3A_57, %dma_wait3A_86] : memref<10240x128xf32, #tpu.memory_space<vmem_shared>> -> memref<80x128xf32, #tpu.memory_space<vmem_shared>>
      tpu.wait_dma2 semaphore(%run_scoped3A : memref<!tpu.dma_semaphore, #tpu.memory_space<semaphore_mem>>) src(%dma_wait3A_87 : memref<80x128xf32, #tpu.memory_space<vmem_shared>>) dst(%arg11 : memref<80x128xf32, #tpu.memory_space<vmem>>)
      tpu.yield
    }) : () -> ()
    "tpu.region"() ({
      %run_scoped3A = tpu.sem_alloc : memref<!tpu.dma_semaphore, #tpu.memory_space<semaphore_mem>>
      %dma_start3A = arith.constant 0 : i32
      %dma_start3A_82 = arith.constant 0 : i32
      %dma_start3A_83 = tpu.memref_slice %arg6[%arg0, %dma_start3A, %dma_start3A_82] : memref<2x10240x128xf32, #tpu.memory_space<hbm>> -> memref<1x10240x128xf32, #tpu.memory_space<hbm>>
      %dma_start3A_84 = tpu.memref_squeeze %dma_start3A_83 : memref<1x10240x128xf32, #tpu.memory_space<hbm>> -> memref<10240x128xf32, #tpu.memory_space<hbm>>
      %dma_start3A_85 = arith.constant 0 : i32
      %dma_start3A_86 = tpu.memref_slice %dma_start3A_84[%add3A_57, %dma_start3A_85] : memref<10240x128xf32, #tpu.memory_space<hbm>> -> memref<80x128xf32, #tpu.memory_space<hbm>>
      %dma_start3A_87 = arith.constant 0 : i32
      %dma_start3A_88 = arith.constant 0 : i32
      %dma_start3A_89 = tpu.memref_slice %arg6[%arg0, %dma_start3A_87, %dma_start3A_88] : memref<2x10240x128xf32, #tpu.memory_space<hbm>> -> memref<1x10240x128xf32, #tpu.memory_space<hbm>>
      %dma_start3A_90 = tpu.memref_squeeze %dma_start3A_89 : memref<1x10240x128xf32, #tpu.memory_space<hbm>> -> memref<10240x128xf32, #tpu.memory_space<hbm>>
      %dma_start3A_91 = arith.constant 0 : i32
      %dma_start3A_92 = tpu.memref_slice %dma_start3A_90[%add3A_57, %dma_start3A_91] : memref<10240x128xf32, #tpu.memory_space<hbm>> -> memref<80x128xf32, #tpu.memory_space<hbm>>
      tpu.enqueue_dma source(%arg11 : memref<80x128xf32, #tpu.memory_space<vmem>>) target(%dma_start3A_92 : memref<80x128xf32, #tpu.memory_space<hbm>>) target_semaphore(%run_scoped3A : memref<!tpu.dma_semaphore, #tpu.memory_space<semaphore_mem>>)
      %dma_wait3A = arith.constant 0 : i32
      %dma_wait3A_93 = arith.constant 0 : i32
      %dma_wait3A_94 = tpu.memref_slice %arg6[%arg0, %dma_wait3A, %dma_wait3A_93] : memref<2x10240x128xf32, #tpu.memory_space<hbm>> -> memref<1x10240x128xf32, #tpu.memory_space<hbm>>
      %dma_wait3A_95 = tpu.memref_squeeze %dma_wait3A_94 : memref<1x10240x128xf32, #tpu.memory_space<hbm>> -> memref<10240x128xf32, #tpu.memory_space<hbm>>
      %dma_wait3A_96 = arith.constant 0 : i32
      %dma_wait3A_97 = tpu.memref_slice %dma_wait3A_95[%add3A_57, %dma_wait3A_96] : memref<10240x128xf32, #tpu.memory_space<hbm>> -> memref<80x128xf32, #tpu.memory_space<hbm>>
      %dma_wait3A_98 = arith.constant 0 : i32
      %dma_wait3A_99 = arith.constant 0 : i32
      %dma_wait3A_100 = tpu.memref_slice %arg6[%arg0, %dma_wait3A_98, %dma_wait3A_99] : memref<2x10240x128xf32, #tpu.memory_space<hbm>> -> memref<1x10240x128xf32, #tpu.memory_space<hbm>>
      %dma_wait3A_101 = tpu.memref_squeeze %dma_wait3A_100 : memref<1x10240x128xf32, #tpu.memory_space<hbm>> -> memref<10240x128xf32, #tpu.memory_space<hbm>>
      %dma_wait3A_102 = arith.constant 0 : i32
      %dma_wait3A_103 = tpu.memref_slice %dma_wait3A_101[%add3A_57, %dma_wait3A_102] : memref<10240x128xf32, #tpu.memory_space<hbm>> -> memref<80x128xf32, #tpu.memory_space<hbm>>
      tpu.wait_dma2 semaphore(%run_scoped3A : memref<!tpu.dma_semaphore, #tpu.memory_space<semaphore_mem>>) src(%arg11 : memref<80x128xf32, #tpu.memory_space<vmem>>) dst(%dma_wait3A_103 : memref<80x128xf32, #tpu.memory_space<hbm>>)
      tpu.yield
    }) : () -> ()
    %mul3A_58 = arith.constant 640 : i32
    %mul3A_59 = arith.muli %arg1, %mul3A_58 : i32
    %add3A_60 = arith.constant 160 : i32
    %add3A_61 = arith.addi %mul3A_59, %add3A_60 : i32
    "tpu.region"() ({
      %run_scoped3A = tpu.sem_alloc : memref<!tpu.dma_semaphore, #tpu.memory_space<semaphore_mem>>
      %dma_start3A = arith.constant 0 : i32
      %dma_start3A_82 = tpu.memref_slice %arg13[%add3A_61, %dma_start3A] : memref<10240x128xf32, #tpu.memory_space<vmem_shared>> -> memref<80x128xf32, #tpu.memory_space<vmem_shared>>
      %dma_start3A_83 = arith.constant 0 : i32
      %dma_start3A_84 = tpu.memref_slice %arg13[%add3A_61, %dma_start3A_83] : memref<10240x128xf32, #tpu.memory_space<vmem_shared>> -> memref<80x128xf32, #tpu.memory_space<vmem_shared>>
      tpu.enqueue_dma source(%dma_start3A_84 : memref<80x128xf32, #tpu.memory_space<vmem_shared>>) target(%arg11 : memref<80x128xf32, #tpu.memory_space<vmem>>) target_semaphore(%run_scoped3A : memref<!tpu.dma_semaphore, #tpu.memory_space<semaphore_mem>>)
      %dma_wait3A = arith.constant 0 : i32
      %dma_wait3A_85 = tpu.memref_slice %arg13[%add3A_61, %dma_wait3A] : memref<10240x128xf32, #tpu.memory_space<vmem_shared>> -> memref<80x128xf32, #tpu.memory_space<vmem_shared>>
      %dma_wait3A_86 = arith.constant 0 : i32
      %dma_wait3A_87 = tpu.memref_slice %arg13[%add3A_61, %dma_wait3A_86] : memref<10240x128xf32, #tpu.memory_space<vmem_shared>> -> memref<80x128xf32, #tpu.memory_space<vmem_shared>>
      tpu.wait_dma2 semaphore(%run_scoped3A : memref<!tpu.dma_semaphore, #tpu.memory_space<semaphore_mem>>) src(%dma_wait3A_87 : memref<80x128xf32, #tpu.memory_space<vmem_shared>>) dst(%arg11 : memref<80x128xf32, #tpu.memory_space<vmem>>)
      tpu.yield
    }) : () -> ()
    "tpu.region"() ({
      %run_scoped3A = tpu.sem_alloc : memref<!tpu.dma_semaphore, #tpu.memory_space<semaphore_mem>>
      %dma_start3A = arith.constant 0 : i32
      %dma_start3A_82 = arith.constant 0 : i32
      %dma_start3A_83 = tpu.memref_slice %arg6[%arg0, %dma_start3A, %dma_start3A_82] : memref<2x10240x128xf32, #tpu.memory_space<hbm>> -> memref<1x10240x128xf32, #tpu.memory_space<hbm>>
      %dma_start3A_84 = tpu.memref_squeeze %dma_start3A_83 : memref<1x10240x128xf32, #tpu.memory_space<hbm>> -> memref<10240x128xf32, #tpu.memory_space<hbm>>
      %dma_start3A_85 = arith.constant 0 : i32
      %dma_start3A_86 = tpu.memref_slice %dma_start3A_84[%add3A_61, %dma_start3A_85] : memref<10240x128xf32, #tpu.memory_space<hbm>> -> memref<80x128xf32, #tpu.memory_space<hbm>>
      %dma_start3A_87 = arith.constant 0 : i32
      %dma_start3A_88 = arith.constant 0 : i32
      %dma_start3A_89 = tpu.memref_slice %arg6[%arg0, %dma_start3A_87, %dma_start3A_88] : memref<2x10240x128xf32, #tpu.memory_space<hbm>> -> memref<1x10240x128xf32, #tpu.memory_space<hbm>>
      %dma_start3A_90 = tpu.memref_squeeze %dma_start3A_89 : memref<1x10240x128xf32, #tpu.memory_space<hbm>> -> memref<10240x128xf32, #tpu.memory_space<hbm>>
      %dma_start3A_91 = arith.constant 0 : i32
      %dma_start3A_92 = tpu.memref_slice %dma_start3A_90[%add3A_61, %dma_start3A_91] : memref<10240x128xf32, #tpu.memory_space<hbm>> -> memref<80x128xf32, #tpu.memory_space<hbm>>
      tpu.enqueue_dma source(%arg11 : memref<80x128xf32, #tpu.memory_space<vmem>>) target(%dma_start3A_92 : memref<80x128xf32, #tpu.memory_space<hbm>>) target_semaphore(%run_scoped3A : memref<!tpu.dma_semaphore, #tpu.memory_space<semaphore_mem>>)
      %dma_wait3A = arith.constant 0 : i32
      %dma_wait3A_93 = arith.constant 0 : i32
      %dma_wait3A_94 = tpu.memref_slice %arg6[%arg0, %dma_wait3A, %dma_wait3A_93] : memref<2x10240x128xf32, #tpu.memory_space<hbm>> -> memref<1x10240x128xf32, #tpu.memory_space<hbm>>
      %dma_wait3A_95 = tpu.memref_squeeze %dma_wait3A_94 : memref<1x10240x128xf32, #tpu.memory_space<hbm>> -> memref<10240x128xf32, #tpu.memory_space<hbm>>
      %dma_wait3A_96 = arith.constant 0 : i32
      %dma_wait3A_97 = tpu.memref_slice %dma_wait3A_95[%add3A_61, %dma_wait3A_96] : memref<10240x128xf32, #tpu.memory_space<hbm>> -> memref<80x128xf32, #tpu.memory_space<hbm>>
      %dma_wait3A_98 = arith.constant 0 : i32
      %dma_wait3A_99 = arith.constant 0 : i32
      %dma_wait3A_100 = tpu.memref_slice %arg6[%arg0, %dma_wait3A_98, %dma_wait3A_99] : memref<2x10240x128xf32, #tpu.memory_space<hbm>> -> memref<1x10240x128xf32, #tpu.memory_space<hbm>>
      %dma_wait3A_101 = tpu.memref_squeeze %dma_wait3A_100 : memref<1x10240x128xf32, #tpu.memory_space<hbm>> -> memref<10240x128xf32, #tpu.memory_space<hbm>>
      %dma_wait3A_102 = arith.constant 0 : i32
      %dma_wait3A_103 = tpu.memref_slice %dma_wait3A_101[%add3A_61, %dma_wait3A_102] : memref<10240x128xf32, #tpu.memory_space<hbm>> -> memref<80x128xf32, #tpu.memory_space<hbm>>
      tpu.wait_dma2 semaphore(%run_scoped3A : memref<!tpu.dma_semaphore, #tpu.memory_space<semaphore_mem>>) src(%arg11 : memref<80x128xf32, #tpu.memory_space<vmem>>) dst(%dma_wait3A_103 : memref<80x128xf32, #tpu.memory_space<hbm>>)
      tpu.yield
    }) : () -> ()
    %mul3A_62 = arith.constant 640 : i32
    %mul3A_63 = arith.muli %arg1, %mul3A_62 : i32
    %add3A_64 = arith.constant 240 : i32
    %add3A_65 = arith.addi %mul3A_63, %add3A_64 : i32
    "tpu.region"() ({
      %run_scoped3A = tpu.sem_alloc : memref<!tpu.dma_semaphore, #tpu.memory_space<semaphore_mem>>
      %dma_start3A = arith.constant 0 : i32
      %dma_start3A_82 = tpu.memref_slice %arg13[%add3A_65, %dma_start3A] : memref<10240x128xf32, #tpu.memory_space<vmem_shared>> -> memref<80x128xf32, #tpu.memory_space<vmem_shared>>
      %dma_start3A_83 = arith.constant 0 : i32
      %dma_start3A_84 = tpu.memref_slice %arg13[%add3A_65, %dma_start3A_83] : memref<10240x128xf32, #tpu.memory_space<vmem_shared>> -> memref<80x128xf32, #tpu.memory_space<vmem_shared>>
      tpu.enqueue_dma source(%dma_start3A_84 : memref<80x128xf32, #tpu.memory_space<vmem_shared>>) target(%arg11 : memref<80x128xf32, #tpu.memory_space<vmem>>) target_semaphore(%run_scoped3A : memref<!tpu.dma_semaphore, #tpu.memory_space<semaphore_mem>>)
      %dma_wait3A = arith.constant 0 : i32
      %dma_wait3A_85 = tpu.memref_slice %arg13[%add3A_65, %dma_wait3A] : memref<10240x128xf32, #tpu.memory_space<vmem_shared>> -> memref<80x128xf32, #tpu.memory_space<vmem_shared>>
      %dma_wait3A_86 = arith.constant 0 : i32
      %dma_wait3A_87 = tpu.memref_slice %arg13[%add3A_65, %dma_wait3A_86] : memref<10240x128xf32, #tpu.memory_space<vmem_shared>> -> memref<80x128xf32, #tpu.memory_space<vmem_shared>>
      tpu.wait_dma2 semaphore(%run_scoped3A : memref<!tpu.dma_semaphore, #tpu.memory_space<semaphore_mem>>) src(%dma_wait3A_87 : memref<80x128xf32, #tpu.memory_space<vmem_shared>>) dst(%arg11 : memref<80x128xf32, #tpu.memory_space<vmem>>)
      tpu.yield
    }) : () -> ()
    "tpu.region"() ({
      %run_scoped3A = tpu.sem_alloc : memref<!tpu.dma_semaphore, #tpu.memory_space<semaphore_mem>>
      %dma_start3A = arith.constant 0 : i32
      %dma_start3A_82 = arith.constant 0 : i32
      %dma_start3A_83 = tpu.memref_slice %arg6[%arg0, %dma_start3A, %dma_start3A_82] : memref<2x10240x128xf32, #tpu.memory_space<hbm>> -> memref<1x10240x128xf32, #tpu.memory_space<hbm>>
      %dma_start3A_84 = tpu.memref_squeeze %dma_start3A_83 : memref<1x10240x128xf32, #tpu.memory_space<hbm>> -> memref<10240x128xf32, #tpu.memory_space<hbm>>
      %dma_start3A_85 = arith.constant 0 : i32
      %dma_start3A_86 = tpu.memref_slice %dma_start3A_84[%add3A_65, %dma_start3A_85] : memref<10240x128xf32, #tpu.memory_space<hbm>> -> memref<80x128xf32, #tpu.memory_space<hbm>>
      %dma_start3A_87 = arith.constant 0 : i32
      %dma_start3A_88 = arith.constant 0 : i32
      %dma_start3A_89 = tpu.memref_slice %arg6[%arg0, %dma_start3A_87, %dma_start3A_88] : memref<2x10240x128xf32, #tpu.memory_space<hbm>> -> memref<1x10240x128xf32, #tpu.memory_space<hbm>>
      %dma_start3A_90 = tpu.memref_squeeze %dma_start3A_89 : memref<1x10240x128xf32, #tpu.memory_space<hbm>> -> memref<10240x128xf32, #tpu.memory_space<hbm>>
      %dma_start3A_91 = arith.constant 0 : i32
      %dma_start3A_92 = tpu.memref_slice %dma_start3A_90[%add3A_65, %dma_start3A_91] : memref<10240x128xf32, #tpu.memory_space<hbm>> -> memref<80x128xf32, #tpu.memory_space<hbm>>
      tpu.enqueue_dma source(%arg11 : memref<80x128xf32, #tpu.memory_space<vmem>>) target(%dma_start3A_92 : memref<80x128xf32, #tpu.memory_space<hbm>>) target_semaphore(%run_scoped3A : memref<!tpu.dma_semaphore, #tpu.memory_space<semaphore_mem>>)
      %dma_wait3A = arith.constant 0 : i32
      %dma_wait3A_93 = arith.constant 0 : i32
      %dma_wait3A_94 = tpu.memref_slice %arg6[%arg0, %dma_wait3A, %dma_wait3A_93] : memref<2x10240x128xf32, #tpu.memory_space<hbm>> -> memref<1x10240x128xf32, #tpu.memory_space<hbm>>
      %dma_wait3A_95 = tpu.memref_squeeze %dma_wait3A_94 : memref<1x10240x128xf32, #tpu.memory_space<hbm>> -> memref<10240x128xf32, #tpu.memory_space<hbm>>
      %dma_wait3A_96 = arith.constant 0 : i32
      %dma_wait3A_97 = tpu.memref_slice %dma_wait3A_95[%add3A_65, %dma_wait3A_96] : memref<10240x128xf32, #tpu.memory_space<hbm>> -> memref<80x128xf32, #tpu.memory_space<hbm>>
      %dma_wait3A_98 = arith.constant 0 : i32
      %dma_wait3A_99 = arith.constant 0 : i32
      %dma_wait3A_100 = tpu.memref_slice %arg6[%arg0, %dma_wait3A_98, %dma_wait3A_99] : memref<2x10240x128xf32, #tpu.memory_space<hbm>> -> memref<1x10240x128xf32, #tpu.memory_space<hbm>>
      %dma_wait3A_101 = tpu.memref_squeeze %dma_wait3A_100 : memref<1x10240x128xf32, #tpu.memory_space<hbm>> -> memref<10240x128xf32, #tpu.memory_space<hbm>>
      %dma_wait3A_102 = arith.constant 0 : i32
      %dma_wait3A_103 = tpu.memref_slice %dma_wait3A_101[%add3A_65, %dma_wait3A_102] : memref<10240x128xf32, #tpu.memory_space<hbm>> -> memref<80x128xf32, #tpu.memory_space<hbm>>
      tpu.wait_dma2 semaphore(%run_scoped3A : memref<!tpu.dma_semaphore, #tpu.memory_space<semaphore_mem>>) src(%arg11 : memref<80x128xf32, #tpu.memory_space<vmem>>) dst(%dma_wait3A_103 : memref<80x128xf32, #tpu.memory_space<hbm>>)
      tpu.yield
    }) : () -> ()
    %mul3A_66 = arith.constant 640 : i32
    %mul3A_67 = arith.muli %arg1, %mul3A_66 : i32
    %add3A_68 = arith.constant 320 : i32
    %add3A_69 = arith.addi %mul3A_67, %add3A_68 : i32
    "tpu.region"() ({
      %run_scoped3A = tpu.sem_alloc : memref<!tpu.dma_semaphore, #tpu.memory_space<semaphore_mem>>
      %dma_start3A = arith.constant 0 : i32
      %dma_start3A_82 = tpu.memref_slice %arg13[%add3A_69, %dma_start3A] : memref<10240x128xf32, #tpu.memory_space<vmem_shared>> -> memref<80x128xf32, #tpu.memory_space<vmem_shared>>
      %dma_start3A_83 = arith.constant 0 : i32
      %dma_start3A_84 = tpu.memref_slice %arg13[%add3A_69, %dma_start3A_83] : memref<10240x128xf32, #tpu.memory_space<vmem_shared>> -> memref<80x128xf32, #tpu.memory_space<vmem_shared>>
      tpu.enqueue_dma source(%dma_start3A_84 : memref<80x128xf32, #tpu.memory_space<vmem_shared>>) target(%arg11 : memref<80x128xf32, #tpu.memory_space<vmem>>) target_semaphore(%run_scoped3A : memref<!tpu.dma_semaphore, #tpu.memory_space<semaphore_mem>>)
      %dma_wait3A = arith.constant 0 : i32
      %dma_wait3A_85 = tpu.memref_slice %arg13[%add3A_69, %dma_wait3A] : memref<10240x128xf32, #tpu.memory_space<vmem_shared>> -> memref<80x128xf32, #tpu.memory_space<vmem_shared>>
      %dma_wait3A_86 = arith.constant 0 : i32
      %dma_wait3A_87 = tpu.memref_slice %arg13[%add3A_69, %dma_wait3A_86] : memref<10240x128xf32, #tpu.memory_space<vmem_shared>> -> memref<80x128xf32, #tpu.memory_space<vmem_shared>>
      tpu.wait_dma2 semaphore(%run_scoped3A : memref<!tpu.dma_semaphore, #tpu.memory_space<semaphore_mem>>) src(%dma_wait3A_87 : memref<80x128xf32, #tpu.memory_space<vmem_shared>>) dst(%arg11 : memref<80x128xf32, #tpu.memory_space<vmem>>)
      tpu.yield
    }) : () -> ()
    "tpu.region"() ({
      %run_scoped3A = tpu.sem_alloc : memref<!tpu.dma_semaphore, #tpu.memory_space<semaphore_mem>>
      %dma_start3A = arith.constant 0 : i32
      %dma_start3A_82 = arith.constant 0 : i32
      %dma_start3A_83 = tpu.memref_slice %arg6[%arg0, %dma_start3A, %dma_start3A_82] : memref<2x10240x128xf32, #tpu.memory_space<hbm>> -> memref<1x10240x128xf32, #tpu.memory_space<hbm>>
      %dma_start3A_84 = tpu.memref_squeeze %dma_start3A_83 : memref<1x10240x128xf32, #tpu.memory_space<hbm>> -> memref<10240x128xf32, #tpu.memory_space<hbm>>
      %dma_start3A_85 = arith.constant 0 : i32
      %dma_start3A_86 = tpu.memref_slice %dma_start3A_84[%add3A_69, %dma_start3A_85] : memref<10240x128xf32, #tpu.memory_space<hbm>> -> memref<80x128xf32, #tpu.memory_space<hbm>>
      %dma_start3A_87 = arith.constant 0 : i32
      %dma_start3A_88 = arith.constant 0 : i32
      %dma_start3A_89 = tpu.memref_slice %arg6[%arg0, %dma_start3A_87, %dma_start3A_88] : memref<2x10240x128xf32, #tpu.memory_space<hbm>> -> memref<1x10240x128xf32, #tpu.memory_space<hbm>>
      %dma_start3A_90 = tpu.memref_squeeze %dma_start3A_89 : memref<1x10240x128xf32, #tpu.memory_space<hbm>> -> memref<10240x128xf32, #tpu.memory_space<hbm>>
      %dma_start3A_91 = arith.constant 0 : i32
      %dma_start3A_92 = tpu.memref_slice %dma_start3A_90[%add3A_69, %dma_start3A_91] : memref<10240x128xf32, #tpu.memory_space<hbm>> -> memref<80x128xf32, #tpu.memory_space<hbm>>
      tpu.enqueue_dma source(%arg11 : memref<80x128xf32, #tpu.memory_space<vmem>>) target(%dma_start3A_92 : memref<80x128xf32, #tpu.memory_space<hbm>>) target_semaphore(%run_scoped3A : memref<!tpu.dma_semaphore, #tpu.memory_space<semaphore_mem>>)
      %dma_wait3A = arith.constant 0 : i32
      %dma_wait3A_93 = arith.constant 0 : i32
      %dma_wait3A_94 = tpu.memref_slice %arg6[%arg0, %dma_wait3A, %dma_wait3A_93] : memref<2x10240x128xf32, #tpu.memory_space<hbm>> -> memref<1x10240x128xf32, #tpu.memory_space<hbm>>
      %dma_wait3A_95 = tpu.memref_squeeze %dma_wait3A_94 : memref<1x10240x128xf32, #tpu.memory_space<hbm>> -> memref<10240x128xf32, #tpu.memory_space<hbm>>
      %dma_wait3A_96 = arith.constant 0 : i32
      %dma_wait3A_97 = tpu.memref_slice %dma_wait3A_95[%add3A_69, %dma_wait3A_96] : memref<10240x128xf32, #tpu.memory_space<hbm>> -> memref<80x128xf32, #tpu.memory_space<hbm>>
      %dma_wait3A_98 = arith.constant 0 : i32
      %dma_wait3A_99 = arith.constant 0 : i32
      %dma_wait3A_100 = tpu.memref_slice %arg6[%arg0, %dma_wait3A_98, %dma_wait3A_99] : memref<2x10240x128xf32, #tpu.memory_space<hbm>> -> memref<1x10240x128xf32, #tpu.memory_space<hbm>>
      %dma_wait3A_101 = tpu.memref_squeeze %dma_wait3A_100 : memref<1x10240x128xf32, #tpu.memory_space<hbm>> -> memref<10240x128xf32, #tpu.memory_space<hbm>>
      %dma_wait3A_102 = arith.constant 0 : i32
      %dma_wait3A_103 = tpu.memref_slice %dma_wait3A_101[%add3A_69, %dma_wait3A_102] : memref<10240x128xf32, #tpu.memory_space<hbm>> -> memref<80x128xf32, #tpu.memory_space<hbm>>
      tpu.wait_dma2 semaphore(%run_scoped3A : memref<!tpu.dma_semaphore, #tpu.memory_space<semaphore_mem>>) src(%arg11 : memref<80x128xf32, #tpu.memory_space<vmem>>) dst(%dma_wait3A_103 : memref<80x128xf32, #tpu.memory_space<hbm>>)
      tpu.yield
    }) : () -> ()
    %mul3A_70 = arith.constant 640 : i32
    %mul3A_71 = arith.muli %arg1, %mul3A_70 : i32
    %add3A_72 = arith.constant 400 : i32
    %add3A_73 = arith.addi %mul3A_71, %add3A_72 : i32
    "tpu.region"() ({
      %run_scoped3A = tpu.sem_alloc : memref<!tpu.dma_semaphore, #tpu.memory_space<semaphore_mem>>
      %dma_start3A = arith.constant 0 : i32
      %dma_start3A_82 = tpu.memref_slice %arg13[%add3A_73, %dma_start3A] : memref<10240x128xf32, #tpu.memory_space<vmem_shared>> -> memref<80x128xf32, #tpu.memory_space<vmem_shared>>
      %dma_start3A_83 = arith.constant 0 : i32
      %dma_start3A_84 = tpu.memref_slice %arg13[%add3A_73, %dma_start3A_83] : memref<10240x128xf32, #tpu.memory_space<vmem_shared>> -> memref<80x128xf32, #tpu.memory_space<vmem_shared>>
      tpu.enqueue_dma source(%dma_start3A_84 : memref<80x128xf32, #tpu.memory_space<vmem_shared>>) target(%arg11 : memref<80x128xf32, #tpu.memory_space<vmem>>) target_semaphore(%run_scoped3A : memref<!tpu.dma_semaphore, #tpu.memory_space<semaphore_mem>>)
      %dma_wait3A = arith.constant 0 : i32
      %dma_wait3A_85 = tpu.memref_slice %arg13[%add3A_73, %dma_wait3A] : memref<10240x128xf32, #tpu.memory_space<vmem_shared>> -> memref<80x128xf32, #tpu.memory_space<vmem_shared>>
      %dma_wait3A_86 = arith.constant 0 : i32
      %dma_wait3A_87 = tpu.memref_slice %arg13[%add3A_73, %dma_wait3A_86] : memref<10240x128xf32, #tpu.memory_space<vmem_shared>> -> memref<80x128xf32, #tpu.memory_space<vmem_shared>>
      tpu.wait_dma2 semaphore(%run_scoped3A : memref<!tpu.dma_semaphore, #tpu.memory_space<semaphore_mem>>) src(%dma_wait3A_87 : memref<80x128xf32, #tpu.memory_space<vmem_shared>>) dst(%arg11 : memref<80x128xf32, #tpu.memory_space<vmem>>)
      tpu.yield
    }) : () -> ()
    "tpu.region"() ({
      %run_scoped3A = tpu.sem_alloc : memref<!tpu.dma_semaphore, #tpu.memory_space<semaphore_mem>>
      %dma_start3A = arith.constant 0 : i32
      %dma_start3A_82 = arith.constant 0 : i32
      %dma_start3A_83 = tpu.memref_slice %arg6[%arg0, %dma_start3A, %dma_start3A_82] : memref<2x10240x128xf32, #tpu.memory_space<hbm>> -> memref<1x10240x128xf32, #tpu.memory_space<hbm>>
      %dma_start3A_84 = tpu.memref_squeeze %dma_start3A_83 : memref<1x10240x128xf32, #tpu.memory_space<hbm>> -> memref<10240x128xf32, #tpu.memory_space<hbm>>
      %dma_start3A_85 = arith.constant 0 : i32
      %dma_start3A_86 = tpu.memref_slice %dma_start3A_84[%add3A_73, %dma_start3A_85] : memref<10240x128xf32, #tpu.memory_space<hbm>> -> memref<80x128xf32, #tpu.memory_space<hbm>>
      %dma_start3A_87 = arith.constant 0 : i32
      %dma_start3A_88 = arith.constant 0 : i32
      %dma_start3A_89 = tpu.memref_slice %arg6[%arg0, %dma_start3A_87, %dma_start3A_88] : memref<2x10240x128xf32, #tpu.memory_space<hbm>> -> memref<1x10240x128xf32, #tpu.memory_space<hbm>>
      %dma_start3A_90 = tpu.memref_squeeze %dma_start3A_89 : memref<1x10240x128xf32, #tpu.memory_space<hbm>> -> memref<10240x128xf32, #tpu.memory_space<hbm>>
      %dma_start3A_91 = arith.constant 0 : i32
      %dma_start3A_92 = tpu.memref_slice %dma_start3A_90[%add3A_73, %dma_start3A_91] : memref<10240x128xf32, #tpu.memory_space<hbm>> -> memref<80x128xf32, #tpu.memory_space<hbm>>
      tpu.enqueue_dma source(%arg11 : memref<80x128xf32, #tpu.memory_space<vmem>>) target(%dma_start3A_92 : memref<80x128xf32, #tpu.memory_space<hbm>>) target_semaphore(%run_scoped3A : memref<!tpu.dma_semaphore, #tpu.memory_space<semaphore_mem>>)
      %dma_wait3A = arith.constant 0 : i32
      %dma_wait3A_93 = arith.constant 0 : i32
      %dma_wait3A_94 = tpu.memref_slice %arg6[%arg0, %dma_wait3A, %dma_wait3A_93] : memref<2x10240x128xf32, #tpu.memory_space<hbm>> -> memref<1x10240x128xf32, #tpu.memory_space<hbm>>
      %dma_wait3A_95 = tpu.memref_squeeze %dma_wait3A_94 : memref<1x10240x128xf32, #tpu.memory_space<hbm>> -> memref<10240x128xf32, #tpu.memory_space<hbm>>
      %dma_wait3A_96 = arith.constant 0 : i32
      %dma_wait3A_97 = tpu.memref_slice %dma_wait3A_95[%add3A_73, %dma_wait3A_96] : memref<10240x128xf32, #tpu.memory_space<hbm>> -> memref<80x128xf32, #tpu.memory_space<hbm>>
      %dma_wait3A_98 = arith.constant 0 : i32
      %dma_wait3A_99 = arith.constant 0 : i32
      %dma_wait3A_100 = tpu.memref_slice %arg6[%arg0, %dma_wait3A_98, %dma_wait3A_99] : memref<2x10240x128xf32, #tpu.memory_space<hbm>> -> memref<1x10240x128xf32, #tpu.memory_space<hbm>>
      %dma_wait3A_101 = tpu.memref_squeeze %dma_wait3A_100 : memref<1x10240x128xf32, #tpu.memory_space<hbm>> -> memref<10240x128xf32, #tpu.memory_space<hbm>>
      %dma_wait3A_102 = arith.constant 0 : i32
      %dma_wait3A_103 = tpu.memref_slice %dma_wait3A_101[%add3A_73, %dma_wait3A_102] : memref<10240x128xf32, #tpu.memory_space<hbm>> -> memref<80x128xf32, #tpu.memory_space<hbm>>
      tpu.wait_dma2 semaphore(%run_scoped3A : memref<!tpu.dma_semaphore, #tpu.memory_space<semaphore_mem>>) src(%arg11 : memref<80x128xf32, #tpu.memory_space<vmem>>) dst(%dma_wait3A_103 : memref<80x128xf32, #tpu.memory_space<hbm>>)
      tpu.yield
    }) : () -> ()
    %mul3A_74 = arith.constant 640 : i32
    %mul3A_75 = arith.muli %arg1, %mul3A_74 : i32
    %add3A_76 = arith.constant 480 : i32
    %add3A_77 = arith.addi %mul3A_75, %add3A_76 : i32
    "tpu.region"() ({
      %run_scoped3A = tpu.sem_alloc : memref<!tpu.dma_semaphore, #tpu.memory_space<semaphore_mem>>
      %dma_start3A = arith.constant 0 : i32
      %dma_start3A_82 = tpu.memref_slice %arg13[%add3A_77, %dma_start3A] : memref<10240x128xf32, #tpu.memory_space<vmem_shared>> -> memref<80x128xf32, #tpu.memory_space<vmem_shared>>
      %dma_start3A_83 = arith.constant 0 : i32
      %dma_start3A_84 = tpu.memref_slice %arg13[%add3A_77, %dma_start3A_83] : memref<10240x128xf32, #tpu.memory_space<vmem_shared>> -> memref<80x128xf32, #tpu.memory_space<vmem_shared>>
      tpu.enqueue_dma source(%dma_start3A_84 : memref<80x128xf32, #tpu.memory_space<vmem_shared>>) target(%arg11 : memref<80x128xf32, #tpu.memory_space<vmem>>) target_semaphore(%run_scoped3A : memref<!tpu.dma_semaphore, #tpu.memory_space<semaphore_mem>>)
      %dma_wait3A = arith.constant 0 : i32
      %dma_wait3A_85 = tpu.memref_slice %arg13[%add3A_77, %dma_wait3A] : memref<10240x128xf32, #tpu.memory_space<vmem_shared>> -> memref<80x128xf32, #tpu.memory_space<vmem_shared>>
      %dma_wait3A_86 = arith.constant 0 : i32
      %dma_wait3A_87 = tpu.memref_slice %arg13[%add3A_77, %dma_wait3A_86] : memref<10240x128xf32, #tpu.memory_space<vmem_shared>> -> memref<80x128xf32, #tpu.memory_space<vmem_shared>>
      tpu.wait_dma2 semaphore(%run_scoped3A : memref<!tpu.dma_semaphore, #tpu.memory_space<semaphore_mem>>) src(%dma_wait3A_87 : memref<80x128xf32, #tpu.memory_space<vmem_shared>>) dst(%arg11 : memref<80x128xf32, #tpu.memory_space<vmem>>)
      tpu.yield
    }) : () -> ()
    "tpu.region"() ({
      %run_scoped3A = tpu.sem_alloc : memref<!tpu.dma_semaphore, #tpu.memory_space<semaphore_mem>>
      %dma_start3A = arith.constant 0 : i32
      %dma_start3A_82 = arith.constant 0 : i32
      %dma_start3A_83 = tpu.memref_slice %arg6[%arg0, %dma_start3A, %dma_start3A_82] : memref<2x10240x128xf32, #tpu.memory_space<hbm>> -> memref<1x10240x128xf32, #tpu.memory_space<hbm>>
      %dma_start3A_84 = tpu.memref_squeeze %dma_start3A_83 : memref<1x10240x128xf32, #tpu.memory_space<hbm>> -> memref<10240x128xf32, #tpu.memory_space<hbm>>
      %dma_start3A_85 = arith.constant 0 : i32
      %dma_start3A_86 = tpu.memref_slice %dma_start3A_84[%add3A_77, %dma_start3A_85] : memref<10240x128xf32, #tpu.memory_space<hbm>> -> memref<80x128xf32, #tpu.memory_space<hbm>>
      %dma_start3A_87 = arith.constant 0 : i32
      %dma_start3A_88 = arith.constant 0 : i32
      %dma_start3A_89 = tpu.memref_slice %arg6[%arg0, %dma_start3A_87, %dma_start3A_88] : memref<2x10240x128xf32, #tpu.memory_space<hbm>> -> memref<1x10240x128xf32, #tpu.memory_space<hbm>>
      %dma_start3A_90 = tpu.memref_squeeze %dma_start3A_89 : memref<1x10240x128xf32, #tpu.memory_space<hbm>> -> memref<10240x128xf32, #tpu.memory_space<hbm>>
      %dma_start3A_91 = arith.constant 0 : i32
      %dma_start3A_92 = tpu.memref_slice %dma_start3A_90[%add3A_77, %dma_start3A_91] : memref<10240x128xf32, #tpu.memory_space<hbm>> -> memref<80x128xf32, #tpu.memory_space<hbm>>
      tpu.enqueue_dma source(%arg11 : memref<80x128xf32, #tpu.memory_space<vmem>>) target(%dma_start3A_92 : memref<80x128xf32, #tpu.memory_space<hbm>>) target_semaphore(%run_scoped3A : memref<!tpu.dma_semaphore, #tpu.memory_space<semaphore_mem>>)
      %dma_wait3A = arith.constant 0 : i32
      %dma_wait3A_93 = arith.constant 0 : i32
      %dma_wait3A_94 = tpu.memref_slice %arg6[%arg0, %dma_wait3A, %dma_wait3A_93] : memref<2x10240x128xf32, #tpu.memory_space<hbm>> -> memref<1x10240x128xf32, #tpu.memory_space<hbm>>
      %dma_wait3A_95 = tpu.memref_squeeze %dma_wait3A_94 : memref<1x10240x128xf32, #tpu.memory_space<hbm>> -> memref<10240x128xf32, #tpu.memory_space<hbm>>
      %dma_wait3A_96 = arith.constant 0 : i32
      %dma_wait3A_97 = tpu.memref_slice %dma_wait3A_95[%add3A_77, %dma_wait3A_96] : memref<10240x128xf32, #tpu.memory_space<hbm>> -> memref<80x128xf32, #tpu.memory_space<hbm>>
      %dma_wait3A_98 = arith.constant 0 : i32
      %dma_wait3A_99 = arith.constant 0 : i32
      %dma_wait3A_100 = tpu.memref_slice %arg6[%arg0, %dma_wait3A_98, %dma_wait3A_99] : memref<2x10240x128xf32, #tpu.memory_space<hbm>> -> memref<1x10240x128xf32, #tpu.memory_space<hbm>>
      %dma_wait3A_101 = tpu.memref_squeeze %dma_wait3A_100 : memref<1x10240x128xf32, #tpu.memory_space<hbm>> -> memref<10240x128xf32, #tpu.memory_space<hbm>>
      %dma_wait3A_102 = arith.constant 0 : i32
      %dma_wait3A_103 = tpu.memref_slice %dma_wait3A_101[%add3A_77, %dma_wait3A_102] : memref<10240x128xf32, #tpu.memory_space<hbm>> -> memref<80x128xf32, #tpu.memory_space<hbm>>
      tpu.wait_dma2 semaphore(%run_scoped3A : memref<!tpu.dma_semaphore, #tpu.memory_space<semaphore_mem>>) src(%arg11 : memref<80x128xf32, #tpu.memory_space<vmem>>) dst(%dma_wait3A_103 : memref<80x128xf32, #tpu.memory_space<hbm>>)
      tpu.yield
    }) : () -> ()
    %mul3A_78 = arith.constant 640 : i32
    %mul3A_79 = arith.muli %arg1, %mul3A_78 : i32
    %add3A_80 = arith.constant 560 : i32
    %add3A_81 = arith.addi %mul3A_79, %add3A_80 : i32
    "tpu.region"() ({
      %run_scoped3A = tpu.sem_alloc : memref<!tpu.dma_semaphore, #tpu.memory_space<semaphore_mem>>
      %dma_start3A = arith.constant 0 : i32
      %dma_start3A_82 = tpu.memref_slice %arg13[%add3A_81, %dma_start3A] : memref<10240x128xf32, #tpu.memory_space<vmem_shared>> -> memref<80x128xf32, #tpu.memory_space<vmem_shared>>
      %dma_start3A_83 = arith.constant 0 : i32
      %dma_start3A_84 = tpu.memref_slice %arg13[%add3A_81, %dma_start3A_83] : memref<10240x128xf32, #tpu.memory_space<vmem_shared>> -> memref<80x128xf32, #tpu.memory_space<vmem_shared>>
      tpu.enqueue_dma source(%dma_start3A_84 : memref<80x128xf32, #tpu.memory_space<vmem_shared>>) target(%arg11 : memref<80x128xf32, #tpu.memory_space<vmem>>) target_semaphore(%run_scoped3A : memref<!tpu.dma_semaphore, #tpu.memory_space<semaphore_mem>>)
      %dma_wait3A = arith.constant 0 : i32
      %dma_wait3A_85 = tpu.memref_slice %arg13[%add3A_81, %dma_wait3A] : memref<10240x128xf32, #tpu.memory_space<vmem_shared>> -> memref<80x128xf32, #tpu.memory_space<vmem_shared>>
      %dma_wait3A_86 = arith.constant 0 : i32
      %dma_wait3A_87 = tpu.memref_slice %arg13[%add3A_81, %dma_wait3A_86] : memref<10240x128xf32, #tpu.memory_space<vmem_shared>> -> memref<80x128xf32, #tpu.memory_space<vmem_shared>>
      tpu.wait_dma2 semaphore(%run_scoped3A : memref<!tpu.dma_semaphore, #tpu.memory_space<semaphore_mem>>) src(%dma_wait3A_87 : memref<80x128xf32, #tpu.memory_space<vmem_shared>>) dst(%arg11 : memref<80x128xf32, #tpu.memory_space<vmem>>)
      tpu.yield
    }) : () -> ()
    "tpu.region"() ({
      %run_scoped3A = tpu.sem_alloc : memref<!tpu.dma_semaphore, #tpu.memory_space<semaphore_mem>>
      %dma_start3A = arith.constant 0 : i32
      %dma_start3A_82 = arith.constant 0 : i32
      %dma_start3A_83 = tpu.memref_slice %arg6[%arg0, %dma_start3A, %dma_start3A_82] : memref<2x10240x128xf32, #tpu.memory_space<hbm>> -> memref<1x10240x128xf32, #tpu.memory_space<hbm>>
      %dma_start3A_84 = tpu.memref_squeeze %dma_start3A_83 : memref<1x10240x128xf32, #tpu.memory_space<hbm>> -> memref<10240x128xf32, #tpu.memory_space<hbm>>
      %dma_start3A_85 = arith.constant 0 : i32
      %dma_start3A_86 = tpu.memref_slice %dma_start3A_84[%add3A_81, %dma_start3A_85] : memref<10240x128xf32, #tpu.memory_space<hbm>> -> memref<80x128xf32, #tpu.memory_space<hbm>>
      %dma_start3A_87 = arith.constant 0 : i32
      %dma_start3A_88 = arith.constant 0 : i32
      %dma_start3A_89 = tpu.memref_slice %arg6[%arg0, %dma_start3A_87, %dma_start3A_88] : memref<2x10240x128xf32, #tpu.memory_space<hbm>> -> memref<1x10240x128xf32, #tpu.memory_space<hbm>>
      %dma_start3A_90 = tpu.memref_squeeze %dma_start3A_89 : memref<1x10240x128xf32, #tpu.memory_space<hbm>> -> memref<10240x128xf32, #tpu.memory_space<hbm>>
      %dma_start3A_91 = arith.constant 0 : i32
      %dma_start3A_92 = tpu.memref_slice %dma_start3A_90[%add3A_81, %dma_start3A_91] : memref<10240x128xf32, #tpu.memory_space<hbm>> -> memref<80x128xf32, #tpu.memory_space<hbm>>
      tpu.enqueue_dma source(%arg11 : memref<80x128xf32, #tpu.memory_space<vmem>>) target(%dma_start3A_92 : memref<80x128xf32, #tpu.memory_space<hbm>>) target_semaphore(%run_scoped3A : memref<!tpu.dma_semaphore, #tpu.memory_space<semaphore_mem>>)
      %dma_wait3A = arith.constant 0 : i32
      %dma_wait3A_93 = arith.constant 0 : i32
      %dma_wait3A_94 = tpu.memref_slice %arg6[%arg0, %dma_wait3A, %dma_wait3A_93] : memref<2x10240x128xf32, #tpu.memory_space<hbm>> -> memref<1x10240x128xf32, #tpu.memory_space<hbm>>
      %dma_wait3A_95 = tpu.memref_squeeze %dma_wait3A_94 : memref<1x10240x128xf32, #tpu.memory_space<hbm>> -> memref<10240x128xf32, #tpu.memory_space<hbm>>
      %dma_wait3A_96 = arith.constant 0 : i32
      %dma_wait3A_97 = tpu.memref_slice %dma_wait3A_95[%add3A_81, %dma_wait3A_96] : memref<10240x128xf32, #tpu.memory_space<hbm>> -> memref<80x128xf32, #tpu.memory_space<hbm>>
      %dma_wait3A_98 = arith.constant 0 : i32
      %dma_wait3A_99 = arith.constant 0 : i32
      %dma_wait3A_100 = tpu.memref_slice %arg6[%arg0, %dma_wait3A_98, %dma_wait3A_99] : memref<2x10240x128xf32, #tpu.memory_space<hbm>> -> memref<1x10240x128xf32, #tpu.memory_space<hbm>>
      %dma_wait3A_101 = tpu.memref_squeeze %dma_wait3A_100 : memref<1x10240x128xf32, #tpu.memory_space<hbm>> -> memref<10240x128xf32, #tpu.memory_space<hbm>>
      %dma_wait3A_102 = arith.constant 0 : i32
      %dma_wait3A_103 = tpu.memref_slice %dma_wait3A_101[%add3A_81, %dma_wait3A_102] : memref<10240x128xf32, #tpu.memory_space<hbm>> -> memref<80x128xf32, #tpu.memory_space<hbm>>
      tpu.wait_dma2 semaphore(%run_scoped3A : memref<!tpu.dma_semaphore, #tpu.memory_space<semaphore_mem>>) src(%arg11 : memref<80x128xf32, #tpu.memory_space<vmem>>) dst(%dma_wait3A_103 : memref<80x128xf32, #tpu.memory_space<hbm>>)
      tpu.yield
    }) : () -> ()
    return
  }
}

module attributes {stable_mosaic.version = 14 : i64} {
  func.func @body(%arg0: i32, %arg1: memref<2x400x128xf32, #tpu.memory_space<vmem>>, %arg2: memref<400x128xf32, #tpu.memory_space<vmem>>, %arg3: memref<128x128xf32, #tpu.memory_space<vmem>>, %arg4: memref<128x128xf32, #tpu.memory_space<vmem>>, %arg5: memref<1x128xf32, #tpu.memory_space<vmem>>, %arg6: memref<400x128xf32, #tpu.memory_space<vmem>>) attributes {dimension_semantics = [#tpu.dimension_semantics<arbitrary>], iteration_bounds = array<i64: 25>, scalar_prefetch = 0 : i64, scratch_operands = 0 : i64, tpu.core_type = #tpu.core_type<tc>, window_params = [{transform_indices = @transform_0, window_bounds = array<i64: 2, 400, 128>}, {transform_indices = @transform_1, window_bounds = array<i64: 400, 128>}, {pipeline_mode = #tpu.pipeline_mode<synchronous>, transform_indices = @transform_2, window_bounds = array<i64: 128, 128>}, {pipeline_mode = #tpu.pipeline_mode<synchronous>, transform_indices = @transform_3, window_bounds = array<i64: 128, 128>}, {pipeline_mode = #tpu.pipeline_mode<synchronous>, transform_indices = @transform_4, window_bounds = array<i64: 1, 128>}, {transform_indices = @transform_5, window_bounds = array<i64: 400, 128>}]} {
    %get3A = arith.constant 0 : index
    %get3A_0 = arith.constant 0 : index
    %get3A_1 = arith.constant 0 : index
    %get3A_2 = vector.load %arg1[%get3A, %get3A_0, %get3A_1] : memref<2x400x128xf32, #tpu.memory_space<vmem>>, vector<1x400x128xf32>
    %get3A_3 = vector.shape_cast %get3A_2 : vector<1x400x128xf32> to vector<400x128xf32>
    %get3A_4 = arith.constant 1 : index
    %get3A_5 = arith.constant 0 : index
    %get3A_6 = arith.constant 0 : index
    %get3A_7 = vector.load %arg1[%get3A_4, %get3A_5, %get3A_6] : memref<2x400x128xf32, #tpu.memory_space<vmem>>, vector<1x400x128xf32>
    %get3A_8 = vector.shape_cast %get3A_7 : vector<1x400x128xf32> to vector<400x128xf32>
    %add3A = arith.addf %get3A_3, %get3A_8 : vector<400x128xf32>
    %get3A_9 = arith.constant 0 : index
    %get3A_10 = arith.constant 0 : index
    %get3A_11 = vector.load %arg3[%get3A_9, %get3A_10] : memref<128x128xf32, #tpu.memory_space<vmem>>, vector<128x128xf32>
    %dot_general3A = arith.constant dense<0.000000e+00> : vector<400x128xf32>
    %dot_general3A_12 = tpu.matmul %add3A, %get3A_11, %dot_general3A {dimension_numbers = #tpu.dot_dimension_numbers<[1], [0], [0], [1], [0, 0, 1, 1], [], []>, transpose_lhs_hint = false} : vector<400x128xf32>, vector<128x128xf32>, vector<400x128xf32> -> vector<400x128xf32>
    %get3A_13 = arith.constant 0 : index
    %get3A_14 = arith.constant 0 : index
    %get3A_15 = vector.load %arg2[%get3A_13, %get3A_14] : memref<400x128xf32, #tpu.memory_space<vmem>>, vector<400x128xf32>
    %get3A_16 = arith.constant 0 : index
    %get3A_17 = arith.constant 0 : index
    %get3A_18 = vector.load %arg4[%get3A_16, %get3A_17] : memref<128x128xf32, #tpu.memory_space<vmem>>, vector<128x128xf32>
    %dot_general3A_19 = arith.constant dense<0.000000e+00> : vector<400x128xf32>
    %dot_general3A_20 = tpu.matmul %get3A_15, %get3A_18, %dot_general3A_19 {dimension_numbers = #tpu.dot_dimension_numbers<[1], [0], [0], [1], [0, 0, 1, 1], [], []>, transpose_lhs_hint = false} : vector<400x128xf32>, vector<128x128xf32>, vector<400x128xf32> -> vector<400x128xf32>
    %add3A_21 = arith.addf %dot_general3A_12, %dot_general3A_20 : vector<400x128xf32>
    %get3A_22 = arith.constant 0 : index
    %get3A_23 = arith.constant 0 : index
    %get3A_24 = vector.load %arg5[%get3A_22, %get3A_23] : memref<1x128xf32, #tpu.memory_space<vmem>>, vector<1x128xf32>
    %add3A_25 = vector.broadcast %get3A_24 : vector<1x128xf32> to vector<400x128xf32>
    %add3A_26 = arith.addf %add3A_21, %add3A_25 : vector<400x128xf32>
    %swap3A = arith.constant 0 : index
    %swap3A_27 = arith.constant 0 : index
    %swap3A_28 = vector.load %arg6[%swap3A, %swap3A_27] : memref<400x128xf32, #tpu.memory_space<vmem>>, vector<400x128xf32>
    tpu.vector_store %arg6[%swap3A, %swap3A_27], %add3A_26 {strides = array<i32>} : memref<400x128xf32, #tpu.memory_space<vmem>>, vector<400x128xf32>,
    return
  }
  func.func @transform_0(%arg0: i32) -> (i32, i32, i32) {
    %c0_i32 = arith.constant 0 : i32
    %c0_i32_0 = arith.constant 0 : i32
    %c0_i32_1 = arith.constant 0 : i32
    return %c0_i32, %arg0, %c0_i32_0 : i32, i32, i32
  }
  func.func @transform_1(%arg0: i32) -> (i32, i32) {
    %c0_i32 = arith.constant 0 : i32
    %c0_i32_0 = arith.constant 0 : i32
    return %arg0, %c0_i32 : i32, i32
  }
  func.func @transform_2(%arg0: i32) -> (i32, i32) {
    %c0_i32 = arith.constant 0 : i32
    %c0_i32_0 = arith.constant 0 : i32
    %c0_i32_1 = arith.constant 0 : i32
    return %c0_i32, %c0_i32_0 : i32, i32
  }
  func.func @transform_3(%arg0: i32) -> (i32, i32) {
    %c0_i32 = arith.constant 0 : i32
    %c0_i32_0 = arith.constant 0 : i32
    %c0_i32_1 = arith.constant 0 : i32
    return %c0_i32, %c0_i32_0 : i32, i32
  }
  func.func @transform_4(%arg0: i32) -> (i32, i32) {
    %c0_i32 = arith.constant 0 : i32
    %c0_i32_0 = arith.constant 0 : i32
    %c0_i32_1 = arith.constant 0 : i32
    return %c0_i32, %c0_i32_0 : i32, i32
  }
  func.func @transform_5(%arg0: i32) -> (i32, i32) {
    %c0_i32 = arith.constant 0 : i32
    %c0_i32_0 = arith.constant 0 : i32
    return %arg0, %c0_i32 : i32, i32
  }
}

</mosaic_0001>

<sc_bundles>
// kernel: kernel.4.cloned.1.call-start
scs
__scs_entry_jumppad:
0x0: {  	(pc) =	sbr.rel $0x88, $3  }
0x1: {  	(tag) =	ssettag $0x0;
	lr =	simm.s32 $0x1  }
0x2: {  	[smem:$0x3F9B] =	sst lr;
	_ =	strace $0xD0000000  }
0x3: {  	_ = 	snop  }
0x4: {  	_ = 	snop  }
0x5: {  	_ = 	snop  }
0x6: {  	_ = 	snop  }
0x7: {  	_ = 	snop  }
__scs_overlays_trampoline_lowered:
0x8: {  	[smem:$0x3FAA] =	sst s0  }
0x9: {  	[smem:$0x3FAB] =	sst s1  }
0xa: {  	[smem:$0x3FAC] =	sst s2  }
0xb: {  	[smem:$0x3FAD] =	sst s3  }
0xc: {  	[smem:$0x3FAE] =	sst s4  }
0xd: {  	[smem:$0x3FAF] =	sst s5  }
0xe: {  	[smem:$0x3FB0] =	sst s6  }
0xf: {  	[smem:$0x3FB1] =	sst s7  }
0x10: {  	[smem:$0x3FB2] =	sst s8  }
0x11: {  	[smem:$0x3FB3] =	sst s9;
	s0 =	simm.s32 @!p0 $0x0  }
0x12: {  	s1 =	sld [smem:$0x3F99];
	s0 =	simm.s32 @p0 $0x1  }
0x13: {  	[smem:$0x3FB4] =	sst s0;
	s0 =	simm.s32 @!p1 $0x0  }
0x14: {  	s2 =	sld [smem:$0x3F98];
	s0 =	simm.s32 @p1 $0x1  }
0x15: {  	[smem:$0x3FB5] =	sst s0;
	s0 =	simm.s32 @!p2 $0x0  }
0x16: {  	s3 =	sld [smem:$0x3FDB];
	s0 =	simm.s32 @p2 $0x1  }
0x17: {  	s4 =	simm.s32 $0x1BF5;
	[smem:$0x3FB7] =	sst s0  }
0x18: {  	s0 =	sld [smem:$0x3F9A];
	_ =	swait.ge [sflag:s4], $0x0  }
0x19: {  	s7 =	sld [smem:$0x3F9B]  }
0x1a: {  	s8 =	sadd.s32 $0xFFFFE003, lr  }
0x1b: {  	s9 =	sadd.s32 $0xFFFFFEF7, lr;
	s5 =	simm.s32 $0xFFFFFFFF;
	p2 =	slt.u32 s8, $0xFFFFF086  }
0x1c: {  	p1 =	slt.u32 s9, $0xF7A;
	s5 =	simm.s32 @!p2 $0x0  }
0x1d: {  	s5 =	simm.s32 @p1 $0x1;
	p0 =	seq.s32 s7, s2  }
0x1e: {  	s7 =	smul.u32 @!p0 $0xF7A, s2;
	p2 =	seq.s32 @!p0 s5, $0x0  }
0x1f: {  	s9 =	smul.u32 $0xF7A, s1;
	s8 =	simm.s32 @!p0 $0x1BF5;
	p2 =	por !p2, p0  }
0x20: {  	[sflag:s8] =	ssyncset.s32 @!p0 $0xFFFFF086;
	s6 =	sadd.s32 @!p0 s3, s7;
	s7 =	simm.s32 @!p0 $0x108  }
0x21: {  	s3 =	sadd.s32 s3, s9;
	s6 =	sadd.s32 @!p0 $0x88, s6;
	s7 =	simm.s32 @p2 $0x1082  }
0x22: {  	[simem:s7], [sflag:s8] =	dma.local @!p0 [hbm:s6], $0xF7A  }
0x23: {  	s9 =	sor.u32 $0xD0000000, s2;
	s6 =	simm.s32 $0x108;
	_ =	swait.ge @!p0 [sflag:s8], $0x0  }
0x24: {  	s3 =	sadd.s32 $0x88, s3;
	s6 =	simm.s32 @!p1 $0x1082;
	[sflag:s4] =	ssyncset.s32 $0xFFFFF086  }
0x25: {  	[simem:s6], [sflag:s4] =	dma.local [hbm:s3], $0xF7A  }
0x26: {  	[smem:$0x3F9B] =	sst s1;
	(tag) =	ssettag s2;
	_ =	strace s9  }
0x27: {  	s1 =	sld [smem:$0x3FAB]  }
0x28: {  	s2 =	sld [smem:$0x3FAC]  }
0x29: {  	s4 =	sld [smem:$0x3FAE]  }
0x2a: {  	p0 =	seq.s32 s5, $0x0;
	s5 =	sld [smem:$0x3FAF]  }
0x2b: {  	s6 =	sld [smem:$0x3FB0]  }
0x2c: {  	s7 =	sld [smem:$0x3FB1]  }
0x2d: {  	s3 =	simm.s32 $0x108;
	s8 =	sld [smem:$0x3FB2]  }
0x2e: {  	s3 =	simm.s32 @!p0 $0x1082;
	s9 =	sld [smem:$0x3FB3]  }
0x2f: {  	lr =	sadd.s32 s0, s3;
	s0 =	sld [smem:$0x3FAA]  }
0x30: {  	s3 =	sld [smem:$0x3FAD]  }
0x31: {  	[smem:$0x3FB6] =	sst s10  }
0x32: {  	s10 =	sld [smem:$0x3FB4];
	_ =	sdelay $0x3  }
0x33: {  	p0 =	seq.s32 s10, $0x1;
	s10 =	sld [smem:$0x3FB6];
	_ =	sdelay $0x3  }
0x34: {  	[smem:$0x3FB6] =	sst s10  }
0x35: {  	s10 =	sld [smem:$0x3FB5];
	_ =	sdelay $0x3  }
0x36: {  	p1 =	seq.s32 s10, $0x1;
	s10 =	sld [smem:$0x3FB6];
	_ =	sdelay $0x3  }
0x37: {  	[smem:$0x3FB6] =	sst s10  }
0x38: {  	s10 =	sld [smem:$0x3FB7]  }
0x39: {  	_ = 	snop;
	(pc) =	sbr.ind lr, $3  }
0x3a: {  	_ = 	snop  }
0x3b: {  	_ = 	snop  }
0x3c: {  	p2 =	seq.s32 s10, $0x1;
	s10 =	sld [smem:$0x3FB6]  }
0x3d: {  	_ =	shalt  }
0x3e: {  	_ =	shalt  }
0x3f: {  	_ =	shalt  }
0x40: {  	_ =	shalt  }
0x41: {  	_ =	shalt  }
0x42: {  	_ =	shalt  }
0x43: {  	_ =	shalt  }
0x44: {  	_ =	shalt  }
0x45: {  	_ =	shalt  }
0x46: {  	_ =	shalt  }
0x47: {  	_ =	shalt  }
0x48: {  	_ =	shalt  }
0x49: {  	_ =	shalt  }
0x4a: {  	_ =	shalt  }
0x4b: {  	_ =	shalt  }
0x4c: {  	_ =	shalt  }
0x4d: {  	_ =	shalt  }
0x4e: {  	_ =	shalt  }
0x4f: {  	_ =	shalt  }
0x50: {  	_ =	shalt  }
0x51: {  	_ =	shalt  }
0x52: {  	_ =	shalt  }
0x53: {  	_ =	shalt  }
0x54: {  	_ =	shalt  }
0x55: {  	_ =	shalt  }
0x56: {  	_ =	shalt  }
0x57: {  	_ =	shalt  }
0x58: {  	_ =	shalt  }
0x59: {  	_ =	shalt  }
0x5a: {  	_ =	shalt  }
0x5b: {  	_ =	shalt  }
0x5c: {  	_ =	shalt  }
0x5d: {  	_ =	shalt  }
0x5e: {  	_ =	shalt  }
0x5f: {  	_ =	shalt  }
0x60: {  	_ =	shalt  }
0x61: {  	_ =	shalt  }
0x62: {  	_ =	shalt  }
0x63: {  	_ =	shalt  }
0x64: {  	_ =	shalt  }
0x65: {  	_ =	shalt  }
0x66: {  	_ =	shalt  }
0x67: {  	_ =	shalt  }
0x68: {  	_ =	shalt  }
0x69: {  	_ =	shalt  }
0x6a: {  	_ =	shalt  }
0x6b: {  	_ =	shalt  }
0x6c: {  	_ =	shalt  }
0x6d: {  	_ =	shalt  }
0x6e: {  	_ =	shalt  }
0x6f: {  	_ =	shalt  }
0x70: {  	_ =	shalt  }
0x71: {  	_ =	shalt  }
0x72: {  	_ =	shalt  }
0x73: {  	_ =	shalt  }
0x74: {  	_ =	shalt  }
0x75: {  	_ =	shalt  }
0x76: {  	_ =	shalt  }
0x77: {  	_ =	shalt  }
0x78: {  	_ =	shalt  }
0x79: {  	_ =	shalt  }
0x7a: {  	_ =	shalt  }
0x7b: {  	_ =	shalt  }
0x7c: {  	_ =	shalt  }
0x7d: {  	_ =	shalt  }
0x7e: {  	_ =	shalt  }
0x7f: {  	_ =	shalt  }
0x80: {  	_ =	shalt  }
0x81: {  	_ =	shalt  }
0x82: {  	_ =	shalt  }
0x83: {  	_ =	shalt  }
0x84: {  	_ =	shalt  }
0x85: {  	_ =	shalt  }
0x86: {  	_ =	shalt  }
0x87: {  	_ =	shalt  }
.Lfunc_end0:
.L_simem_size_0:
called_computation_lowered:
.L_overlay_start_0:
0x88: {  	s2 =	sld [smem:$0x3FD9]  }
0x89: {  	s3 =	sld [smem:$0x3FFE];
	_ =	sdelay $0x1  }
0x8a: {  	s1 =	srdreg.scid  }
0x8b: {  	s0 =	sand.u32 $0x1, s1  }
0x8c: {  	s17 =	sshll.u32 s0, $0xA;
	s2 =	sadd.s32 s3, s2  }
0x8d: {  	s2 =	sadd.s32 s2, s17  }
0x8e: {  	[smem:$0x3FC2] =	sst s2  }
0x8f: {  	_ = 	snop  }
0x90: {  	s2 =	sld [smem:$0x3FC9]  }
0x91: {  	s18 =	sld [smem:$0x3FC7]  }
0x92: {  	s4 =	sld [smem:$0x3FD0];
	(tm) =	ssettm $0x1  }
0x93: {  	s5 =	sld [smem:$0x3FFB];
	_ =	sdelay $0x3  }
0x94: {  	_ =	strace s5  }
0x95: {  	s5 =	sld [smem:$0x3FFC];
	_ =	sdelay $0x3  }
0x96: {  	_ =	strace s5  }
0x97: {  	s5 =	sld [smem:$0x3FFD];
	_ =	sdelay $0x3  }
0x98: {  	_ =	strace s5  }
0x99: {  	_ =	strace $0x8FFFFFFF  }
0x9a: {  	s19 =	sld [smem:$0x3FDB];
	_ =	sdelay $0x1  }
0x9b: {  	s6 =	simm.s32 $_scs_section_size  }
0x9c: {  	s7 =	simm.s32 $_size__tile_overlayer_lowered;
	s8 =	simm.s32 $_tile_overlayer_lowered  }
0x9d: {  	s22 =	simm.s32 $0x1BFF;
	s21 =	sshll.u32 s8, $0x1;
	s5 =	sadd.s32 s6, s19  }
0x9e: {  	s9 =	simm.s32 $0x0;
	s20 =	sshll.u32 s7, $0x1;
	s7 =	sadd.s32 s21, s5  }
0x9f: {  	[timem:s9], [sflag:s22] =	dma.local [hbm:s7], s20  }
0xa0: {  	_ =	swait.ge [sflag:s22], s20  }
0xa1: {  	s6 =	ssub.s32 $0x0, s20;
	[sflag:s22] =	ssyncset.done $0x0  }
0xa2: {  	[sflag:s22] =	ssyncadd.s32 s6;
	_ =	sdelay $0x1  }
0xa3: {  	s23 =	simm.s32 $0x1B8B  }
0xa4: {  	_ =	swait.ge [sflag:s23], $0x1  }
0xa5: {  	[sflag:s23] =	ssyncset.done $0x0  }
0xa6: {  	s25 =	simm.s32 $0x1B8E;
	s24 =	sld [smem:$0x3FFE];
	[sflag:s23] =	ssyncadd.s32 $0xFFFFFFFF  }
0xa7: {  	s26 =	simm.s32 $execute0_lowered;
	[smem:$0x3FD2] =	sst s25  }
0xa8: {  	s7 =	sshll.u32 s26, $0x1;
	_ =	strace $0x80000046;
	[dreg:$0x1] =	wrdreg $0xFFFFFFFF  }
0xa9: {  	s28 =	simm.s32 $_size_execute0_lowered;
	s5 =	sadd.s32 s5, s7;
	[dreg:$0x0] =	wrdreg $0x0  }
0xaa: {  	s7 =	sshll.u32 s28, $0x1;
	[dreg:$0x2] =	wrdreg s5  }
0xab: {  	[dreg:$0x3] =	wrdreg s7  }
0xac: {  	[dreg:$0x4] =	wrdreg $0xC0  }
0xad: {  	_ =	task [dreg:s9], $0x5FFFF  }
0xae: {  	[dreg:$0x1] =	wrdreg $0xFFFFFFFF  }
0xaf: {  	[dreg:$0x0] =	wrdreg $0x60  }
0xb0: {  	[dreg:$0x2] =	wrdreg s4  }
0xb1: {  	[dreg:$0x3] =	wrdreg s24  }
0xb2: {  	[dreg:$0x4] =	wrdreg s2  }
0xb3: {  	[dreg:$0x5] =	wrdreg s18  }
0xb4: {  	[dreg:$0x6] =	wrdreg $0xA1000  }
0xb5: {  	[dreg:$0x7] =	wrdreg $0x9  }
0xb6: {  	_ =	task.clear_ibuf [dreg:s9], $0x8FFFF;
	_ =	strace $0x90000046  }
0xb7: {  	s29 =	simm.s32 $0x9;
	_ =	strace $0x80000048  }
0xb8: {  	_ =	swait.ge [sflag:s29], $0x1  }
0xb9: {  	[sflag:s29] =	ssyncadd.s32 $0xFFFFFFFF  }
0xba: {  	_ =	strace $0x90000048  }
0xbb: {  	_ =	sfence  }
0xbc: {  	s30 =	sld [smem:$0x0];
	_ =	sdelay $0x2  }
0xbd: {  	s31 =	sshll.u32 s1, $0xD;
	s1 =	sshrl.u32 s1, $0x2  }
0xbe: {  	s3 =	sand.u32 $0x4000, s31;
	s1 =	sadd.s32 s1, s30  }
0xbf: {  	s0 =	sor.u32 s3, s0;
	s1 =	sshll.u32 s1, $0x11  }
0xc0: {  	s0 =	sor.u32 s1, s0  }
0xc1: {  	s0 =	sadd.s32 $0x8F2B, s0  }
0xc2: {  	[sflag:s0] =	ssyncadd.remote.s32 $0x1  }
0xc3: {  	_ =	sfence.sel $0xFFFF  }
0xc4: {  	[dreg:$0x0] =	wrdreg $0xFFFFFFFF;
	(pc) =	sbr.abs _section_cstart, $3  }
0xc5: {  	[dreg:$0x1] =	wrdreg $0xFFFFFFFF  }
0xc6: {  	_ =	task.clear_ibuf [dreg:s9], $0x2FFFF;
	_ =	strace $0x9FFFFFFF  }
0xc7: {  	(tm) =	ssettm $0x7FFFFFFF  }
tec
execute0_lowered:
.L_overlay_start_1:
0x0: {  	(tag) =	ssettag $0x1  }
0x1: {  	s0 =	rddreg [dreg:$0x1]  }
0x2: {  	s2 =	rddreg [dreg:$0x2]  }
0x3: {  	s3 =	rddreg [dreg:$0x3]  }
0x4: {  	s4 =	rddreg [dreg:$0x4]  }
0x5: {  	s1 =	srdreg.scid;
	s16 =	stileid.u32;
	s6 =	simm.s32 $0x0  }
0x6: {  	s29 =	simm.s32 $0x5100;
	s30 =	simm.s32 $0x7;
	s28 =	simm.s32 $0x4  }
0x7: {  	s1 =	sand.u32 $0x1, s1;
	s9 =	smul.u32 $0x280, s16;
	s15 =	sshll.u32 s16, $0x1  }
0x8: {  	[smem:$0x7FF] =	sst s6;
	s5 =	smul.u32 $0x28000, s1;
	s7 =	ssub.s32 $0x2, s1  }
0x9: {  	s1 =	sor.u32 s1, s15;
	s8 =	sshrl.u32 s7, $0x1;
	s10 =	sor.u32 $0x50, s9  }
0xa: {  	s11 =	sadd.s32 $0xA0, s9;
	s12 =	sadd.s32 $0xF0, s9;
	s13 =	sadd.s32 $0x140, s9  }
0xb: {  	s14 =	sadd.s32 $0x190, s9;
	s15 =	sadd.s32 $0x1E0, s9;
	s9 =	sadd.s32 $0x230, s9  }
0xc: {  	s5 =	sadd.s32 s5, s0;
	s7 =	ssub.s32 s7, s8;
	s8 =	smul.u32 $0x50000, s16  }
0xd: {  	s16 =	smul.u32 $0x2800, s16;
	s17 =	sshll.u32 s10, $0x4;
	s18 =	sshll.u32 s11, $0x4  }
0xe: {  	s19 =	sshll.u32 s12, $0x4;
	s20 =	sshll.u32 s13, $0x4;
	s5 =	sadd.s32 $0x14600, s5  }
0xf: {  	s21 =	sshll.u32 s14, $0x4;
	s22 =	sshll.u32 s15, $0x4;
	s16 =	sadd.s32 s16, s5  }
0x10: {  	s26 =	sshll.u32 s9, $0x4;
	s17 =	sadd.s32 s17, s5;
	[dreg:$0x6] =	wrdreg s16  }
0x11: {  	s0 =	sadd.s32 $0x600, s0;
	s18 =	sadd.s32 s18, s5;
	[dreg:$0x7] =	wrdreg s17  }
0x12: {  	s10 =	sshll.u32 s10, $0x7;
	s23 =	sadd.s32 s19, s5;
	[dreg:$0x8] =	wrdreg s18  }
0x13: {  	s11 =	sshll.u32 s11, $0x7;
	s24 =	sadd.s32 s20, s5;
	[dreg:$0x9] =	wrdreg s23  }
0x14: {  	s12 =	sshll.u32 s12, $0x7;
	s25 =	sadd.s32 s21, s5;
	[dreg:$0xa] =	wrdreg s24  }
0x15: {  	s13 =	sshll.u32 s13, $0x7;
	s31 =	sadd.s32 s22, s5;
	[dreg:$0xb] =	wrdreg s25  }
0x16: {  	s14 =	sshll.u32 s14, $0x7;
	s5 =	sadd.s32 s26, s5;
	[dreg:$0xc] =	wrdreg s31  }
0x17: {  	s15 =	sshll.u32 s15, $0x7;
	s26 =	smul.u32 $0x5000, s1;
	[dreg:$0xd] =	wrdreg s5  }
0x18: {  	s15 =	sadd.s32 s15, s4;
	_ =	strace $0x80000047;
	[dreg:$0xe] =	wrdreg s0  }
0x19: {  	s8 =	sshrl.u32 s8, $0x2;
	s31 =	smax.u32 s7, $0x1;
	[dreg:$0x18] =	wrdreg s26  }
0x1a: {  	s19 =	sadd.s32 s12, s4;
	s16 =	sadd.s32 s8, s4;
	[dreg:$0x19] =	wrdreg s31  }
0x1b: {  	s20 =	sadd.s32 s13, s4;
	s17 =	sadd.s32 s10, s4;
	[dreg:$0xf] =	wrdreg s16  }
0x1c: {  	s21 =	sadd.s32 s14, s4;
	s18 =	sadd.s32 s11, s4;
	[dreg:$0x10] =	wrdreg s17  }
0x1d: {  	s22 =	smul.u32 $0x2710, s1;
	s12 =	simm.s32 $0x2;
	[dreg:$0x11] =	wrdreg s18  }
0x1e: {  	s13 =	simm.s32 $0x50;
	s14 =	simm.s32 $0x5;
	[dreg:$0x12] =	wrdreg s19  }
0x1f: {  	s23 =	sshll.u32 s9, $0x7;
	s24 =	smul.u32 $0x7D00, s1;
	[dreg:$0x13] =	wrdreg s20  }
0x20: {  	s5 =	simm.s32 $0x2900;
	s8 =	simm.s32 $0x3D00;
	[dreg:$0x14] =	wrdreg s21  }
0x21: {  	s9 =	simm.s32 $0x7900;
	s10 =	simm.s32 $0x1;
	[dreg:$0x16] =	wrdreg s15  }
0x22: {  	s11 =	simm.s32 $0x3;
	s25 =	sadd.s32 s23, s4;
	[dreg:$0x15] =	wrdreg s24  }
0x23: {  	v0 =	vimm.f32 $0.0e+00;
	s7 =	simm.s32 $0x0;
	s0 =	simm.s32 $0x28;
	[dreg:$0x17] =	wrdreg s25  }
.LBB2_1:
0x24: {  	[dreg:$0x1a] =	wrdreg s7;
	s1 =	simm.s32 $0x0;
	s7 =	simm.s32 $0x200  }
.LBB2_2:
0x25: {  	p0 =	sne.s32 s7, $0x9E00;
	[tilespmem:s1+$0x5170] =	vst v0  }
0x26: {  	[tilespmem:s1+$0x5100] =	vst v0  }
0x27: {  	[tilespmem:s1+$0x5110] =	vst v0  }
.Ltmp0:
0x28: {  	[tilespmem:s1+$0x5120] =	vst v0;
	(pc) =	sbr.rel @p0 .LBB2_2-.Ltmp0, $4  }
0x29: {  	[tilespmem:s1+$0x5130] =	vst v0  }
0x2a: {  	[tilespmem:s1+$0x5140] =	vst v0  }
0x2b: {  	[tilespmem:s1+$0x5150] =	vst v0  }
0x2c: {  	[tilespmem:s1+$0x5160] =	vst v0;
	s1 =	sshra.s32 s7, $0x2;
	s7 =	sadd.s32 $0x200, s7  }
0x2d: {  	[tilespmem:s1+$0x5170] =	vst v0  }
0x2e: {  	[tilespmem:s1+$0x5100] =	vst v0  }
0x2f: {  	[tilespmem:s1+$0x5110] =	vst v0  }
0x30: {  	[tilespmem:s1+$0x5120] =	vst v0  }
0x31: {  	[tilespmem:s1+$0x5130] =	vst v0  }
0x32: {  	[tilespmem:s1+$0x5140] =	vst v0  }
0x33: {  	[tilespmem:s1+$0x5150] =	vst v0  }
0x34: {  	[tilespmem:s1+$0x5160] =	vst v0  }
0x35: {  	[spmem:s16] =	stream.linear.scatter [tilespmem:s29], [sflag:$0x7], $0x2800, $0x38;
	[tilespmem:$0x1E100] =	vst v63  }
0x36: {  	_ =	swait.ge [sflag:s30], $0x2800  }
0x37: {  	[sflag:s30] =	ssyncset.done $0x0  }
0x38: {  	[sflag:s30] =	ssyncadd.s32 $0xFFFFD800  }
0x39: {  	[spmem:s17] =	stream.linear.scatter [tilespmem:s29], [sflag:$0x7], $0x2800, $0x38;
	[tilespmem:$0x1E100] =	vst v63  }
0x3a: {  	_ =	swait.ge [sflag:s30], $0x2800  }
0x3b: {  	[sflag:s30] =	ssyncset.done $0x0  }
0x3c: {  	[sflag:s30] =	ssyncadd.s32 $0xFFFFD800  }
0x3d: {  	[spmem:s18] =	stream.linear.scatter [tilespmem:s29], [sflag:$0x7], $0x2800, $0x38;
	[tilespmem:$0x1E100] =	vst v63  }
0x3e: {  	_ =	swait.ge [sflag:s30], $0x2800  }
0x3f: {  	[sflag:s30] =	ssyncset.done $0x0  }
0x40: {  	[sflag:s30] =	ssyncadd.s32 $0xFFFFD800  }
0x41: {  	[spmem:s19] =	stream.linear.scatter [tilespmem:s29], [sflag:$0x7], $0x2800, $0x38;
	[tilespmem:$0x1E100] =	vst v63  }
0x42: {  	_ =	swait.ge [sflag:s30], $0x2800  }
0x43: {  	[sflag:s30] =	ssyncset.done $0x0  }
0x44: {  	[sflag:s30] =	ssyncadd.s32 $0xFFFFD800  }
0x45: {  	[spmem:s20] =	stream.linear.scatter [tilespmem:s29], [sflag:$0x7], $0x2800, $0x38;
	[tilespmem:$0x1E100] =	vst v63  }
0x46: {  	_ =	swait.ge [sflag:s30], $0x2800  }
0x47: {  	[sflag:s30] =	ssyncset.done $0x0  }
0x48: {  	[sflag:s30] =	ssyncadd.s32 $0xFFFFD800  }
0x49: {  	[spmem:s21] =	stream.linear.scatter [tilespmem:s29], [sflag:$0x7], $0x2800, $0x38;
	[tilespmem:$0x1E100] =	vst v63  }
0x4a: {  	_ =	swait.ge [sflag:s30], $0x2800  }
0x4b: {  	[sflag:s30] =	ssyncset.done $0x0  }
0x4c: {  	[sflag:s30] =	ssyncadd.s32 $0xFFFFD800  }
0x4d: {  	[spmem:s15] =	stream.linear.scatter [tilespmem:s29], [sflag:$0x7], $0x2800, $0x38;
	[tilespmem:$0x1E100] =	vst v63  }
0x4e: {  	_ =	swait.ge [sflag:s30], $0x2800  }
0x4f: {  	[sflag:s30] =	ssyncset.done $0x0  }
0x50: {  	s31 =	rddreg [dreg:$0x17];
	[sflag:s30] =	ssyncadd.s32 $0xFFFFD800  }
0x51: {  	[spmem:s31] =	stream.linear.scatter [tilespmem:s29], [sflag:$0x7], $0x2800, $0x38;
	[tilespmem:$0x1E100] =	vst v63  }
0x52: {  	_ =	swait.ge [sflag:s30], $0x2800  }
0x53: {  	[sflag:s30] =	ssyncset.done $0x0  }
0x54: {  	[sflag:s30] =	ssyncadd.s32 $0xFFFFD800  }
0x55: {  	s20 =	simm.s32 $0x0;
	[bflag:$0x0] =	sbarrier.arrive $0xFFFF  }
.LBB2_4:
0x56: {  	s1 =	smul.u32 $0x1900, s20  }
0x57: {  	s7 =	rddreg [dreg:$0x15]  }
0x58: {  	s1 =	sadd.s32 s7, s1  }
0x59: {  	s19 =	rddreg [dreg:$0x0];
	s1 =	sshrl.u32 s1, $0x3  }
0x5a: {  	s16 =	simm.s32 $0x0;
	s1 =	sadd.s32 s19, s1  }
0x5b: {  	[tilespmem:s16], [sflag:$0x7] =	stream.linear.gather [hbm4b:s1+s16], $0x1900, $0x38;
	[tilespmem:$0x1E100] =	vst v63  }
0x5c: {  	_ =	swait.ge [sflag:s30], $0x1900  }
0x5d: {  	s21 =	sshll.u32 s20, $0xC;
	s23 =	rddreg [dreg:$0x18]  }
0x5e: {  	s25 =	smul.u32 $0x7D0, s20;
	s1 =	sadd.s32 s23, s21  }
0x5f: {  	[sflag:s30] =	ssyncset.done $0x0;
	s24 =	rddreg [dreg:$0xe];
	s1 =	sshrl.u32 s1, $0x3  }
0x60: {  	s15 =	simm.s32 $0x1900;
	[sflag:s30] =	ssyncadd.s32 $0xFFFFE700;
	s1 =	sadd.s32 s24, s1  }
0x61: {  	[tilespmem:s15], [sflag:$0x7] =	stream.linear.gather [hbm4b:s1+s16], $0xC80, $0x38;
	[tilespmem:$0x1E100] =	vst v63  }
0x62: {  	s26 =	sadd.s32 s22, s25;
	_ =	swait.ge [sflag:s30], $0xC80  }
0x63: {  	s1 =	sshll.u32 s26, $0x4;
	[sflag:s30] =	ssyncset.done $0x0  }
0x64: {  	s1 =	sadd.s32 s3, s1;
	[sflag:s30] =	ssyncadd.s32 $0xFFFFF380  }
0x65: {  	[tilespmem:s29], [sflag:$0x3] =	stream.linear.gather [hbm4b:s1+s16], $0x2800, $0x38;
	[tilespmem:$0x1E100] =	vst v63  }
0x66: {  	_ = 	snop  }
0x67: {  	[tilespmem:s5], [sflag:$0x1] =	stream.indirect.gather [hbm4b:s2+s0], $0x80, s16, s0, $0xb8;
	[tilespmem:$0x1E100] =	vst v63  }
0x68: {  	s31 =	simm.s32 $0x80;
	s21 =	smul.u32 $0x19, s20;
	s24 =	simm.s32 $0x0  }
0x69: {  	[tilespmem:s8], [sflag:$0x2] =	stream.indirect.gather [hbm4b:s2+s0], $0x80, s31, s0, $0xb8;
	[tilespmem:$0x1E100] =	vst v63  }
.LBB2_5:
0x6a: {  	s18 =	sshll.u32 s24, $0x1  }
0x6b: {  	s25 =	sor.u32 $0x1, s18  }
0x6c: {  	s1 =	sadd.s32 s21, s25  }
0x6d: {  	p0 =	seq.s32 s24, $0x0;
	s1 =	smul.u32 $0x50, s1  }
0x6e: {  	s7 =	simm.s32 @!p0 $0x6  }
0x6f: {  	_ =	swait.ge @!p0 [sflag:s7], $0x2800;
	s1 =	sadd.s32 s22, s1  }
0x70: {  	[sflag:s7] =	ssyncset.done @!p0 $0x0;
	s1 =	sshll.u32 s1, $0x4  }
0x71: {  	[sflag:s7] =	ssyncadd.s32 @!p0 $0xFFFFD800;
	s1 =	sadd.s32 s3, s1  }
0x72: {  	[tilespmem:s9], [sflag:$0x4] =	stream.linear.gather [hbm4b:s1+s6], $0x2800, $0x38;
	[tilespmem:$0x1E100] =	vst v63  }
0x73: {  	_ =	swait.ge [sflag:s10], $0x1400  }
0x74: {  	[sflag:s10] =	ssyncset.done $0x0  }
0x75: {  	[sflag:s10] =	ssyncadd.s32 $0xFFFFEC00  }
0x76: {  	_ =	swait.ge [sflag:s11], $0x2800  }
0x77: {  	[sflag:s11] =	ssyncset.done $0x0  }
0x78: {  	s1 =	simm.s32 $0x5180;
	[sflag:s11] =	ssyncadd.s32 $0xFFFFD800  }
0x79: {  	s23 =	simm.s32 $0x2980;
	v1 =	vld [tilespmem:s1+$0x0]  }
0x7a: {  	v2 =	vld [tilespmem:s23+$0x0];
	_ =	sdelay $0x3  }
0x7b: {  	v3 =	vld [tilespmem:s1+$0xFFFFFF80]  }
0x7c: {  	v1 =	vmul.f32 v2, v1;
	v2 =	vld [tilespmem:s23+$0xFFFFFF80];
	_ =	sdelay $0x1  }
0x7d: {  	[tilespmem:s1+$0x0] =	vst v1;
	v1 =	vld [tilespmem:s1+$0x10]  }
0x7e: {  	v4 =	vld [tilespmem:s23+$0x10];
	_ =	sdelay $0x1  }
0x7f: {  	v2 =	vmul.f32 v2, v3;
	_ =	sdelay $0x1  }
0x80: {  	v5 =	vld [tilespmem:s1+$0xFFFFFF90];
	[tilespmem:s1+$0xFFFFFF80] =	vst v2  }
0x81: {  	v1 =	vmul.f32 v4, v1;
	v2 =	vld [tilespmem:s23+$0xFFFFFF90];
	_ =	sdelay $0x1  }
0x82: {  	[tilespmem:s1+$0x10] =	vst v1;
	v1 =	vld [tilespmem:s1+$0x20]  }
0x83: {  	v4 =	vld [tilespmem:s23+$0x20]  }
0x84: {  	v6 =	vld [tilespmem:s1+$0xFFFFFFB0]  }
0x85: {  	s31 =	simm.s32 $0x5280;
	v7 =	vld [tilespmem:s1+$0xFFFFFFD0];
	v2 =	vmul.f32 v2, v5  }
0x86: {  	v8 =	vld [tilespmem:s31+$0x0]  }
0x87: {  	v3 =	vld [tilespmem:s1+$0xFFFFFFA0];
	[tilespmem:s1+$0xFFFFFF90] =	vst v2  }
0x88: {  	v1 =	vmul.f32 v4, v1;
	v2 =	vld [tilespmem:s23+$0xFFFFFFA0]  }
0x89: {  	v9 =	vld [tilespmem:s1+$0xFFFFFFE0]  }
0x8a: {  	[tilespmem:s1+$0x20] =	vst v1;
	v1 =	vld [tilespmem:s1+$0x30]  }
0x8b: {  	s7 =	simm.s32 $0x2A80;
	v4 =	vld [tilespmem:s23+$0x30]  }
0x8c: {  	v11 =	vld [tilespmem:s7+$0xFFFFFF80]  }
0x8d: {  	v2 =	vmul.f32 v2, v3;
	v3 =	vld [tilespmem:s7+$0x0]  }
0x8e: {  	v13 =	vld [tilespmem:s31+$0xFFFFFF90]  }
0x8f: {  	s15 =	simm.s32 $0x2B80;
	v14 =	vld [tilespmem:s31+$0xFFFFFFD0]  }
0x90: {  	v16 =	vld [tilespmem:s15+$0xFFFFFF80];
	v1 =	vmul.f32 v4, v1  }
0x91: {  	[tilespmem:s1+$0xFFFFFFA0] =	vst v2;
	v2 =	vld [tilespmem:s1+$0x40]  }
0x92: {  	[tilespmem:s1+$0x30] =	vst v1;
	v3 =	vmul.f32 v3, v8;
	v8 =	vld [tilespmem:s31+$0xFFFFFF80]  }
0x93: {  	s17 =	simm.s32 $0x5380;
	v10 =	vld [tilespmem:s23+$0x40]  }
0x94: {  	v17 =	vld [tilespmem:s17+$0xFFFFFF80]  }
0x95: {  	v4 =	vld [tilespmem:s23+$0xFFFFFFB0]  }
0x96: {  	v18 =	vld [tilespmem:s31+$0x50]  }
0x97: {  	[tilespmem:s31+$0x0] =	vst v3;
	v3 =	vld [tilespmem:s31+$0x10];
	v8 =	vmul.f32 v11, v8  }
0x98: {  	v12 =	vld [tilespmem:s7+$0x10];
	v2 =	vmul.f32 v10, v2  }
0x99: {  	v10 =	vld [tilespmem:s1+$0x50];
	[tilespmem:s31+$0xFFFFFF80] =	vst v8  }
0x9a: {  	[tilespmem:s1+$0x40] =	vst v2;
	v2 =	vmul.f32 v4, v6;
	v6 =	vld [tilespmem:s7+$0xFFFFFF90]  }
0x9b: {  	v4 =	vld [tilespmem:s23+$0x50]  }
0x9c: {  	v58 =	vld [tilespmem:s17+$0xFFFFFFA0]  }
0x9d: {  	v5 =	vld [tilespmem:s1+$0xFFFFFFC0];
	v3 =	vmul.f32 v12, v3;
	[tilespmem:s1+$0xFFFFFFB0] =	vst v2  }
0x9e: {  	v2 =	vld [tilespmem:s23+$0xFFFFFFC0]  }
0x9f: {  	[tilespmem:s31+$0x10] =	vst v3;
	v3 =	vld [tilespmem:s31+$0x20]  }
0xa0: {  	v6 =	vmul.f32 v6, v13;
	v4 =	vmul.f32 v4, v10;
	v10 =	vld [tilespmem:s7+$0x20]  }
0xa1: {  	v19 =	vld [tilespmem:s31+$0x60]  }
0xa2: {  	v16 =	vmul.f32 v16, v17;
	v11 =	vld [tilespmem:s31+$0xFFFFFFA0];
	[tilespmem:s31+$0xFFFFFF90] =	vst v6  }
0xa3: {  	v2 =	vmul.f32 v2, v5;
	v5 =	vld [tilespmem:s7+$0xFFFFFFA0]  }
0xa4: {  	v61 =	vld [tilespmem:s31+$0x70];
	[tilespmem:s17+$0xFFFFFF80] =	vst v16  }
0xa5: {  	v16 =	vld [tilespmem:s15+$0xFFFFFF90];
	[tilespmem:s1+$0xFFFFFFC0] =	vst v2;
	v2 =	vmul.f32 v10, v3  }
0xa6: {  	v1 =	vld [tilespmem:s1+$0xFFFFFFF0]  }
0xa7: {  	v6 =	vld [tilespmem:s31+$0x30];
	[tilespmem:s31+$0x20] =	vst v2  }
0xa8: {  	v5 =	vmul.f32 v5, v11;
	v11 =	vld [tilespmem:s7+$0x30]  }
0xa9: {  	v3 =	vld [tilespmem:s23+$0xFFFFFFD0]  }
0xaa: {  	v8 =	vld [tilespmem:s31+$0xFFFFFFB0]  }
0xab: {  	v12 =	vld [tilespmem:s1+$0x60];
	[tilespmem:s1+$0x50] =	vst v4  }
0xac: {  	v4 =	vld [tilespmem:s23+$0x60]  }
0xad: {  	[tilespmem:s31+$0xFFFFFFA0] =	vst v5;
	v5 =	vld [tilespmem:s17+$0x0];
	v6 =	vmul.f32 v11, v6  }
0xae: {  	v3 =	vmul.f32 v3, v7;
	v7 =	vld [tilespmem:s15+$0x0]  }
0xaf: {  	v11 =	vld [tilespmem:s31+$0x40];
	[tilespmem:s31+$0x30] =	vst v6  }
0xb0: {  	v6 =	vld [tilespmem:s7+$0x40]  }
0xb1: {  	v13 =	vld [tilespmem:s31+$0xFFFFFFC0];
	v4 =	vmul.f32 v4, v12  }
0xb2: {  	v10 =	vld [tilespmem:s1+$0x70]  }
0xb3: {  	[tilespmem:s1+$0x60] =	vst v4;
	v4 =	vld [tilespmem:s7+$0xFFFFFFB0];
	v5 =	vmul.f32 v7, v5  }
0xb4: {  	v7 =	vld [tilespmem:s17+$0xFFFFFF90]  }
0xb5: {  	[tilespmem:s17+$0x0] =	vst v5;
	v5 =	vld [tilespmem:s17+$0x10];
	v6 =	vmul.f32 v6, v11  }
0xb6: {  	v11 =	vld [tilespmem:s15+$0x10]  }
0xb7: {  	v2 =	vld [tilespmem:s31+$0xFFFFFFE0];
	[tilespmem:s31+$0x40] =	vst v6  }
0xb8: {  	v4 =	vmul.f32 v4, v8;
	v8 =	vld [tilespmem:s7+$0x50]  }
0xb9: {  	v12 =	vld [tilespmem:s23+$0x70];
	[tilespmem:s1+$0xFFFFFFD0] =	vst v3  }
0xba: {  	v3 =	vld [tilespmem:s31+$0xFFFFFFF0];
	[tilespmem:s31+$0xFFFFFFB0] =	vst v4;
	v7 =	vmul.f32 v16, v7  }
0xbb: {  	v4 =	vmul.f32 v11, v5;
	v11 =	vld [tilespmem:s7+$0xFFFFFFC0]  }
0xbc: {  	v15 =	vld [tilespmem:s23+$0xFFFFFFE0];
	[tilespmem:s17+$0xFFFFFF90] =	vst v7  }
0xbd: {  	v7 =	vld [tilespmem:s17+$0xFFFFFFE0];
	[tilespmem:s17+$0x10] =	vst v4;
	v4 =	vmul.f32 v8, v18  }
0xbe: {  	v8 =	vld [tilespmem:s17+$0x20]  }
0xbf: {  	v59 =	vld [tilespmem:s15+$0x20];
	[tilespmem:s31+$0x50] =	vst v4  }
0xc0: {  	v11 =	vmul.f32 v11, v13;
	v13 =	vld [tilespmem:s7+$0x60]  }
0xc1: {  	v6 =	vld [tilespmem:s17+$0xFFFFFFB0]  }
0xc2: {  	v60 =	vld [tilespmem:s15+$0xFFFFFFA0];
	[tilespmem:s31+$0xFFFFFFC0] =	vst v11  }
0xc3: {  	v11 =	vld [tilespmem:s7+$0xFFFFFFD0]  }
0xc4: {  	v5 =	vld [tilespmem:s17+$0xFFFFFFC0];
	v8 =	vmul.f32 v59, v8  }
0xc5: {  	v4 =	vld [tilespmem:s17+$0xFFFFFFD0];
	v13 =	vmul.f32 v13, v19  }
0xc6: {  	[tilespmem:s17+$0x20] =	vst v8;
	v8 =	vmul.f32 v15, v9;
	v15 =	vld [tilespmem:s17+$0x30]  }
0xc7: {  	v9 =	vmul.f32 v60, v58;
	v62 =	vld [tilespmem:s15+$0x30];
	[tilespmem:s31+$0x60] =	vst v13  }
0xc8: {  	[tilespmem:s1+$0xFFFFFFE0] =	vst v8;
	v8 =	vmul.f32 v11, v14;
	v63 =	vld [tilespmem:s7+$0x70]  }
0xc9: {  	[tilespmem:s17+$0xFFFFFFA0] =	vst v9;
	v9 =	vld [tilespmem:s23+$0xFFFFFFF0]  }
0xca: {  	v13 =	vld [tilespmem:s15+$0xFFFFFFB0];
	[tilespmem:s31+$0xFFFFFFD0] =	vst v8  }
0xcb: {  	v11 =	vmul.f32 v12, v10;
	v10 =	vld [tilespmem:s7+$0xFFFFFFE0]  }
0xcc: {  	v8 =	vld [tilespmem:s17+$0xFFFFFFF0];
	v14 =	vmul.f32 v62, v15  }
0xcd: {  	s26 =	simm.s32 $0x4;
	s16 =	simm.s32 $0x5480;
	s23 =	simm.s32 $0x2B80;
	[tilespmem:s1+$0x70] =	vst v11;
	v11 =	vld [tilespmem:s17+$0x40];
	v12 =	vmul.f32 v63, v61  }
.LBB2_6:
0xce: {  	v15 =	vld [tilespmem:s16+$0x0];
	[tilespmem:s17+$0x30] =	vst v14;
	s15 =	sadd.s32 $0x100, s15;
	v9 =	vmul.f32 v9, v1;
	v1 =	vmov v3  }
0xcf: {  	v14 =	vld [tilespmem:s15+$0x0];
	v13 =	vmul.f32 v13, v6;
	[tilespmem:s31+$0x70] =	vst v12  }
0xd0: {  	s26 =	sadd.s32 $0x2, s26;
	v6 =	vld [tilespmem:s23+$0x40];
	v10 =	vmul.f32 v10, v2;
	[tilespmem:s1+$0xFFFFFFF0] =	vst v9;
	v2 =	vmov v7;
	s1 =	smov.u32 s31;
	s31 =	smov.u32 s17  }
0xd1: {  	p0 =	slt.u32 s26, $0x26;
	s17 =	smov.u32 s16;
	v7 =	vld [tilespmem:s15+$0xFFFFFF80];
	[tilespmem:s31+$0xFFFFFFB0] =	vst v13;
	v3 =	vmov v8  }
0xd2: {  	v8 =	vld [tilespmem:s16+$0xFFFFFF80];
	[tilespmem:s1+$0xFFFFFFE0] =	vst v10  }
0xd3: {  	v9 =	vld [tilespmem:s16+$0xFFFFFF90]  }
0xd4: {  	v10 =	vld [tilespmem:s16+$0xFFFFFFA0];
	v12 =	vmul.f32 v14, v15  }
0xd5: {  	v6 =	vmul.f32 v6, v11;
	v11 =	vld [tilespmem:s31+$0x50]  }
0xd6: {  	[tilespmem:s16+$0x0] =	vst v12;
	v12 =	vld [tilespmem:s16+$0x10]  }
0xd7: {  	v7 =	vmul.f32 v7, v8;
	v8 =	vld [tilespmem:s15+$0x10];
	[tilespmem:s31+$0x40] =	vst v6  }
0xd8: {  	v13 =	vld [tilespmem:s23+$0x50]  }
0xd9: {  	[tilespmem:s16+$0xFFFFFF80] =	vst v7;
	v6 =	vld [tilespmem:s16+$0xFFFFFFB0]  }
0xda: {  	v7 =	vld [tilespmem:s15+$0xFFFFFF90]  }
0xdb: {  	v14 =	vld [tilespmem:s23+$0xFFFFFFC0]  }
0xdc: {  	v15 =	vld [tilespmem:s16+$0xFFFFFFC0];
	v8 =	vmul.f32 v8, v12  }
0xdd: {  	v11 =	vmul.f32 v13, v11;
	v12 =	vld [tilespmem:s31+$0x60]  }
0xde: {  	[tilespmem:s16+$0x10] =	vst v8;
	v8 =	vld [tilespmem:s16+$0x20]  }
0xdf: {  	v7 =	vmul.f32 v7, v9;
	v9 =	vld [tilespmem:s15+$0x20];
	[tilespmem:s31+$0x50] =	vst v11  }
0xe0: {  	v11 =	vmul.f32 v14, v5;
	v13 =	vld [tilespmem:s23+$0x60]  }
0xe1: {  	[tilespmem:s16+$0xFFFFFF90] =	vst v7;
	v14 =	vld [tilespmem:s16+$0xFFFFFFD0];
	v5 =	vmov v15  }
0xe2: {  	v15 =	vld [tilespmem:s15+$0xFFFFFFA0];
	[tilespmem:s31+$0xFFFFFFC0] =	vst v11  }
0xe3: {  	v11 =	vld [tilespmem:s23+$0xFFFFFFD0]  }
0xe4: {  	v7 =	vld [tilespmem:s16+$0xFFFFFFE0];
	v8 =	vmul.f32 v9, v8  }
0xe5: {  	v9 =	vmul.f32 v13, v12;
	v12 =	vld [tilespmem:s31+$0x70]  }
0xe6: {  	[tilespmem:s16+$0x20] =	vst v8;
	v16 =	vld [tilespmem:s16+$0x30]  }
0xe7: {  	v8 =	vmul.f32 v15, v10;
	v15 =	vld [tilespmem:s15+$0x30];
	[tilespmem:s31+$0x60] =	vst v9  }
0xe8: {  	v10 =	vmul.f32 v11, v4;
	v17 =	vld [tilespmem:s23+$0x70];
	v4 =	vmov v14  }
.Ltmp1:
0xe9: {  	[tilespmem:s16+$0xFFFFFFA0] =	vst v8;
	v9 =	vld [tilespmem:s7+$0xFFFFFFF0];
	s7 =	smov.u32 s23;
	s23 =	smov.u32 s15;
	(pc) =	sbr.rel @p0 .LBB2_6-.Ltmp1, $4  }
0xea: {  	v13 =	vld [tilespmem:s15+$0xFFFFFFB0];
	[tilespmem:s31+$0xFFFFFFD0] =	vst v10  }
0xeb: {  	v10 =	vld [tilespmem:s7+$0xFFFFFFE0]  }
0xec: {  	v8 =	vld [tilespmem:s16+$0xFFFFFFF0];
	v14 =	vmul.f32 v15, v16  }
0xed: {  	s16 =	sadd.s32 $0x100, s16;
	v11 =	vld [tilespmem:s17+$0x40];
	v12 =	vmul.f32 v17, v12  }
0xee: {  	_ = 	snop  }
0xef: {  	[tilespmem:s17+$0x30] =	vst v14;
	v6 =	vmul.f32 v13, v6  }
0xf0: {  	v13 =	vld [tilespmem:s23+$0x40]  }
0xf1: {  	[tilespmem:s17+$0xFFFFFFB0] =	vst v6  }
0xf2: {  	v6 =	vld [tilespmem:s23+$0xFFFFFFC0];
	_ =	sdelay $0x2  }
0xf3: {  	v11 =	vmul.f32 v13, v11;
	_ =	sdelay $0x1  }
0xf4: {  	v13 =	vld [tilespmem:s17+$0x50];
	[tilespmem:s17+$0x40] =	vst v11;
	v5 =	vmul.f32 v6, v5  }
0xf5: {  	v6 =	vld [tilespmem:s23+$0x50]  }
0xf6: {  	[tilespmem:s17+$0xFFFFFFC0] =	vst v5  }
0xf7: {  	v5 =	vld [tilespmem:s23+$0xFFFFFFD0];
	_ =	sdelay $0x2  }
0xf8: {  	v6 =	vmul.f32 v6, v13;
	_ =	sdelay $0x1  }
0xf9: {  	v11 =	vld [tilespmem:s17+$0x60];
	[tilespmem:s17+$0x50] =	vst v6;
	v4 =	vmul.f32 v5, v4  }
0xfa: {  	v5 =	vld [tilespmem:s23+$0x60]  }
0xfb: {  	[tilespmem:s17+$0xFFFFFFD0] =	vst v4  }
0xfc: {  	v4 =	vld [tilespmem:s23+$0xFFFFFFE0];
	_ =	sdelay $0x2  }
0xfd: {  	v5 =	vmul.f32 v5, v11  }
0xfe: {  	v2 =	vmul.f32 v10, v2  }
0xff: {  	v6 =	vld [tilespmem:s17+$0x70];
	[tilespmem:s17+$0x60] =	vst v5;
	v4 =	vmul.f32 v4, v7  }
0x100: {  	[tilespmem:s31+$0xFFFFFFE0] =	vst v2;
	v2 =	vld [tilespmem:s23+$0x70]  }
0x101: {  	v5 =	vld [tilespmem:s7+$0xFFFFFFF0];
	[tilespmem:s17+$0xFFFFFFE0] =	vst v4  }
0x102: {  	v4 =	vld [tilespmem:s23+$0xFFFFFFF0];
	_ =	sdelay $0x1  }
0x103: {  	v1 =	vmul.f32 v9, v1  }
0x104: {  	[tilespmem:s31+$0x70] =	vst v12;
	v2 =	vmul.f32 v2, v6  }
0x105: {  	[tilespmem:s1+$0xFFFFFFF0] =	vst v1;
	v1 =	vmul.f32 v5, v3  }
0x106: {  	[tilespmem:s17+$0x70] =	vst v2;
	v2 =	vmul.f32 v4, v8  }
0x107: {  	s26 =	sshll.u32 s25, $0x8;
	[tilespmem:s31+$0xFFFFFFF0] =	vst v1  }
0x108: {  	s1 =	sand.u32 $0x3FFFFF00, s26;
	[tilespmem:s17+$0xFFFFFFF0] =	vst v2  }
0x109: {  	[tilespmem:s5], [sflag:$0x1] =	stream.indirect.gather [hbm4b:s2+s0], $0x80, s1, s0, $0xb8;
	[tilespmem:$0x1E100] =	vst v63  }
0x10a: {  	_ =	swait.ge [sflag:s12], $0x1400  }
0x10b: {  	[sflag:s12] =	ssyncset.done $0x0  }
0x10c: {  	s31 =	simm.s32 $0x65F0;
	[sflag:s12] =	ssyncadd.s32 $0xFFFFEC00  }
0x10d: {  	s26 =	simm.s32 $0x3D80;
	v1 =	vld [tilespmem:s31+$0xFFFFFF90]  }
0x10e: {  	v2 =	vld [tilespmem:s26+$0x0];
	_ =	sdelay $0x3  }
0x10f: {  	v3 =	vld [tilespmem:s31+$0xFFFFFF10]  }
0x110: {  	v1 =	vmul.f32 v2, v1;
	v2 =	vld [tilespmem:s26+$0xFFFFFF80];
	_ =	sdelay $0x1  }
0x111: {  	[tilespmem:s31+$0xFFFFFF90] =	vst v1;
	v1 =	vld [tilespmem:s31+$0xFFFFFFA0]  }
0x112: {  	v4 =	vld [tilespmem:s26+$0x10];
	_ =	sdelay $0x1  }
0x113: {  	v2 =	vmul.f32 v2, v3;
	_ =	sdelay $0x1  }
0x114: {  	v5 =	vld [tilespmem:s31+$0xFFFFFF20];
	[tilespmem:s31+$0xFFFFFF10] =	vst v2  }
0x115: {  	v1 =	vmul.f32 v4, v1;
	v2 =	vld [tilespmem:s26+$0xFFFFFF90];
	_ =	sdelay $0x1  }
0x116: {  	[tilespmem:s31+$0xFFFFFFA0] =	vst v1;
	v1 =	vld [tilespmem:s31+$0xFFFFFFB0]  }
0x117: {  	v4 =	vld [tilespmem:s26+$0x20]  }
0x118: {  	v6 =	vld [tilespmem:s31+$0xFFFFFF40]  }
0x119: {  	s7 =	simm.s32 $0x66F0;
	v7 =	vld [tilespmem:s31+$0xFFFFFF60];
	v2 =	vmul.f32 v2, v5  }
0x11a: {  	v8 =	vld [tilespmem:s7+$0xFFFFFF90]  }
0x11b: {  	v3 =	vld [tilespmem:s31+$0xFFFFFF30];
	[tilespmem:s31+$0xFFFFFF20] =	vst v2  }
0x11c: {  	v1 =	vmul.f32 v4, v1;
	v2 =	vld [tilespmem:s26+$0xFFFFFFA0]  }
0x11d: {  	v9 =	vld [tilespmem:s31+$0xFFFFFF70]  }
0x11e: {  	[tilespmem:s31+$0xFFFFFFB0] =	vst v1;
	v1 =	vld [tilespmem:s31+$0xFFFFFFC0]  }
0x11f: {  	s17 =	simm.s32 $0x3E80;
	v4 =	vld [tilespmem:s26+$0x30]  }
0x120: {  	v11 =	vld [tilespmem:s17+$0xFFFFFF80]  }
0x121: {  	v2 =	vmul.f32 v2, v3;
	v3 =	vld [tilespmem:s17+$0x0]  }
0x122: {  	v13 =	vld [tilespmem:s7+$0xFFFFFF20]  }
0x123: {  	s23 =	simm.s32 $0x3F80;
	v14 =	vld [tilespmem:s7+$0xFFFFFF60]  }
0x124: {  	v16 =	vld [tilespmem:s23+$0xFFFFFF80];
	v1 =	vmul.f32 v4, v1  }
0x125: {  	[tilespmem:s31+$0xFFFFFF30] =	vst v2;
	v2 =	vld [tilespmem:s31+$0xFFFFFFD0]  }
0x126: {  	[tilespmem:s31+$0xFFFFFFC0] =	vst v1;
	v3 =	vmul.f32 v3, v8;
	v8 =	vld [tilespmem:s7+$0xFFFFFF10]  }
0x127: {  	s15 =	simm.s32 $0x67F0;
	v10 =	vld [tilespmem:s26+$0x40]  }
0x128: {  	v17 =	vld [tilespmem:s15+$0xFFFFFF10]  }
0x129: {  	v4 =	vld [tilespmem:s26+$0xFFFFFFB0]  }
0x12a: {  	v18 =	vld [tilespmem:s7+$0xFFFFFFE0]  }
0x12b: {  	[tilespmem:s7+$0xFFFFFF90] =	vst v3;
	v3 =	vld [tilespmem:s7+$0xFFFFFFA0];
	v8 =	vmul.f32 v11, v8  }
0x12c: {  	v12 =	vld [tilespmem:s17+$0x10];
	v2 =	vmul.f32 v10, v2  }
0x12d: {  	v10 =	vld [tilespmem:s31+$0xFFFFFFE0];
	[tilespmem:s7+$0xFFFFFF10] =	vst v8  }
0x12e: {  	[tilespmem:s31+$0xFFFFFFD0] =	vst v2;
	v2 =	vmul.f32 v4, v6;
	v6 =	vld [tilespmem:s17+$0xFFFFFF90]  }
0x12f: {  	v4 =	vld [tilespmem:s26+$0x50]  }
0x130: {  	v58 =	vld [tilespmem:s15+$0xFFFFFF30]  }
0x131: {  	v5 =	vld [tilespmem:s31+$0xFFFFFF50];
	v3 =	vmul.f32 v12, v3;
	[tilespmem:s31+$0xFFFFFF40] =	vst v2  }
0x132: {  	v2 =	vld [tilespmem:s26+$0xFFFFFFC0]  }
0x133: {  	[tilespmem:s7+$0xFFFFFFA0] =	vst v3;
	v3 =	vld [tilespmem:s7+$0xFFFFFFB0]  }
0x134: {  	v6 =	vmul.f32 v6, v13;
	v4 =	vmul.f32 v4, v10;
	v10 =	vld [tilespmem:s17+$0x20]  }
0x135: {  	v19 =	vld [tilespmem:s7+$0xFFFFFFF0]  }
0x136: {  	v16 =	vmul.f32 v16, v17;
	v11 =	vld [tilespmem:s7+$0xFFFFFF30];
	[tilespmem:s7+$0xFFFFFF20] =	vst v6  }
0x137: {  	v2 =	vmul.f32 v2, v5;
	v5 =	vld [tilespmem:s17+$0xFFFFFFA0]  }
0x138: {  	v61 =	vld [tilespmem:s7+$0x0];
	[tilespmem:s15+$0xFFFFFF10] =	vst v16  }
0x139: {  	v16 =	vld [tilespmem:s23+$0xFFFFFF90];
	[tilespmem:s31+$0xFFFFFF50] =	vst v2;
	v2 =	vmul.f32 v10, v3  }
0x13a: {  	v1 =	vld [tilespmem:s31+$0xFFFFFF80]  }
0x13b: {  	v6 =	vld [tilespmem:s7+$0xFFFFFFC0];
	[tilespmem:s7+$0xFFFFFFB0] =	vst v2  }
0x13c: {  	v5 =	vmul.f32 v5, v11;
	v11 =	vld [tilespmem:s17+$0x30]  }
0x13d: {  	v3 =	vld [tilespmem:s26+$0xFFFFFFD0]  }
0x13e: {  	v8 =	vld [tilespmem:s7+$0xFFFFFF40]  }
0x13f: {  	v12 =	vld [tilespmem:s31+$0xFFFFFFF0];
	[tilespmem:s31+$0xFFFFFFE0] =	vst v4  }
0x140: {  	v4 =	vld [tilespmem:s26+$0x60]  }
0x141: {  	[tilespmem:s7+$0xFFFFFF30] =	vst v5;
	v5 =	vld [tilespmem:s15+$0xFFFFFF90];
	v6 =	vmul.f32 v11, v6  }
0x142: {  	v3 =	vmul.f32 v3, v7;
	v7 =	vld [tilespmem:s23+$0x0]  }
0x143: {  	v11 =	vld [tilespmem:s7+$0xFFFFFFD0];
	[tilespmem:s7+$0xFFFFFFC0] =	vst v6  }
0x144: {  	v6 =	vld [tilespmem:s17+$0x40]  }
0x145: {  	v13 =	vld [tilespmem:s7+$0xFFFFFF50];
	v4 =	vmul.f32 v4, v12  }
0x146: {  	v10 =	vld [tilespmem:s31+$0x0]  }
0x147: {  	[tilespmem:s31+$0xFFFFFFF0] =	vst v4;
	v4 =	vld [tilespmem:s17+$0xFFFFFFB0];
	v5 =	vmul.f32 v7, v5  }
0x148: {  	v7 =	vld [tilespmem:s15+$0xFFFFFF20]  }
0x149: {  	[tilespmem:s15+$0xFFFFFF90] =	vst v5;
	v5 =	vld [tilespmem:s15+$0xFFFFFFA0];
	v6 =	vmul.f32 v6, v11  }
0x14a: {  	v11 =	vld [tilespmem:s23+$0x10]  }
0x14b: {  	v2 =	vld [tilespmem:s7+$0xFFFFFF70];
	[tilespmem:s7+$0xFFFFFFD0] =	vst v6  }
0x14c: {  	v4 =	vmul.f32 v4, v8;
	v8 =	vld [tilespmem:s17+$0x50]  }
0x14d: {  	v12 =	vld [tilespmem:s26+$0x70];
	[tilespmem:s31+$0xFFFFFF60] =	vst v3  }
0x14e: {  	v3 =	vld [tilespmem:s7+$0xFFFFFF80];
	[tilespmem:s7+$0xFFFFFF40] =	vst v4;
	v7 =	vmul.f32 v16, v7  }
0x14f: {  	v4 =	vmul.f32 v11, v5;
	v11 =	vld [tilespmem:s17+$0xFFFFFFC0]  }
0x150: {  	v15 =	vld [tilespmem:s26+$0xFFFFFFE0];
	[tilespmem:s15+$0xFFFFFF20] =	vst v7  }
0x151: {  	v7 =	vld [tilespmem:s15+$0xFFFFFF70];
	[tilespmem:s15+$0xFFFFFFA0] =	vst v4;
	v4 =	vmul.f32 v8, v18  }
0x152: {  	v8 =	vld [tilespmem:s15+$0xFFFFFFB0]  }
0x153: {  	v59 =	vld [tilespmem:s23+$0x20];
	[tilespmem:s7+$0xFFFFFFE0] =	vst v4  }
0x154: {  	v11 =	vmul.f32 v11, v13;
	v13 =	vld [tilespmem:s17+$0x60]  }
0x155: {  	v6 =	vld [tilespmem:s15+$0xFFFFFF40]  }
0x156: {  	v60 =	vld [tilespmem:s23+$0xFFFFFFA0];
	[tilespmem:s7+$0xFFFFFF50] =	vst v11  }
0x157: {  	v11 =	vld [tilespmem:s17+$0xFFFFFFD0]  }
0x158: {  	v5 =	vld [tilespmem:s15+$0xFFFFFF50];
	v8 =	vmul.f32 v59, v8  }
0x159: {  	v4 =	vld [tilespmem:s15+$0xFFFFFF60];
	v13 =	vmul.f32 v13, v19  }
0x15a: {  	[tilespmem:s15+$0xFFFFFFB0] =	vst v8;
	v8 =	vmul.f32 v15, v9;
	v15 =	vld [tilespmem:s15+$0xFFFFFFC0]  }
0x15b: {  	v9 =	vmul.f32 v60, v58;
	v62 =	vld [tilespmem:s23+$0x30];
	[tilespmem:s7+$0xFFFFFFF0] =	vst v13  }
0x15c: {  	[tilespmem:s31+$0xFFFFFF70] =	vst v8;
	v8 =	vmul.f32 v11, v14;
	v63 =	vld [tilespmem:s17+$0x70]  }
0x15d: {  	[tilespmem:s15+$0xFFFFFF30] =	vst v9;
	v9 =	vld [tilespmem:s26+$0xFFFFFFF0]  }
0x15e: {  	v13 =	vld [tilespmem:s23+$0xFFFFFFB0];
	[tilespmem:s7+$0xFFFFFF60] =	vst v8  }
0x15f: {  	v11 =	vmul.f32 v12, v10;
	v10 =	vld [tilespmem:s17+$0xFFFFFFE0]  }
0x160: {  	v8 =	vld [tilespmem:s15+$0xFFFFFF80];
	v14 =	vmul.f32 v62, v15  }
0x161: {  	s16 =	simm.s32 $0x4;
	s19 =	simm.s32 $0x68F0;
	s26 =	simm.s32 $0x3F80;
	[tilespmem:s31+$0x0] =	vst v11;
	v11 =	vld [tilespmem:s15+$0xFFFFFFD0];
	v12 =	vmul.f32 v63, v61  }
.LBB2_8:
0x162: {  	v15 =	vld [tilespmem:s19+$0xFFFFFF90];
	[tilespmem:s15+$0xFFFFFFC0] =	vst v14;
	s23 =	sadd.s32 $0x100, s23;
	v9 =	vmul.f32 v9, v1;
	v1 =	vmov v3  }
0x163: {  	v14 =	vld [tilespmem:s23+$0x0];
	v13 =	vmul.f32 v13, v6;
	[tilespmem:s7+$0x0] =	vst v12  }
0x164: {  	s16 =	sadd.s32 $0x2, s16;
	v6 =	vld [tilespmem:s26+$0x40];
	v10 =	vmul.f32 v10, v2;
	[tilespmem:s31+$0xFFFFFF80] =	vst v9;
	v2 =	vmov v7;
	s31 =	smov.u32 s7;
	s7 =	smov.u32 s15  }
0x165: {  	p0 =	slt.u32 s16, $0x26;
	s15 =	smov.u32 s19;
	v7 =	vld [tilespmem:s23+$0xFFFFFF80];
	[tilespmem:s7+$0xFFFFFF40] =	vst v13;
	v3 =	vmov v8  }
0x166: {  	v8 =	vld [tilespmem:s19+$0xFFFFFF10];
	[tilespmem:s31+$0xFFFFFF70] =	vst v10  }
0x167: {  	v9 =	vld [tilespmem:s19+$0xFFFFFF20]  }
0x168: {  	v10 =	vld [tilespmem:s19+$0xFFFFFF30];
	v12 =	vmul.f32 v14, v15  }
0x169: {  	v6 =	vmul.f32 v6, v11;
	v11 =	vld [tilespmem:s7+$0xFFFFFFE0]  }
0x16a: {  	[tilespmem:s19+$0xFFFFFF90] =	vst v12;
	v12 =	vld [tilespmem:s19+$0xFFFFFFA0]  }
0x16b: {  	v7 =	vmul.f32 v7, v8;
	v8 =	vld [tilespmem:s23+$0x10];
	[tilespmem:s7+$0xFFFFFFD0] =	vst v6  }
0x16c: {  	v13 =	vld [tilespmem:s26+$0x50]  }
0x16d: {  	[tilespmem:s19+$0xFFFFFF10] =	vst v7;
	v6 =	vld [tilespmem:s19+$0xFFFFFF40]  }
0x16e: {  	v7 =	vld [tilespmem:s23+$0xFFFFFF90]  }
0x16f: {  	v14 =	vld [tilespmem:s26+$0xFFFFFFC0]  }
0x170: {  	v15 =	vld [tilespmem:s19+$0xFFFFFF50];
	v8 =	vmul.f32 v8, v12  }
0x171: {  	v11 =	vmul.f32 v13, v11;
	v12 =	vld [tilespmem:s7+$0xFFFFFFF0]  }
0x172: {  	[tilespmem:s19+$0xFFFFFFA0] =	vst v8;
	v8 =	vld [tilespmem:s19+$0xFFFFFFB0]  }
0x173: {  	v7 =	vmul.f32 v7, v9;
	v9 =	vld [tilespmem:s23+$0x20];
	[tilespmem:s7+$0xFFFFFFE0] =	vst v11  }
0x174: {  	v11 =	vmul.f32 v14, v5;
	v13 =	vld [tilespmem:s26+$0x60]  }
0x175: {  	[tilespmem:s19+$0xFFFFFF20] =	vst v7;
	v14 =	vld [tilespmem:s19+$0xFFFFFF60];
	v5 =	vmov v15  }
0x176: {  	v15 =	vld [tilespmem:s23+$0xFFFFFFA0];
	[tilespmem:s7+$0xFFFFFF50] =	vst v11  }
0x177: {  	v11 =	vld [tilespmem:s26+$0xFFFFFFD0]  }
0x178: {  	v7 =	vld [tilespmem:s19+$0xFFFFFF70];
	v8 =	vmul.f32 v9, v8  }
0x179: {  	v9 =	vmul.f32 v13, v12;
	v12 =	vld [tilespmem:s7+$0x0]  }
0x17a: {  	[tilespmem:s19+$0xFFFFFFB0] =	vst v8;
	v16 =	vld [tilespmem:s19+$0xFFFFFFC0]  }
0x17b: {  	v8 =	vmul.f32 v15, v10;
	v15 =	vld [tilespmem:s23+$0x30];
	[tilespmem:s7+$0xFFFFFFF0] =	vst v9  }
0x17c: {  	v10 =	vmul.f32 v11, v4;
	v17 =	vld [tilespmem:s26+$0x70];
	v4 =	vmov v14  }
.Ltmp2:
0x17d: {  	[tilespmem:s19+$0xFFFFFF30] =	vst v8;
	v9 =	vld [tilespmem:s17+$0xFFFFFFF0];
	s17 =	smov.u32 s26;
	s26 =	smov.u32 s23;
	(pc) =	sbr.rel @p0 .LBB2_8-.Ltmp2, $4  }
0x17e: {  	v13 =	vld [tilespmem:s23+$0xFFFFFFB0];
	[tilespmem:s7+$0xFFFFFF60] =	vst v10  }
0x17f: {  	v10 =	vld [tilespmem:s17+$0xFFFFFFE0]  }
0x180: {  	v8 =	vld [tilespmem:s19+$0xFFFFFF80];
	v14 =	vmul.f32 v15, v16  }
0x181: {  	s19 =	sadd.s32 $0x100, s19;
	v11 =	vld [tilespmem:s15+$0xFFFFFFD0];
	v12 =	vmul.f32 v17, v12  }
0x182: {  	_ = 	snop  }
0x183: {  	[tilespmem:s15+$0xFFFFFFC0] =	vst v14;
	v6 =	vmul.f32 v13, v6  }
0x184: {  	v13 =	vld [tilespmem:s26+$0x40]  }
0x185: {  	[tilespmem:s15+$0xFFFFFF40] =	vst v6  }
0x186: {  	v6 =	vld [tilespmem:s26+$0xFFFFFFC0];
	_ =	sdelay $0x2  }
0x187: {  	v11 =	vmul.f32 v13, v11;
	_ =	sdelay $0x1  }
0x188: {  	v13 =	vld [tilespmem:s15+$0xFFFFFFE0];
	[tilespmem:s15+$0xFFFFFFD0] =	vst v11;
	v5 =	vmul.f32 v6, v5  }
0x189: {  	v6 =	vld [tilespmem:s26+$0x50]  }
0x18a: {  	[tilespmem:s15+$0xFFFFFF50] =	vst v5  }
0x18b: {  	v5 =	vld [tilespmem:s26+$0xFFFFFFD0];
	_ =	sdelay $0x2  }
0x18c: {  	v6 =	vmul.f32 v6, v13;
	_ =	sdelay $0x1  }
0x18d: {  	v11 =	vld [tilespmem:s15+$0xFFFFFFF0];
	[tilespmem:s15+$0xFFFFFFE0] =	vst v6;
	v4 =	vmul.f32 v5, v4  }
0x18e: {  	v5 =	vld [tilespmem:s26+$0x60]  }
0x18f: {  	[tilespmem:s15+$0xFFFFFF60] =	vst v4  }
0x190: {  	v4 =	vld [tilespmem:s26+$0xFFFFFFE0];
	_ =	sdelay $0x2  }
0x191: {  	v5 =	vmul.f32 v5, v11  }
0x192: {  	v2 =	vmul.f32 v10, v2  }
0x193: {  	v6 =	vld [tilespmem:s15+$0x0];
	[tilespmem:s15+$0xFFFFFFF0] =	vst v5;
	v4 =	vmul.f32 v4, v7  }
0x194: {  	[tilespmem:s7+$0xFFFFFF70] =	vst v2;
	v2 =	vld [tilespmem:s26+$0x70]  }
0x195: {  	v5 =	vld [tilespmem:s17+$0xFFFFFFF0];
	[tilespmem:s15+$0xFFFFFF70] =	vst v4  }
0x196: {  	v4 =	vld [tilespmem:s26+$0xFFFFFFF0];
	_ =	sdelay $0x1  }
0x197: {  	v1 =	vmul.f32 v9, v1  }
0x198: {  	[tilespmem:s7+$0x0] =	vst v12;
	v2 =	vmul.f32 v2, v6  }
0x199: {  	[tilespmem:s31+$0xFFFFFF80] =	vst v1;
	v1 =	vmul.f32 v5, v3  }
0x19a: {  	[tilespmem:s15+$0x0] =	vst v2;
	v2 =	vmul.f32 v4, v8  }
0x19b: {  	[tilespmem:s7+$0xFFFFFF80] =	vst v1  }
0x19c: {  	s1 =	sadd.s32 $0x80, s1;
	s19 =	sshll.u32 s24, $0x8;
	s18 =	sadd.s32 $0x2, s18;
	[tilespmem:s15+$0xFFFFFF80] =	vst v2  }
0x19d: {  	[tilespmem:s8], [sflag:$0x2] =	stream.indirect.gather [hbm4b:s2+s0], $0x80, s1, s0, $0xb8;
	[tilespmem:$0x1E100] =	vst v63  }
0x19e: {  	s23 =	sadd.s32 s21, s18;
	s1 =	sand.u32 $0x3FFFFF00, s19  }
0x19f: {  	s7 =	smul.u32 $0x50, s23;
	s1 =	sadd.s32 $0x1900, s1  }
0x1a0: {  	[spmem:s4] =	stream.indirect.scatter.add.f32 [tilespmem:s29], [sflag:$0x5], $0x80, s1, s13, $0xb8;
	[tilespmem:$0x1E100] =	vst v63  }
0x1a1: {  	s26 =	sadd.s32 s22, s7;
	_ =	swait.ge [sflag:s14], $0x2800  }
0x1a2: {  	s1 =	sshll.u32 s26, $0x4;
	[sflag:s14] =	ssyncset.done $0x0  }
0x1a3: {  	s1 =	sadd.s32 s3, s1;
	[sflag:s14] =	ssyncadd.s32 $0xFFFFD800  }
0x1a4: {  	[tilespmem:s29], [sflag:$0x3] =	stream.linear.gather [hbm4b:s1+s6], $0x2800, $0x38;
	[tilespmem:$0x1E100] =	vst v63  }
0x1a5: {  	_ =	swait.ge [sflag:s10], $0x1400  }
0x1a6: {  	[sflag:s10] =	ssyncset.done $0x0  }
0x1a7: {  	[sflag:s10] =	ssyncadd.s32 $0xFFFFEC00  }
0x1a8: {  	_ =	swait.ge [sflag:s28], $0x2800  }
0x1a9: {  	[sflag:s28] =	ssyncset.done $0x0  }
0x1aa: {  	s1 =	simm.s32 $0x7980;
	[sflag:s28] =	ssyncadd.s32 $0xFFFFD800  }
0x1ab: {  	s23 =	simm.s32 $0x2980;
	v1 =	vld [tilespmem:s1+$0x0]  }
0x1ac: {  	v2 =	vld [tilespmem:s23+$0x0];
	_ =	sdelay $0x3  }
0x1ad: {  	v3 =	vld [tilespmem:s1+$0xFFFFFF80]  }
0x1ae: {  	v1 =	vmul.f32 v2, v1;
	v2 =	vld [tilespmem:s23+$0xFFFFFF80];
	_ =	sdelay $0x1  }
0x1af: {  	[tilespmem:s1+$0x0] =	vst v1;
	v1 =	vld [tilespmem:s1+$0x10]  }
0x1b0: {  	v4 =	vld [tilespmem:s23+$0x10];
	_ =	sdelay $0x1  }
0x1b1: {  	v2 =	vmul.f32 v2, v3;
	_ =	sdelay $0x1  }
0x1b2: {  	v5 =	vld [tilespmem:s1+$0xFFFFFF90];
	[tilespmem:s1+$0xFFFFFF80] =	vst v2  }
0x1b3: {  	v1 =	vmul.f32 v4, v1;
	v2 =	vld [tilespmem:s23+$0xFFFFFF90];
	_ =	sdelay $0x1  }
0x1b4: {  	[tilespmem:s1+$0x10] =	vst v1;
	v1 =	vld [tilespmem:s1+$0x20]  }
0x1b5: {  	v4 =	vld [tilespmem:s23+$0x20]  }
0x1b6: {  	v6 =	vld [tilespmem:s1+$0xFFFFFFB0]  }
0x1b7: {  	s7 =	simm.s32 $0x7A80;
	v7 =	vld [tilespmem:s1+$0xFFFFFFD0];
	v2 =	vmul.f32 v2, v5  }
0x1b8: {  	v8 =	vld [tilespmem:s7+$0x0]  }
0x1b9: {  	v3 =	vld [tilespmem:s1+$0xFFFFFFA0];
	[tilespmem:s1+$0xFFFFFF90] =	vst v2  }
0x1ba: {  	v1 =	vmul.f32 v4, v1;
	v2 =	vld [tilespmem:s23+$0xFFFFFFA0]  }
0x1bb: {  	v9 =	vld [tilespmem:s1+$0xFFFFFFE0]  }
0x1bc: {  	[tilespmem:s1+$0x20] =	vst v1;
	v1 =	vld [tilespmem:s1+$0x30]  }
0x1bd: {  	s17 =	simm.s32 $0x2A80;
	v4 =	vld [tilespmem:s23+$0x30]  }
0x1be: {  	v11 =	vld [tilespmem:s17+$0xFFFFFF80]  }
0x1bf: {  	v2 =	vmul.f32 v2, v3;
	v3 =	vld [tilespmem:s17+$0x0]  }
0x1c0: {  	v13 =	vld [tilespmem:s7+$0xFFFFFF90]  }
0x1c1: {  	s15 =	simm.s32 $0x2B80;
	v14 =	vld [tilespmem:s7+$0xFFFFFFD0]  }
0x1c2: {  	v16 =	vld [tilespmem:s15+$0xFFFFFF80];
	v1 =	vmul.f32 v4, v1  }
0x1c3: {  	[tilespmem:s1+$0xFFFFFFA0] =	vst v2;
	v2 =	vld [tilespmem:s1+$0x40]  }
0x1c4: {  	[tilespmem:s1+$0x30] =	vst v1;
	v3 =	vmul.f32 v3, v8;
	v8 =	vld [tilespmem:s7+$0xFFFFFF80]  }
0x1c5: {  	s31 =	simm.s32 $0x7B80;
	v10 =	vld [tilespmem:s23+$0x40]  }
0x1c6: {  	v17 =	vld [tilespmem:s31+$0xFFFFFF80]  }
0x1c7: {  	v4 =	vld [tilespmem:s23+$0xFFFFFFB0]  }
0x1c8: {  	v18 =	vld [tilespmem:s7+$0x50]  }
0x1c9: {  	[tilespmem:s7+$0x0] =	vst v3;
	v3 =	vld [tilespmem:s7+$0x10];
	v8 =	vmul.f32 v11, v8  }
0x1ca: {  	v12 =	vld [tilespmem:s17+$0x10];
	v2 =	vmul.f32 v10, v2  }
0x1cb: {  	v10 =	vld [tilespmem:s1+$0x50];
	[tilespmem:s7+$0xFFFFFF80] =	vst v8  }
0x1cc: {  	[tilespmem:s1+$0x40] =	vst v2;
	v2 =	vmul.f32 v4, v6;
	v6 =	vld [tilespmem:s17+$0xFFFFFF90]  }
0x1cd: {  	v4 =	vld [tilespmem:s23+$0x50]  }
0x1ce: {  	v58 =	vld [tilespmem:s31+$0xFFFFFFA0]  }
0x1cf: {  	v5 =	vld [tilespmem:s1+$0xFFFFFFC0];
	v3 =	vmul.f32 v12, v3;
	[tilespmem:s1+$0xFFFFFFB0] =	vst v2  }
0x1d0: {  	v2 =	vld [tilespmem:s23+$0xFFFFFFC0]  }
0x1d1: {  	[tilespmem:s7+$0x10] =	vst v3;
	v3 =	vld [tilespmem:s7+$0x20]  }
0x1d2: {  	v6 =	vmul.f32 v6, v13;
	v4 =	vmul.f32 v4, v10;
	v10 =	vld [tilespmem:s17+$0x20]  }
0x1d3: {  	v19 =	vld [tilespmem:s7+$0x60]  }
0x1d4: {  	v16 =	vmul.f32 v16, v17;
	v11 =	vld [tilespmem:s7+$0xFFFFFFA0];
	[tilespmem:s7+$0xFFFFFF90] =	vst v6  }
0x1d5: {  	v2 =	vmul.f32 v2, v5;
	v5 =	vld [tilespmem:s17+$0xFFFFFFA0]  }
0x1d6: {  	v61 =	vld [tilespmem:s7+$0x70];
	[tilespmem:s31+$0xFFFFFF80] =	vst v16  }
0x1d7: {  	v16 =	vld [tilespmem:s15+$0xFFFFFF90];
	[tilespmem:s1+$0xFFFFFFC0] =	vst v2;
	v2 =	vmul.f32 v10, v3  }
0x1d8: {  	v1 =	vld [tilespmem:s1+$0xFFFFFFF0]  }
0x1d9: {  	v6 =	vld [tilespmem:s7+$0x30];
	[tilespmem:s7+$0x20] =	vst v2  }
0x1da: {  	v5 =	vmul.f32 v5, v11;
	v11 =	vld [tilespmem:s17+$0x30]  }
0x1db: {  	v3 =	vld [tilespmem:s23+$0xFFFFFFD0]  }
0x1dc: {  	v8 =	vld [tilespmem:s7+$0xFFFFFFB0]  }
0x1dd: {  	v12 =	vld [tilespmem:s1+$0x60];
	[tilespmem:s1+$0x50] =	vst v4  }
0x1de: {  	v4 =	vld [tilespmem:s23+$0x60]  }
0x1df: {  	[tilespmem:s7+$0xFFFFFFA0] =	vst v5;
	v5 =	vld [tilespmem:s31+$0x0];
	v6 =	vmul.f32 v11, v6  }
0x1e0: {  	v3 =	vmul.f32 v3, v7;
	v7 =	vld [tilespmem:s15+$0x0]  }
0x1e1: {  	v11 =	vld [tilespmem:s7+$0x40];
	[tilespmem:s7+$0x30] =	vst v6  }
0x1e2: {  	v6 =	vld [tilespmem:s17+$0x40]  }
0x1e3: {  	v13 =	vld [tilespmem:s7+$0xFFFFFFC0];
	v4 =	vmul.f32 v4, v12  }
0x1e4: {  	v10 =	vld [tilespmem:s1+$0x70]  }
0x1e5: {  	[tilespmem:s1+$0x60] =	vst v4;
	v4 =	vld [tilespmem:s17+$0xFFFFFFB0];
	v5 =	vmul.f32 v7, v5  }
0x1e6: {  	v7 =	vld [tilespmem:s31+$0xFFFFFF90]  }
0x1e7: {  	[tilespmem:s31+$0x0] =	vst v5;
	v5 =	vld [tilespmem:s31+$0x10];
	v6 =	vmul.f32 v6, v11  }
0x1e8: {  	v11 =	vld [tilespmem:s15+$0x10]  }
0x1e9: {  	v2 =	vld [tilespmem:s7+$0xFFFFFFE0];
	[tilespmem:s7+$0x40] =	vst v6  }
0x1ea: {  	v4 =	vmul.f32 v4, v8;
	v8 =	vld [tilespmem:s17+$0x50]  }
0x1eb: {  	v12 =	vld [tilespmem:s23+$0x70];
	[tilespmem:s1+$0xFFFFFFD0] =	vst v3  }
0x1ec: {  	v3 =	vld [tilespmem:s7+$0xFFFFFFF0];
	[tilespmem:s7+$0xFFFFFFB0] =	vst v4;
	v7 =	vmul.f32 v16, v7  }
0x1ed: {  	v4 =	vmul.f32 v11, v5;
	v11 =	vld [tilespmem:s17+$0xFFFFFFC0]  }
0x1ee: {  	v15 =	vld [tilespmem:s23+$0xFFFFFFE0];
	[tilespmem:s31+$0xFFFFFF90] =	vst v7  }
0x1ef: {  	v7 =	vld [tilespmem:s31+$0xFFFFFFE0];
	[tilespmem:s31+$0x10] =	vst v4;
	v4 =	vmul.f32 v8, v18  }
0x1f0: {  	v8 =	vld [tilespmem:s31+$0x20]  }
0x1f1: {  	v59 =	vld [tilespmem:s15+$0x20];
	[tilespmem:s7+$0x50] =	vst v4  }
0x1f2: {  	v11 =	vmul.f32 v11, v13;
	v13 =	vld [tilespmem:s17+$0x60]  }
0x1f3: {  	v6 =	vld [tilespmem:s31+$0xFFFFFFB0]  }
0x1f4: {  	v60 =	vld [tilespmem:s15+$0xFFFFFFA0];
	[tilespmem:s7+$0xFFFFFFC0] =	vst v11  }
0x1f5: {  	v11 =	vld [tilespmem:s17+$0xFFFFFFD0]  }
0x1f6: {  	v5 =	vld [tilespmem:s31+$0xFFFFFFC0];
	v8 =	vmul.f32 v59, v8  }
0x1f7: {  	v4 =	vld [tilespmem:s31+$0xFFFFFFD0];
	v13 =	vmul.f32 v13, v19  }
0x1f8: {  	[tilespmem:s31+$0x20] =	vst v8;
	v8 =	vmul.f32 v15, v9;
	v15 =	vld [tilespmem:s31+$0x30]  }
0x1f9: {  	v9 =	vmul.f32 v60, v58;
	v62 =	vld [tilespmem:s15+$0x30];
	[tilespmem:s7+$0x60] =	vst v13  }
0x1fa: {  	[tilespmem:s1+$0xFFFFFFE0] =	vst v8;
	v8 =	vmul.f32 v11, v14;
	v63 =	vld [tilespmem:s17+$0x70]  }
0x1fb: {  	[tilespmem:s31+$0xFFFFFFA0] =	vst v9;
	v9 =	vld [tilespmem:s23+$0xFFFFFFF0]  }
0x1fc: {  	v13 =	vld [tilespmem:s15+$0xFFFFFFB0];
	[tilespmem:s7+$0xFFFFFFD0] =	vst v8  }
0x1fd: {  	v11 =	vmul.f32 v12, v10;
	v10 =	vld [tilespmem:s17+$0xFFFFFFE0]  }
0x1fe: {  	v8 =	vld [tilespmem:s31+$0xFFFFFFF0];
	v14 =	vmul.f32 v62, v15  }
0x1ff: {  	s16 =	simm.s32 $0x4;
	s19 =	simm.s32 $0x7C80;
	s23 =	simm.s32 $0x2B80;
	[tilespmem:s1+$0x70] =	vst v11;
	v11 =	vld [tilespmem:s31+$0x40];
	v12 =	vmul.f32 v63, v61  }
.LBB2_10:
0x200: {  	v15 =	vld [tilespmem:s19+$0x0];
	[tilespmem:s31+$0x30] =	vst v14;
	s15 =	sadd.s32 $0x100, s15;
	v9 =	vmul.f32 v9, v1;
	v1 =	vmov v3  }
0x201: {  	v14 =	vld [tilespmem:s15+$0x0];
	v13 =	vmul.f32 v13, v6;
	[tilespmem:s7+$0x70] =	vst v12  }
0x202: {  	s16 =	sadd.s32 $0x2, s16;
	v6 =	vld [tilespmem:s23+$0x40];
	v10 =	vmul.f32 v10, v2;
	[tilespmem:s1+$0xFFFFFFF0] =	vst v9;
	v2 =	vmov v7;
	s1 =	smov.u32 s7;
	s7 =	smov.u32 s31  }
0x203: {  	p0 =	slt.u32 s16, $0x26;
	s31 =	smov.u32 s19;
	v7 =	vld [tilespmem:s15+$0xFFFFFF80];
	[tilespmem:s7+$0xFFFFFFB0] =	vst v13;
	v3 =	vmov v8  }
0x204: {  	v8 =	vld [tilespmem:s19+$0xFFFFFF80];
	[tilespmem:s1+$0xFFFFFFE0] =	vst v10  }
0x205: {  	v9 =	vld [tilespmem:s19+$0xFFFFFF90]  }
0x206: {  	v10 =	vld [tilespmem:s19+$0xFFFFFFA0];
	v12 =	vmul.f32 v14, v15  }
0x207: {  	v6 =	vmul.f32 v6, v11;
	v11 =	vld [tilespmem:s7+$0x50]  }
0x208: {  	[tilespmem:s19+$0x0] =	vst v12;
	v12 =	vld [tilespmem:s19+$0x10]  }
0x209: {  	v7 =	vmul.f32 v7, v8;
	v8 =	vld [tilespmem:s15+$0x10];
	[tilespmem:s7+$0x40] =	vst v6  }
0x20a: {  	v13 =	vld [tilespmem:s23+$0x50]  }
0x20b: {  	[tilespmem:s19+$0xFFFFFF80] =	vst v7;
	v6 =	vld [tilespmem:s19+$0xFFFFFFB0]  }
0x20c: {  	v7 =	vld [tilespmem:s15+$0xFFFFFF90]  }
0x20d: {  	v14 =	vld [tilespmem:s23+$0xFFFFFFC0]  }
0x20e: {  	v15 =	vld [tilespmem:s19+$0xFFFFFFC0];
	v8 =	vmul.f32 v8, v12  }
0x20f: {  	v11 =	vmul.f32 v13, v11;
	v12 =	vld [tilespmem:s7+$0x60]  }
0x210: {  	[tilespmem:s19+$0x10] =	vst v8;
	v8 =	vld [tilespmem:s19+$0x20]  }
0x211: {  	v7 =	vmul.f32 v7, v9;
	v9 =	vld [tilespmem:s15+$0x20];
	[tilespmem:s7+$0x50] =	vst v11  }
0x212: {  	v11 =	vmul.f32 v14, v5;
	v13 =	vld [tilespmem:s23+$0x60]  }
0x213: {  	[tilespmem:s19+$0xFFFFFF90] =	vst v7;
	v14 =	vld [tilespmem:s19+$0xFFFFFFD0];
	v5 =	vmov v15  }
0x214: {  	v15 =	vld [tilespmem:s15+$0xFFFFFFA0];
	[tilespmem:s7+$0xFFFFFFC0] =	vst v11  }
0x215: {  	v11 =	vld [tilespmem:s23+$0xFFFFFFD0]  }
0x216: {  	v7 =	vld [tilespmem:s19+$0xFFFFFFE0];
	v8 =	vmul.f32 v9, v8  }
0x217: {  	v9 =	vmul.f32 v13, v12;
	v12 =	vld [tilespmem:s7+$0x70]  }
0x218: {  	[tilespmem:s19+$0x20] =	vst v8;
	v16 =	vld [tilespmem:s19+$0x30]  }
0x219: {  	v8 =	vmul.f32 v15, v10;
	v15 =	vld [tilespmem:s15+$0x30];
	[tilespmem:s7+$0x60] =	vst v9  }
0x21a: {  	v10 =	vmul.f32 v11, v4;
	v17 =	vld [tilespmem:s23+$0x70];
	v4 =	vmov v14  }
.Ltmp3:
0x21b: {  	[tilespmem:s19+$0xFFFFFFA0] =	vst v8;
	v9 =	vld [tilespmem:s17+$0xFFFFFFF0];
	s17 =	smov.u32 s23;
	s23 =	smov.u32 s15;
	(pc) =	sbr.rel @p0 .LBB2_10-.Ltmp3, $4  }
0x21c: {  	v13 =	vld [tilespmem:s15+$0xFFFFFFB0];
	[tilespmem:s7+$0xFFFFFFD0] =	vst v10  }
0x21d: {  	v10 =	vld [tilespmem:s17+$0xFFFFFFE0]  }
0x21e: {  	v8 =	vld [tilespmem:s19+$0xFFFFFFF0];
	v14 =	vmul.f32 v15, v16  }
0x21f: {  	s19 =	sadd.s32 $0x100, s19;
	v11 =	vld [tilespmem:s31+$0x40];
	v12 =	vmul.f32 v17, v12  }
0x220: {  	_ = 	snop  }
0x221: {  	[tilespmem:s31+$0x30] =	vst v14;
	v6 =	vmul.f32 v13, v6  }
0x222: {  	v13 =	vld [tilespmem:s23+$0x40]  }
0x223: {  	[tilespmem:s31+$0xFFFFFFB0] =	vst v6  }
0x224: {  	v6 =	vld [tilespmem:s23+$0xFFFFFFC0];
	_ =	sdelay $0x2  }
0x225: {  	v11 =	vmul.f32 v13, v11;
	_ =	sdelay $0x1  }
0x226: {  	v13 =	vld [tilespmem:s31+$0x50];
	[tilespmem:s31+$0x40] =	vst v11;
	v5 =	vmul.f32 v6, v5  }
0x227: {  	v6 =	vld [tilespmem:s23+$0x50]  }
0x228: {  	[tilespmem:s31+$0xFFFFFFC0] =	vst v5  }
0x229: {  	v5 =	vld [tilespmem:s23+$0xFFFFFFD0];
	_ =	sdelay $0x2  }
0x22a: {  	v6 =	vmul.f32 v6, v13;
	_ =	sdelay $0x1  }
0x22b: {  	v11 =	vld [tilespmem:s31+$0x60];
	[tilespmem:s31+$0x50] =	vst v6;
	v4 =	vmul.f32 v5, v4  }
0x22c: {  	v5 =	vld [tilespmem:s23+$0x60]  }
0x22d: {  	[tilespmem:s31+$0xFFFFFFD0] =	vst v4  }
0x22e: {  	v4 =	vld [tilespmem:s23+$0xFFFFFFE0];
	_ =	sdelay $0x2  }
0x22f: {  	v5 =	vmul.f32 v5, v11  }
0x230: {  	v2 =	vmul.f32 v10, v2  }
0x231: {  	v6 =	vld [tilespmem:s31+$0x70];
	[tilespmem:s31+$0x60] =	vst v5;
	v4 =	vmul.f32 v4, v7  }
0x232: {  	[tilespmem:s7+$0xFFFFFFE0] =	vst v2;
	v2 =	vld [tilespmem:s23+$0x70]  }
0x233: {  	v5 =	vld [tilespmem:s17+$0xFFFFFFF0];
	[tilespmem:s31+$0xFFFFFFE0] =	vst v4  }
0x234: {  	v4 =	vld [tilespmem:s23+$0xFFFFFFF0];
	_ =	sdelay $0x1  }
0x235: {  	v1 =	vmul.f32 v9, v1  }
0x236: {  	[tilespmem:s7+$0x70] =	vst v12;
	v2 =	vmul.f32 v2, v6  }
0x237: {  	[tilespmem:s1+$0xFFFFFFF0] =	vst v1;
	v1 =	vmul.f32 v5, v3  }
0x238: {  	[tilespmem:s31+$0x70] =	vst v2;
	v2 =	vmul.f32 v4, v8  }
0x239: {  	s26 =	sshll.u32 s18, $0x8;
	[tilespmem:s7+$0xFFFFFFF0] =	vst v1  }
0x23a: {  	s1 =	sand.u32 $0x3FFFFF00, s26;
	[tilespmem:s31+$0xFFFFFFF0] =	vst v2  }
0x23b: {  	[tilespmem:s5], [sflag:$0x1] =	stream.indirect.gather [hbm4b:s2+s0], $0x80, s1, s0, $0xb8;
	[tilespmem:$0x1E100] =	vst v63  }
0x23c: {  	_ =	swait.ge [sflag:s12], $0x1400  }
0x23d: {  	[sflag:s12] =	ssyncset.done $0x0  }
0x23e: {  	s18 =	simm.s32 $0x8DF0;
	[sflag:s12] =	ssyncadd.s32 $0xFFFFEC00  }
0x23f: {  	s26 =	simm.s32 $0x3D80;
	v1 =	vld [tilespmem:s18+$0xFFFFFF90]  }
0x240: {  	v2 =	vld [tilespmem:s26+$0x0];
	_ =	sdelay $0x3  }
0x241: {  	v3 =	vld [tilespmem:s18+$0xFFFFFF10]  }
0x242: {  	v1 =	vmul.f32 v2, v1;
	v2 =	vld [tilespmem:s26+$0xFFFFFF80];
	_ =	sdelay $0x1  }
0x243: {  	[tilespmem:s18+$0xFFFFFF90] =	vst v1;
	v1 =	vld [tilespmem:s18+$0xFFFFFFA0]  }
0x244: {  	v4 =	vld [tilespmem:s26+$0x10];
	_ =	sdelay $0x1  }
0x245: {  	v2 =	vmul.f32 v2, v3;
	_ =	sdelay $0x1  }
0x246: {  	v5 =	vld [tilespmem:s18+$0xFFFFFF20];
	[tilespmem:s18+$0xFFFFFF10] =	vst v2  }
0x247: {  	v1 =	vmul.f32 v4, v1;
	v2 =	vld [tilespmem:s26+$0xFFFFFF90];
	_ =	sdelay $0x1  }
0x248: {  	[tilespmem:s18+$0xFFFFFFA0] =	vst v1;
	v1 =	vld [tilespmem:s18+$0xFFFFFFB0]  }
0x249: {  	v4 =	vld [tilespmem:s26+$0x20]  }
0x24a: {  	v6 =	vld [tilespmem:s18+$0xFFFFFF40]  }
0x24b: {  	s7 =	simm.s32 $0x8EF0;
	v7 =	vld [tilespmem:s18+$0xFFFFFF60];
	v2 =	vmul.f32 v2, v5  }
0x24c: {  	v8 =	vld [tilespmem:s7+$0xFFFFFF90]  }
0x24d: {  	v3 =	vld [tilespmem:s18+$0xFFFFFF30];
	[tilespmem:s18+$0xFFFFFF20] =	vst v2  }
0x24e: {  	v1 =	vmul.f32 v4, v1;
	v2 =	vld [tilespmem:s26+$0xFFFFFFA0]  }
0x24f: {  	v9 =	vld [tilespmem:s18+$0xFFFFFF70]  }
0x250: {  	[tilespmem:s18+$0xFFFFFFB0] =	vst v1;
	v1 =	vld [tilespmem:s18+$0xFFFFFFC0]  }
0x251: {  	s17 =	simm.s32 $0x3E80;
	v4 =	vld [tilespmem:s26+$0x30]  }
0x252: {  	v11 =	vld [tilespmem:s17+$0xFFFFFF80]  }
0x253: {  	v2 =	vmul.f32 v2, v3;
	v3 =	vld [tilespmem:s17+$0x0]  }
0x254: {  	v13 =	vld [tilespmem:s7+$0xFFFFFF20]  }
0x255: {  	s23 =	simm.s32 $0x3F80;
	v14 =	vld [tilespmem:s7+$0xFFFFFF60]  }
0x256: {  	v16 =	vld [tilespmem:s23+$0xFFFFFF80];
	v1 =	vmul.f32 v4, v1  }
0x257: {  	[tilespmem:s18+$0xFFFFFF30] =	vst v2;
	v2 =	vld [tilespmem:s18+$0xFFFFFFD0]  }
0x258: {  	[tilespmem:s18+$0xFFFFFFC0] =	vst v1;
	v3 =	vmul.f32 v3, v8;
	v8 =	vld [tilespmem:s7+$0xFFFFFF10]  }
0x259: {  	s15 =	simm.s32 $0x8FF0;
	v10 =	vld [tilespmem:s26+$0x40]  }
0x25a: {  	v17 =	vld [tilespmem:s15+$0xFFFFFF10]  }
0x25b: {  	v4 =	vld [tilespmem:s26+$0xFFFFFFB0]  }
0x25c: {  	v18 =	vld [tilespmem:s7+$0xFFFFFFE0]  }
0x25d: {  	[tilespmem:s7+$0xFFFFFF90] =	vst v3;
	v3 =	vld [tilespmem:s7+$0xFFFFFFA0];
	v8 =	vmul.f32 v11, v8  }
0x25e: {  	v12 =	vld [tilespmem:s17+$0x10];
	v2 =	vmul.f32 v10, v2  }
0x25f: {  	v10 =	vld [tilespmem:s18+$0xFFFFFFE0];
	[tilespmem:s7+$0xFFFFFF10] =	vst v8  }
0x260: {  	[tilespmem:s18+$0xFFFFFFD0] =	vst v2;
	v2 =	vmul.f32 v4, v6;
	v6 =	vld [tilespmem:s17+$0xFFFFFF90]  }
0x261: {  	v4 =	vld [tilespmem:s26+$0x50]  }
0x262: {  	v58 =	vld [tilespmem:s15+$0xFFFFFF30]  }
0x263: {  	v5 =	vld [tilespmem:s18+$0xFFFFFF50];
	v3 =	vmul.f32 v12, v3;
	[tilespmem:s18+$0xFFFFFF40] =	vst v2  }
0x264: {  	v2 =	vld [tilespmem:s26+$0xFFFFFFC0]  }
0x265: {  	[tilespmem:s7+$0xFFFFFFA0] =	vst v3;
	v3 =	vld [tilespmem:s7+$0xFFFFFFB0]  }
0x266: {  	v6 =	vmul.f32 v6, v13;
	v4 =	vmul.f32 v4, v10;
	v10 =	vld [tilespmem:s17+$0x20]  }
0x267: {  	v19 =	vld [tilespmem:s7+$0xFFFFFFF0]  }
0x268: {  	v16 =	vmul.f32 v16, v17;
	v11 =	vld [tilespmem:s7+$0xFFFFFF30];
	[tilespmem:s7+$0xFFFFFF20] =	vst v6  }
0x269: {  	v2 =	vmul.f32 v2, v5;
	v5 =	vld [tilespmem:s17+$0xFFFFFFA0]  }
0x26a: {  	v61 =	vld [tilespmem:s7+$0x0];
	[tilespmem:s15+$0xFFFFFF10] =	vst v16  }
0x26b: {  	v16 =	vld [tilespmem:s23+$0xFFFFFF90];
	[tilespmem:s18+$0xFFFFFF50] =	vst v2;
	v2 =	vmul.f32 v10, v3  }
0x26c: {  	v1 =	vld [tilespmem:s18+$0xFFFFFF80]  }
0x26d: {  	v6 =	vld [tilespmem:s7+$0xFFFFFFC0];
	[tilespmem:s7+$0xFFFFFFB0] =	vst v2  }
0x26e: {  	v5 =	vmul.f32 v5, v11;
	v11 =	vld [tilespmem:s17+$0x30]  }
0x26f: {  	v3 =	vld [tilespmem:s26+$0xFFFFFFD0]  }
0x270: {  	v8 =	vld [tilespmem:s7+$0xFFFFFF40]  }
0x271: {  	v12 =	vld [tilespmem:s18+$0xFFFFFFF0];
	[tilespmem:s18+$0xFFFFFFE0] =	vst v4  }
0x272: {  	v4 =	vld [tilespmem:s26+$0x60]  }
0x273: {  	[tilespmem:s7+$0xFFFFFF30] =	vst v5;
	v5 =	vld [tilespmem:s15+$0xFFFFFF90];
	v6 =	vmul.f32 v11, v6  }
0x274: {  	v3 =	vmul.f32 v3, v7;
	v7 =	vld [tilespmem:s23+$0x0]  }
0x275: {  	v11 =	vld [tilespmem:s7+$0xFFFFFFD0];
	[tilespmem:s7+$0xFFFFFFC0] =	vst v6  }
0x276: {  	v6 =	vld [tilespmem:s17+$0x40]  }
0x277: {  	v13 =	vld [tilespmem:s7+$0xFFFFFF50];
	v4 =	vmul.f32 v4, v12  }
0x278: {  	v10 =	vld [tilespmem:s18+$0x0]  }
0x279: {  	[tilespmem:s18+$0xFFFFFFF0] =	vst v4;
	v4 =	vld [tilespmem:s17+$0xFFFFFFB0];
	v5 =	vmul.f32 v7, v5  }
0x27a: {  	v7 =	vld [tilespmem:s15+$0xFFFFFF20]  }
0x27b: {  	[tilespmem:s15+$0xFFFFFF90] =	vst v5;
	v5 =	vld [tilespmem:s15+$0xFFFFFFA0];
	v6 =	vmul.f32 v6, v11  }
0x27c: {  	v11 =	vld [tilespmem:s23+$0x10]  }
0x27d: {  	v2 =	vld [tilespmem:s7+$0xFFFFFF70];
	[tilespmem:s7+$0xFFFFFFD0] =	vst v6  }
0x27e: {  	v4 =	vmul.f32 v4, v8;
	v8 =	vld [tilespmem:s17+$0x50]  }
0x27f: {  	v12 =	vld [tilespmem:s26+$0x70];
	[tilespmem:s18+$0xFFFFFF60] =	vst v3  }
0x280: {  	v3 =	vld [tilespmem:s7+$0xFFFFFF80];
	[tilespmem:s7+$0xFFFFFF40] =	vst v4;
	v7 =	vmul.f32 v16, v7  }
0x281: {  	v4 =	vmul.f32 v11, v5;
	v11 =	vld [tilespmem:s17+$0xFFFFFFC0]  }
0x282: {  	v15 =	vld [tilespmem:s26+$0xFFFFFFE0];
	[tilespmem:s15+$0xFFFFFF20] =	vst v7  }
0x283: {  	v7 =	vld [tilespmem:s15+$0xFFFFFF70];
	[tilespmem:s15+$0xFFFFFFA0] =	vst v4;
	v4 =	vmul.f32 v8, v18  }
0x284: {  	v8 =	vld [tilespmem:s15+$0xFFFFFFB0]  }
0x285: {  	v59 =	vld [tilespmem:s23+$0x20];
	[tilespmem:s7+$0xFFFFFFE0] =	vst v4  }
0x286: {  	v11 =	vmul.f32 v11, v13;
	v13 =	vld [tilespmem:s17+$0x60]  }
0x287: {  	v6 =	vld [tilespmem:s15+$0xFFFFFF40]  }
0x288: {  	v60 =	vld [tilespmem:s23+$0xFFFFFFA0];
	[tilespmem:s7+$0xFFFFFF50] =	vst v11  }
0x289: {  	v11 =	vld [tilespmem:s17+$0xFFFFFFD0]  }
0x28a: {  	v5 =	vld [tilespmem:s15+$0xFFFFFF50];
	v8 =	vmul.f32 v59, v8  }
0x28b: {  	v4 =	vld [tilespmem:s15+$0xFFFFFF60];
	v13 =	vmul.f32 v13, v19  }
0x28c: {  	[tilespmem:s15+$0xFFFFFFB0] =	vst v8;
	v8 =	vmul.f32 v15, v9;
	v15 =	vld [tilespmem:s15+$0xFFFFFFC0]  }
0x28d: {  	v9 =	vmul.f32 v60, v58;
	v62 =	vld [tilespmem:s23+$0x30];
	[tilespmem:s7+$0xFFFFFFF0] =	vst v13  }
0x28e: {  	[tilespmem:s18+$0xFFFFFF70] =	vst v8;
	v8 =	vmul.f32 v11, v14;
	v63 =	vld [tilespmem:s17+$0x70]  }
0x28f: {  	[tilespmem:s15+$0xFFFFFF30] =	vst v9;
	v9 =	vld [tilespmem:s26+$0xFFFFFFF0]  }
0x290: {  	v13 =	vld [tilespmem:s23+$0xFFFFFFB0];
	[tilespmem:s7+$0xFFFFFF60] =	vst v8  }
0x291: {  	v11 =	vmul.f32 v12, v10;
	v10 =	vld [tilespmem:s17+$0xFFFFFFE0]  }
0x292: {  	v8 =	vld [tilespmem:s15+$0xFFFFFF80];
	v14 =	vmul.f32 v62, v15  }
0x293: {  	s16 =	simm.s32 $0x4;
	s19 =	simm.s32 $0x90F0;
	s26 =	simm.s32 $0x3F80;
	[tilespmem:s18+$0x0] =	vst v11;
	v11 =	vld [tilespmem:s15+$0xFFFFFFD0];
	v12 =	vmul.f32 v63, v61  }
.LBB2_12:
0x294: {  	v15 =	vld [tilespmem:s19+$0xFFFFFF90];
	[tilespmem:s15+$0xFFFFFFC0] =	vst v14;
	s23 =	sadd.s32 $0x100, s23;
	v9 =	vmul.f32 v9, v1;
	v1 =	vmov v3  }
0x295: {  	v14 =	vld [tilespmem:s23+$0x0];
	v13 =	vmul.f32 v13, v6;
	[tilespmem:s7+$0x0] =	vst v12  }
0x296: {  	s16 =	sadd.s32 $0x2, s16;
	v6 =	vld [tilespmem:s26+$0x40];
	v10 =	vmul.f32 v10, v2;
	[tilespmem:s18+$0xFFFFFF80] =	vst v9;
	v2 =	vmov v7;
	s18 =	smov.u32 s7;
	s7 =	smov.u32 s15  }
0x297: {  	p0 =	slt.u32 s16, $0x26;
	s15 =	smov.u32 s19;
	v7 =	vld [tilespmem:s23+$0xFFFFFF80];
	[tilespmem:s7+$0xFFFFFF40] =	vst v13;
	v3 =	vmov v8  }
0x298: {  	v8 =	vld [tilespmem:s19+$0xFFFFFF10];
	[tilespmem:s18+$0xFFFFFF70] =	vst v10  }
0x299: {  	v9 =	vld [tilespmem:s19+$0xFFFFFF20]  }
0x29a: {  	v10 =	vld [tilespmem:s19+$0xFFFFFF30];
	v12 =	vmul.f32 v14, v15  }
0x29b: {  	v6 =	vmul.f32 v6, v11;
	v11 =	vld [tilespmem:s7+$0xFFFFFFE0]  }
0x29c: {  	[tilespmem:s19+$0xFFFFFF90] =	vst v12;
	v12 =	vld [tilespmem:s19+$0xFFFFFFA0]  }
0x29d: {  	v7 =	vmul.f32 v7, v8;
	v8 =	vld [tilespmem:s23+$0x10];
	[tilespmem:s7+$0xFFFFFFD0] =	vst v6  }
0x29e: {  	v13 =	vld [tilespmem:s26+$0x50]  }
0x29f: {  	[tilespmem:s19+$0xFFFFFF10] =	vst v7;
	v6 =	vld [tilespmem:s19+$0xFFFFFF40]  }
0x2a0: {  	v7 =	vld [tilespmem:s23+$0xFFFFFF90]  }
0x2a1: {  	v14 =	vld [tilespmem:s26+$0xFFFFFFC0]  }
0x2a2: {  	v15 =	vld [tilespmem:s19+$0xFFFFFF50];
	v8 =	vmul.f32 v8, v12  }
0x2a3: {  	v11 =	vmul.f32 v13, v11;
	v12 =	vld [tilespmem:s7+$0xFFFFFFF0]  }
0x2a4: {  	[tilespmem:s19+$0xFFFFFFA0] =	vst v8;
	v8 =	vld [tilespmem:s19+$0xFFFFFFB0]  }
0x2a5: {  	v7 =	vmul.f32 v7, v9;
	v9 =	vld [tilespmem:s23+$0x20];
	[tilespmem:s7+$0xFFFFFFE0] =	vst v11  }
0x2a6: {  	v11 =	vmul.f32 v14, v5;
	v13 =	vld [tilespmem:s26+$0x60]  }
0x2a7: {  	[tilespmem:s19+$0xFFFFFF20] =	vst v7;
	v14 =	vld [tilespmem:s19+$0xFFFFFF60];
	v5 =	vmov v15  }
0x2a8: {  	v15 =	vld [tilespmem:s23+$0xFFFFFFA0];
	[tilespmem:s7+$0xFFFFFF50] =	vst v11  }
0x2a9: {  	v11 =	vld [tilespmem:s26+$0xFFFFFFD0]  }
0x2aa: {  	v7 =	vld [tilespmem:s19+$0xFFFFFF70];
	v8 =	vmul.f32 v9, v8  }
0x2ab: {  	v9 =	vmul.f32 v13, v12;
	v12 =	vld [tilespmem:s7+$0x0]  }
0x2ac: {  	[tilespmem:s19+$0xFFFFFFB0] =	vst v8;
	v16 =	vld [tilespmem:s19+$0xFFFFFFC0]  }
0x2ad: {  	v8 =	vmul.f32 v15, v10;
	v15 =	vld [tilespmem:s23+$0x30];
	[tilespmem:s7+$0xFFFFFFF0] =	vst v9  }
0x2ae: {  	v10 =	vmul.f32 v11, v4;
	v17 =	vld [tilespmem:s26+$0x70];
	v4 =	vmov v14  }
.Ltmp4:
0x2af: {  	[tilespmem:s19+$0xFFFFFF30] =	vst v8;
	v9 =	vld [tilespmem:s17+$0xFFFFFFF0];
	s17 =	smov.u32 s26;
	s26 =	smov.u32 s23;
	(pc) =	sbr.rel @p0 .LBB2_12-.Ltmp4, $4  }
0x2b0: {  	v13 =	vld [tilespmem:s23+$0xFFFFFFB0];
	[tilespmem:s7+$0xFFFFFF60] =	vst v10  }
0x2b1: {  	v10 =	vld [tilespmem:s17+$0xFFFFFFE0]  }
0x2b2: {  	v8 =	vld [tilespmem:s19+$0xFFFFFF80];
	v14 =	vmul.f32 v15, v16  }
0x2b3: {  	s19 =	sadd.s32 $0x100, s19;
	v11 =	vld [tilespmem:s15+$0xFFFFFFD0];
	v12 =	vmul.f32 v17, v12  }
0x2b4: {  	_ = 	snop  }
0x2b5: {  	[tilespmem:s15+$0xFFFFFFC0] =	vst v14;
	v6 =	vmul.f32 v13, v6  }
0x2b6: {  	v57 =	vld [tilespmem:s26+$0x40]  }
0x2b7: {  	[tilespmem:s15+$0xFFFFFF40] =	vst v6  }
0x2b8: {  	v6 =	vld [tilespmem:s26+$0xFFFFFFC0];
	_ =	sdelay $0x2  }
0x2b9: {  	v11 =	vmul.f32 v57, v11;
	_ =	sdelay $0x1  }
0x2ba: {  	v58 =	vld [tilespmem:s15+$0xFFFFFFE0];
	[tilespmem:s15+$0xFFFFFFD0] =	vst v11;
	v5 =	vmul.f32 v6, v5  }
0x2bb: {  	v59 =	vld [tilespmem:s26+$0x50]  }
0x2bc: {  	[tilespmem:s15+$0xFFFFFF50] =	vst v5  }
0x2bd: {  	v5 =	vld [tilespmem:s26+$0xFFFFFFD0];
	_ =	sdelay $0x2  }
0x2be: {  	v6 =	vmul.f32 v59, v58;
	_ =	sdelay $0x1  }
0x2bf: {  	v60 =	vld [tilespmem:s15+$0xFFFFFFF0];
	[tilespmem:s15+$0xFFFFFFE0] =	vst v6;
	v4 =	vmul.f32 v5, v4  }
0x2c0: {  	v61 =	vld [tilespmem:s26+$0x60]  }
0x2c1: {  	[tilespmem:s15+$0xFFFFFF60] =	vst v4  }
0x2c2: {  	v4 =	vld [tilespmem:s26+$0xFFFFFFE0];
	_ =	sdelay $0x2  }
0x2c3: {  	v5 =	vmul.f32 v61, v60  }
0x2c4: {  	v2 =	vmul.f32 v10, v2  }
0x2c5: {  	v62 =	vld [tilespmem:s15+$0x0];
	[tilespmem:s15+$0xFFFFFFF0] =	vst v5;
	v4 =	vmul.f32 v4, v7  }
0x2c6: {  	[tilespmem:s7+$0xFFFFFF70] =	vst v2;
	v2 =	vld [tilespmem:s26+$0x70]  }
0x2c7: {  	v63 =	vld [tilespmem:s17+$0xFFFFFFF0];
	[tilespmem:s15+$0xFFFFFF70] =	vst v4  }
0x2c8: {  	v4 =	vld [tilespmem:s26+$0xFFFFFFF0];
	_ =	sdelay $0x1  }
0x2c9: {  	v1 =	vmul.f32 v9, v1  }
0x2ca: {  	[tilespmem:s7+$0x0] =	vst v12;
	v2 =	vmul.f32 v2, v62  }
0x2cb: {  	[tilespmem:s18+$0xFFFFFF80] =	vst v1;
	v1 =	vmul.f32 v63, v3  }
0x2cc: {  	s24 =	sadd.s32 $0x1, s24;
	[tilespmem:s15+$0x0] =	vst v2;
	v2 =	vmul.f32 v4, v8  }
0x2cd: {  	p0 =	sne.s32 s24, $0xC;
	[tilespmem:s7+$0xFFFFFF80] =	vst v1  }
.Ltmp5:
0x2ce: {  	s1 =	sadd.s32 $0x80, s1;
	s31 =	sshll.u32 s25, $0x7;
	[tilespmem:s15+$0xFFFFFF80] =	vst v2;
	(pc) =	sbr.rel @p0 .LBB2_5-.Ltmp5, $4  }
0x2cf: {  	[tilespmem:s8], [sflag:$0x2] =	stream.indirect.gather [hbm4b:s2+s0], $0x80, s1, s0, $0xb8;
	[tilespmem:$0x1E100] =	vst v63  }
0x2d0: {  	s1 =	sand.u32 $0x3FFFFF80, s31  }
0x2d1: {  	s1 =	sadd.s32 $0x1900, s1  }
0x2d2: {  	[spmem:s4] =	stream.indirect.scatter.add.f32 [tilespmem:s9], [sflag:$0x6], $0x80, s1, s13, $0xb8;
	[tilespmem:$0x1E100] =	vst v63  }
0x2d3: {  	_ =	swait.ge [sflag:s10], $0x1400  }
0x2d4: {  	[sflag:s10] =	ssyncset.done $0x0  }
0x2d5: {  	[sflag:s10] =	ssyncadd.s32 $0xFFFFEC00  }
0x2d6: {  	_ =	swait.ge [sflag:s11], $0x2800  }
0x2d7: {  	[sflag:s11] =	ssyncset.done $0x0  }
0x2d8: {  	s1 =	simm.s32 $0x6;
	[sflag:s11] =	ssyncadd.s32 $0xFFFFD800  }
0x2d9: {  	_ =	swait.ge [sflag:s1], $0x2800  }
0x2da: {  	[sflag:s1] =	ssyncset.done $0x0  }
0x2db: {  	[sflag:s1] =	ssyncadd.s32 $0xFFFFD800;
	s1 =	simm.s32 $0x5180  }
0x2dc: {  	s21 =	simm.s32 $0x2980;
	v1 =	vld [tilespmem:s1+$0x0]  }
0x2dd: {  	v2 =	vld [tilespmem:s21+$0x0];
	_ =	sdelay $0x3  }
0x2de: {  	v3 =	vld [tilespmem:s1+$0xFFFFFF80]  }
0x2df: {  	v1 =	vmul.f32 v2, v1;
	v2 =	vld [tilespmem:s21+$0xFFFFFF80];
	_ =	sdelay $0x1  }
0x2e0: {  	[tilespmem:s1+$0x0] =	vst v1;
	v1 =	vld [tilespmem:s1+$0x10]  }
0x2e1: {  	v4 =	vld [tilespmem:s21+$0x10];
	_ =	sdelay $0x1  }
0x2e2: {  	v2 =	vmul.f32 v2, v3;
	_ =	sdelay $0x1  }
0x2e3: {  	v5 =	vld [tilespmem:s1+$0xFFFFFF90];
	[tilespmem:s1+$0xFFFFFF80] =	vst v2  }
0x2e4: {  	v1 =	vmul.f32 v4, v1;
	v2 =	vld [tilespmem:s21+$0xFFFFFF90];
	_ =	sdelay $0x1  }
0x2e5: {  	[tilespmem:s1+$0x10] =	vst v1;
	v1 =	vld [tilespmem:s1+$0x20]  }
0x2e6: {  	v4 =	vld [tilespmem:s21+$0x20]  }
0x2e7: {  	v6 =	vld [tilespmem:s1+$0xFFFFFFB0]  }
0x2e8: {  	s7 =	simm.s32 $0x5280;
	v7 =	vld [tilespmem:s1+$0xFFFFFFD0];
	v2 =	vmul.f32 v2, v5  }
0x2e9: {  	v8 =	vld [tilespmem:s7+$0x0]  }
0x2ea: {  	v3 =	vld [tilespmem:s1+$0xFFFFFFA0];
	[tilespmem:s1+$0xFFFFFF90] =	vst v2  }
0x2eb: {  	v1 =	vmul.f32 v4, v1;
	v2 =	vld [tilespmem:s21+$0xFFFFFFA0]  }
0x2ec: {  	v9 =	vld [tilespmem:s1+$0xFFFFFFE0]  }
0x2ed: {  	[tilespmem:s1+$0x20] =	vst v1;
	v1 =	vld [tilespmem:s1+$0x30]  }
0x2ee: {  	s17 =	simm.s32 $0x2A80;
	v4 =	vld [tilespmem:s21+$0x30]  }
0x2ef: {  	v11 =	vld [tilespmem:s17+$0xFFFFFF80]  }
0x2f0: {  	v2 =	vmul.f32 v2, v3;
	v3 =	vld [tilespmem:s17+$0x0]  }
0x2f1: {  	v13 =	vld [tilespmem:s7+$0xFFFFFF90]  }
0x2f2: {  	s18 =	simm.s32 $0x2B80;
	v14 =	vld [tilespmem:s7+$0xFFFFFFD0]  }
0x2f3: {  	v16 =	vld [tilespmem:s18+$0xFFFFFF80];
	v1 =	vmul.f32 v4, v1  }
0x2f4: {  	[tilespmem:s1+$0xFFFFFFA0] =	vst v2;
	v2 =	vld [tilespmem:s1+$0x40]  }
0x2f5: {  	[tilespmem:s1+$0x30] =	vst v1;
	v3 =	vmul.f32 v3, v8;
	v8 =	vld [tilespmem:s7+$0xFFFFFF80]  }
0x2f6: {  	s15 =	simm.s32 $0x5380;
	v10 =	vld [tilespmem:s21+$0x40]  }
0x2f7: {  	v17 =	vld [tilespmem:s15+$0xFFFFFF80]  }
0x2f8: {  	v4 =	vld [tilespmem:s21+$0xFFFFFFB0]  }
0x2f9: {  	v18 =	vld [tilespmem:s7+$0x50]  }
0x2fa: {  	[tilespmem:s7+$0x0] =	vst v3;
	v3 =	vld [tilespmem:s7+$0x10];
	v8 =	vmul.f32 v11, v8  }
0x2fb: {  	v12 =	vld [tilespmem:s17+$0x10];
	v2 =	vmul.f32 v10, v2  }
0x2fc: {  	v10 =	vld [tilespmem:s1+$0x50];
	[tilespmem:s7+$0xFFFFFF80] =	vst v8  }
0x2fd: {  	[tilespmem:s1+$0x40] =	vst v2;
	v2 =	vmul.f32 v4, v6;
	v6 =	vld [tilespmem:s17+$0xFFFFFF90]  }
0x2fe: {  	v4 =	vld [tilespmem:s21+$0x50]  }
0x2ff: {  	v58 =	vld [tilespmem:s15+$0xFFFFFFA0]  }
0x300: {  	v5 =	vld [tilespmem:s1+$0xFFFFFFC0];
	v3 =	vmul.f32 v12, v3;
	[tilespmem:s1+$0xFFFFFFB0] =	vst v2  }
0x301: {  	v2 =	vld [tilespmem:s21+$0xFFFFFFC0]  }
0x302: {  	[tilespmem:s7+$0x10] =	vst v3;
	v3 =	vld [tilespmem:s7+$0x20]  }
0x303: {  	v6 =	vmul.f32 v6, v13;
	v4 =	vmul.f32 v4, v10;
	v10 =	vld [tilespmem:s17+$0x20]  }
0x304: {  	v19 =	vld [tilespmem:s7+$0x60]  }
0x305: {  	v16 =	vmul.f32 v16, v17;
	v11 =	vld [tilespmem:s7+$0xFFFFFFA0];
	[tilespmem:s7+$0xFFFFFF90] =	vst v6  }
0x306: {  	v2 =	vmul.f32 v2, v5;
	v5 =	vld [tilespmem:s17+$0xFFFFFFA0]  }
0x307: {  	v61 =	vld [tilespmem:s7+$0x70];
	[tilespmem:s15+$0xFFFFFF80] =	vst v16  }
0x308: {  	v16 =	vld [tilespmem:s18+$0xFFFFFF90];
	[tilespmem:s1+$0xFFFFFFC0] =	vst v2;
	v2 =	vmul.f32 v10, v3  }
0x309: {  	v1 =	vld [tilespmem:s1+$0xFFFFFFF0]  }
0x30a: {  	v6 =	vld [tilespmem:s7+$0x30];
	[tilespmem:s7+$0x20] =	vst v2  }
0x30b: {  	v5 =	vmul.f32 v5, v11;
	v11 =	vld [tilespmem:s17+$0x30]  }
0x30c: {  	v3 =	vld [tilespmem:s21+$0xFFFFFFD0]  }
0x30d: {  	v8 =	vld [tilespmem:s7+$0xFFFFFFB0]  }
0x30e: {  	v12 =	vld [tilespmem:s1+$0x60];
	[tilespmem:s1+$0x50] =	vst v4  }
0x30f: {  	v4 =	vld [tilespmem:s21+$0x60]  }
0x310: {  	[tilespmem:s7+$0xFFFFFFA0] =	vst v5;
	v5 =	vld [tilespmem:s15+$0x0];
	v6 =	vmul.f32 v11, v6  }
0x311: {  	v3 =	vmul.f32 v3, v7;
	v7 =	vld [tilespmem:s18+$0x0]  }
0x312: {  	v11 =	vld [tilespmem:s7+$0x40];
	[tilespmem:s7+$0x30] =	vst v6  }
0x313: {  	v6 =	vld [tilespmem:s17+$0x40]  }
0x314: {  	v13 =	vld [tilespmem:s7+$0xFFFFFFC0];
	v4 =	vmul.f32 v4, v12  }
0x315: {  	v10 =	vld [tilespmem:s1+$0x70]  }
0x316: {  	[tilespmem:s1+$0x60] =	vst v4;
	v4 =	vld [tilespmem:s17+$0xFFFFFFB0];
	v5 =	vmul.f32 v7, v5  }
0x317: {  	v7 =	vld [tilespmem:s15+$0xFFFFFF90]  }
0x318: {  	[tilespmem:s15+$0x0] =	vst v5;
	v5 =	vld [tilespmem:s15+$0x10];
	v6 =	vmul.f32 v6, v11  }
0x319: {  	v11 =	vld [tilespmem:s18+$0x10]  }
0x31a: {  	v2 =	vld [tilespmem:s7+$0xFFFFFFE0];
	[tilespmem:s7+$0x40] =	vst v6  }
0x31b: {  	v4 =	vmul.f32 v4, v8;
	v8 =	vld [tilespmem:s17+$0x50]  }
0x31c: {  	v12 =	vld [tilespmem:s21+$0x70];
	[tilespmem:s1+$0xFFFFFFD0] =	vst v3  }
0x31d: {  	v3 =	vld [tilespmem:s7+$0xFFFFFFF0];
	[tilespmem:s7+$0xFFFFFFB0] =	vst v4;
	v7 =	vmul.f32 v16, v7  }
0x31e: {  	v4 =	vmul.f32 v11, v5;
	v11 =	vld [tilespmem:s17+$0xFFFFFFC0]  }
0x31f: {  	v15 =	vld [tilespmem:s21+$0xFFFFFFE0];
	[tilespmem:s15+$0xFFFFFF90] =	vst v7  }
0x320: {  	v7 =	vld [tilespmem:s15+$0xFFFFFFE0];
	[tilespmem:s15+$0x10] =	vst v4;
	v4 =	vmul.f32 v8, v18  }
0x321: {  	v8 =	vld [tilespmem:s15+$0x20]  }
0x322: {  	v59 =	vld [tilespmem:s18+$0x20];
	[tilespmem:s7+$0x50] =	vst v4  }
0x323: {  	v11 =	vmul.f32 v11, v13;
	v13 =	vld [tilespmem:s17+$0x60]  }
0x324: {  	v6 =	vld [tilespmem:s15+$0xFFFFFFB0]  }
0x325: {  	v60 =	vld [tilespmem:s18+$0xFFFFFFA0];
	[tilespmem:s7+$0xFFFFFFC0] =	vst v11  }
0x326: {  	v11 =	vld [tilespmem:s17+$0xFFFFFFD0]  }
0x327: {  	v5 =	vld [tilespmem:s15+$0xFFFFFFC0];
	v8 =	vmul.f32 v59, v8  }
0x328: {  	v4 =	vld [tilespmem:s15+$0xFFFFFFD0];
	v13 =	vmul.f32 v13, v19  }
0x329: {  	[tilespmem:s15+$0x20] =	vst v8;
	v8 =	vmul.f32 v15, v9;
	v15 =	vld [tilespmem:s15+$0x30]  }
0x32a: {  	v9 =	vmul.f32 v60, v58;
	v62 =	vld [tilespmem:s18+$0x30];
	[tilespmem:s7+$0x60] =	vst v13  }
0x32b: {  	[tilespmem:s1+$0xFFFFFFE0] =	vst v8;
	v8 =	vmul.f32 v11, v14;
	v63 =	vld [tilespmem:s17+$0x70]  }
0x32c: {  	[tilespmem:s15+$0xFFFFFFA0] =	vst v9;
	v9 =	vld [tilespmem:s21+$0xFFFFFFF0]  }
0x32d: {  	v13 =	vld [tilespmem:s18+$0xFFFFFFB0];
	[tilespmem:s7+$0xFFFFFFD0] =	vst v8  }
0x32e: {  	v11 =	vmul.f32 v12, v10;
	v10 =	vld [tilespmem:s17+$0xFFFFFFE0]  }
0x32f: {  	v8 =	vld [tilespmem:s15+$0xFFFFFFF0];
	v14 =	vmul.f32 v62, v15  }
0x330: {  	s16 =	simm.s32 $0x4;
	s19 =	simm.s32 $0x5480;
	s21 =	simm.s32 $0x2B80;
	[tilespmem:s1+$0x70] =	vst v11;
	v11 =	vld [tilespmem:s15+$0x40];
	v12 =	vmul.f32 v63, v61  }
.LBB2_15:
0x331: {  	v15 =	vld [tilespmem:s19+$0x0];
	[tilespmem:s15+$0x30] =	vst v14;
	s18 =	sadd.s32 $0x100, s18;
	v9 =	vmul.f32 v9, v1;
	v1 =	vmov v3  }
0x332: {  	v14 =	vld [tilespmem:s18+$0x0];
	v13 =	vmul.f32 v13, v6;
	[tilespmem:s7+$0x70] =	vst v12  }
0x333: {  	s16 =	sadd.s32 $0x2, s16;
	v6 =	vld [tilespmem:s21+$0x40];
	v10 =	vmul.f32 v10, v2;
	[tilespmem:s1+$0xFFFFFFF0] =	vst v9;
	v2 =	vmov v7;
	s1 =	smov.u32 s7;
	s7 =	smov.u32 s15  }
0x334: {  	p0 =	slt.u32 s16, $0x26;
	s15 =	smov.u32 s19;
	v7 =	vld [tilespmem:s18+$0xFFFFFF80];
	[tilespmem:s7+$0xFFFFFFB0] =	vst v13;
	v3 =	vmov v8  }
0x335: {  	v8 =	vld [tilespmem:s19+$0xFFFFFF80];
	[tilespmem:s1+$0xFFFFFFE0] =	vst v10  }
0x336: {  	v9 =	vld [tilespmem:s19+$0xFFFFFF90]  }
0x337: {  	v10 =	vld [tilespmem:s19+$0xFFFFFFA0];
	v12 =	vmul.f32 v14, v15  }
0x338: {  	v6 =	vmul.f32 v6, v11;
	v11 =	vld [tilespmem:s7+$0x50]  }
0x339: {  	[tilespmem:s19+$0x0] =	vst v12;
	v12 =	vld [tilespmem:s19+$0x10]  }
0x33a: {  	v7 =	vmul.f32 v7, v8;
	v8 =	vld [tilespmem:s18+$0x10];
	[tilespmem:s7+$0x40] =	vst v6  }
0x33b: {  	v13 =	vld [tilespmem:s21+$0x50]  }
0x33c: {  	[tilespmem:s19+$0xFFFFFF80] =	vst v7;
	v6 =	vld [tilespmem:s19+$0xFFFFFFB0]  }
0x33d: {  	v7 =	vld [tilespmem:s18+$0xFFFFFF90]  }
0x33e: {  	v14 =	vld [tilespmem:s21+$0xFFFFFFC0]  }
0x33f: {  	v15 =	vld [tilespmem:s19+$0xFFFFFFC0];
	v8 =	vmul.f32 v8, v12  }
0x340: {  	v11 =	vmul.f32 v13, v11;
	v12 =	vld [tilespmem:s7+$0x60]  }
0x341: {  	[tilespmem:s19+$0x10] =	vst v8;
	v8 =	vld [tilespmem:s19+$0x20]  }
0x342: {  	v7 =	vmul.f32 v7, v9;
	v9 =	vld [tilespmem:s18+$0x20];
	[tilespmem:s7+$0x50] =	vst v11  }
0x343: {  	v11 =	vmul.f32 v14, v5;
	v13 =	vld [tilespmem:s21+$0x60]  }
0x344: {  	[tilespmem:s19+$0xFFFFFF90] =	vst v7;
	v14 =	vld [tilespmem:s19+$0xFFFFFFD0];
	v5 =	vmov v15  }
0x345: {  	v15 =	vld [tilespmem:s18+$0xFFFFFFA0];
	[tilespmem:s7+$0xFFFFFFC0] =	vst v11  }
0x346: {  	v11 =	vld [tilespmem:s21+$0xFFFFFFD0]  }
0x347: {  	v7 =	vld [tilespmem:s19+$0xFFFFFFE0];
	v8 =	vmul.f32 v9, v8  }
0x348: {  	v9 =	vmul.f32 v13, v12;
	v12 =	vld [tilespmem:s7+$0x70]  }
0x349: {  	[tilespmem:s19+$0x20] =	vst v8;
	v16 =	vld [tilespmem:s19+$0x30]  }
0x34a: {  	v8 =	vmul.f32 v15, v10;
	v15 =	vld [tilespmem:s18+$0x30];
	[tilespmem:s7+$0x60] =	vst v9  }
0x34b: {  	v10 =	vmul.f32 v11, v4;
	v17 =	vld [tilespmem:s21+$0x70];
	v4 =	vmov v14  }
.Ltmp6:
0x34c: {  	[tilespmem:s19+$0xFFFFFFA0] =	vst v8;
	v9 =	vld [tilespmem:s17+$0xFFFFFFF0];
	s17 =	smov.u32 s21;
	s21 =	smov.u32 s18;
	(pc) =	sbr.rel @p0 .LBB2_15-.Ltmp6, $4  }
0x34d: {  	v13 =	vld [tilespmem:s18+$0xFFFFFFB0];
	[tilespmem:s7+$0xFFFFFFD0] =	vst v10  }
0x34e: {  	v10 =	vld [tilespmem:s17+$0xFFFFFFE0]  }
0x34f: {  	v8 =	vld [tilespmem:s19+$0xFFFFFFF0];
	v14 =	vmul.f32 v15, v16  }
0x350: {  	s19 =	sadd.s32 $0x100, s19;
	v11 =	vld [tilespmem:s15+$0x40];
	v12 =	vmul.f32 v17, v12  }
0x351: {  	_ = 	snop  }
0x352: {  	[tilespmem:s15+$0x30] =	vst v14;
	v6 =	vmul.f32 v13, v6  }
0x353: {  	v13 =	vld [tilespmem:s21+$0x40]  }
0x354: {  	[tilespmem:s15+$0xFFFFFFB0] =	vst v6  }
0x355: {  	v6 =	vld [tilespmem:s21+$0xFFFFFFC0];
	_ =	sdelay $0x2  }
0x356: {  	v11 =	vmul.f32 v13, v11;
	_ =	sdelay $0x1  }
0x357: {  	v13 =	vld [tilespmem:s15+$0x50];
	[tilespmem:s15+$0x40] =	vst v11;
	v5 =	vmul.f32 v6, v5  }
0x358: {  	v6 =	vld [tilespmem:s21+$0x50]  }
0x359: {  	[tilespmem:s15+$0xFFFFFFC0] =	vst v5  }
0x35a: {  	v5 =	vld [tilespmem:s21+$0xFFFFFFD0];
	_ =	sdelay $0x2  }
0x35b: {  	v6 =	vmul.f32 v6, v13;
	_ =	sdelay $0x1  }
0x35c: {  	v11 =	vld [tilespmem:s15+$0x60];
	[tilespmem:s15+$0x50] =	vst v6;
	v4 =	vmul.f32 v5, v4  }
0x35d: {  	v5 =	vld [tilespmem:s21+$0x60]  }
0x35e: {  	[tilespmem:s15+$0xFFFFFFD0] =	vst v4  }
0x35f: {  	v4 =	vld [tilespmem:s21+$0xFFFFFFE0];
	_ =	sdelay $0x2  }
0x360: {  	v5 =	vmul.f32 v5, v11  }
0x361: {  	v2 =	vmul.f32 v10, v2  }
0x362: {  	v6 =	vld [tilespmem:s15+$0x70];
	[tilespmem:s15+$0x60] =	vst v5;
	v4 =	vmul.f32 v4, v7  }
0x363: {  	[tilespmem:s7+$0xFFFFFFE0] =	vst v2;
	v2 =	vld [tilespmem:s21+$0x70]  }
0x364: {  	v5 =	vld [tilespmem:s17+$0xFFFFFFF0];
	[tilespmem:s15+$0xFFFFFFE0] =	vst v4  }
0x365: {  	v4 =	vld [tilespmem:s21+$0xFFFFFFF0];
	_ =	sdelay $0x1  }
0x366: {  	v1 =	vmul.f32 v9, v1  }
0x367: {  	[tilespmem:s7+$0x70] =	vst v12;
	v2 =	vmul.f32 v2, v6  }
0x368: {  	[tilespmem:s1+$0xFFFFFFF0] =	vst v1;
	v1 =	vmul.f32 v5, v3  }
0x369: {  	[tilespmem:s15+$0x70] =	vst v2;
	v2 =	vmul.f32 v4, v8  }
0x36a: {  	[tilespmem:s7+$0xFFFFFFF0] =	vst v1  }
0x36b: {  	[tilespmem:s15+$0xFFFFFFF0] =	vst v2  }
0x36c: {  	_ =	swait.ge [sflag:s12], $0x1400  }
0x36d: {  	[sflag:s12] =	ssyncset.done $0x0  }
0x36e: {  	s1 =	simm.s32 $0x65F0;
	[sflag:s12] =	ssyncadd.s32 $0xFFFFEC00  }
0x36f: {  	s31 =	simm.s32 $0x3D80;
	v1 =	vld [tilespmem:s1+$0xFFFFFF90]  }
0x370: {  	v2 =	vld [tilespmem:s31+$0x0];
	_ =	sdelay $0x3  }
0x371: {  	v3 =	vld [tilespmem:s1+$0xFFFFFF10]  }
0x372: {  	v1 =	vmul.f32 v2, v1;
	v2 =	vld [tilespmem:s31+$0xFFFFFF80];
	_ =	sdelay $0x1  }
0x373: {  	[tilespmem:s1+$0xFFFFFF90] =	vst v1;
	v1 =	vld [tilespmem:s1+$0xFFFFFFA0]  }
0x374: {  	v4 =	vld [tilespmem:s31+$0x10];
	_ =	sdelay $0x1  }
0x375: {  	v2 =	vmul.f32 v2, v3;
	_ =	sdelay $0x1  }
0x376: {  	v5 =	vld [tilespmem:s1+$0xFFFFFF20];
	[tilespmem:s1+$0xFFFFFF10] =	vst v2  }
0x377: {  	v1 =	vmul.f32 v4, v1;
	v2 =	vld [tilespmem:s31+$0xFFFFFF90];
	_ =	sdelay $0x1  }
0x378: {  	[tilespmem:s1+$0xFFFFFFA0] =	vst v1;
	v1 =	vld [tilespmem:s1+$0xFFFFFFB0]  }
0x379: {  	v4 =	vld [tilespmem:s31+$0x20]  }
0x37a: {  	v6 =	vld [tilespmem:s1+$0xFFFFFF40]  }
0x37b: {  	s7 =	simm.s32 $0x66F0;
	v7 =	vld [tilespmem:s1+$0xFFFFFF60];
	v2 =	vmul.f32 v2, v5  }
0x37c: {  	v8 =	vld [tilespmem:s7+$0xFFFFFF90]  }
0x37d: {  	v3 =	vld [tilespmem:s1+$0xFFFFFF30];
	[tilespmem:s1+$0xFFFFFF20] =	vst v2  }
0x37e: {  	v1 =	vmul.f32 v4, v1;
	v2 =	vld [tilespmem:s31+$0xFFFFFFA0]  }
0x37f: {  	v9 =	vld [tilespmem:s1+$0xFFFFFF70]  }
0x380: {  	[tilespmem:s1+$0xFFFFFFB0] =	vst v1;
	v1 =	vld [tilespmem:s1+$0xFFFFFFC0]  }
0x381: {  	s17 =	simm.s32 $0x3E80;
	v4 =	vld [tilespmem:s31+$0x30]  }
0x382: {  	v11 =	vld [tilespmem:s17+$0xFFFFFF80]  }
0x383: {  	v2 =	vmul.f32 v2, v3;
	v3 =	vld [tilespmem:s17+$0x0]  }
0x384: {  	v13 =	vld [tilespmem:s7+$0xFFFFFF20]  }
0x385: {  	s18 =	simm.s32 $0x3F80;
	v14 =	vld [tilespmem:s7+$0xFFFFFF60]  }
0x386: {  	v16 =	vld [tilespmem:s18+$0xFFFFFF80];
	v1 =	vmul.f32 v4, v1  }
0x387: {  	[tilespmem:s1+$0xFFFFFF30] =	vst v2;
	v2 =	vld [tilespmem:s1+$0xFFFFFFD0]  }
0x388: {  	[tilespmem:s1+$0xFFFFFFC0] =	vst v1;
	v3 =	vmul.f32 v3, v8;
	v8 =	vld [tilespmem:s7+$0xFFFFFF10]  }
0x389: {  	s15 =	simm.s32 $0x67F0;
	v10 =	vld [tilespmem:s31+$0x40]  }
0x38a: {  	v17 =	vld [tilespmem:s15+$0xFFFFFF10]  }
0x38b: {  	v4 =	vld [tilespmem:s31+$0xFFFFFFB0]  }
0x38c: {  	v18 =	vld [tilespmem:s7+$0xFFFFFFE0]  }
0x38d: {  	[tilespmem:s7+$0xFFFFFF90] =	vst v3;
	v3 =	vld [tilespmem:s7+$0xFFFFFFA0];
	v8 =	vmul.f32 v11, v8  }
0x38e: {  	v12 =	vld [tilespmem:s17+$0x10];
	v2 =	vmul.f32 v10, v2  }
0x38f: {  	v10 =	vld [tilespmem:s1+$0xFFFFFFE0];
	[tilespmem:s7+$0xFFFFFF10] =	vst v8  }
0x390: {  	[tilespmem:s1+$0xFFFFFFD0] =	vst v2;
	v2 =	vmul.f32 v4, v6;
	v6 =	vld [tilespmem:s17+$0xFFFFFF90]  }
0x391: {  	v4 =	vld [tilespmem:s31+$0x50]  }
0x392: {  	v58 =	vld [tilespmem:s15+$0xFFFFFF30]  }
0x393: {  	v5 =	vld [tilespmem:s1+$0xFFFFFF50];
	v3 =	vmul.f32 v12, v3;
	[tilespmem:s1+$0xFFFFFF40] =	vst v2  }
0x394: {  	v2 =	vld [tilespmem:s31+$0xFFFFFFC0]  }
0x395: {  	[tilespmem:s7+$0xFFFFFFA0] =	vst v3;
	v3 =	vld [tilespmem:s7+$0xFFFFFFB0]  }
0x396: {  	v6 =	vmul.f32 v6, v13;
	v4 =	vmul.f32 v4, v10;
	v10 =	vld [tilespmem:s17+$0x20]  }
0x397: {  	v19 =	vld [tilespmem:s7+$0xFFFFFFF0]  }
0x398: {  	v16 =	vmul.f32 v16, v17;
	v11 =	vld [tilespmem:s7+$0xFFFFFF30];
	[tilespmem:s7+$0xFFFFFF20] =	vst v6  }
0x399: {  	v2 =	vmul.f32 v2, v5;
	v5 =	vld [tilespmem:s17+$0xFFFFFFA0]  }
0x39a: {  	v61 =	vld [tilespmem:s7+$0x0];
	[tilespmem:s15+$0xFFFFFF10] =	vst v16  }
0x39b: {  	v16 =	vld [tilespmem:s18+$0xFFFFFF90];
	[tilespmem:s1+$0xFFFFFF50] =	vst v2;
	v2 =	vmul.f32 v10, v3  }
0x39c: {  	v1 =	vld [tilespmem:s1+$0xFFFFFF80]  }
0x39d: {  	v6 =	vld [tilespmem:s7+$0xFFFFFFC0];
	[tilespmem:s7+$0xFFFFFFB0] =	vst v2  }
0x39e: {  	v5 =	vmul.f32 v5, v11;
	v11 =	vld [tilespmem:s17+$0x30]  }
0x39f: {  	v3 =	vld [tilespmem:s31+$0xFFFFFFD0]  }
0x3a0: {  	v8 =	vld [tilespmem:s7+$0xFFFFFF40]  }
0x3a1: {  	v12 =	vld [tilespmem:s1+$0xFFFFFFF0];
	[tilespmem:s1+$0xFFFFFFE0] =	vst v4  }
0x3a2: {  	v4 =	vld [tilespmem:s31+$0x60]  }
0x3a3: {  	[tilespmem:s7+$0xFFFFFF30] =	vst v5;
	v5 =	vld [tilespmem:s15+$0xFFFFFF90];
	v6 =	vmul.f32 v11, v6  }
0x3a4: {  	v3 =	vmul.f32 v3, v7;
	v7 =	vld [tilespmem:s18+$0x0]  }
0x3a5: {  	v11 =	vld [tilespmem:s7+$0xFFFFFFD0];
	[tilespmem:s7+$0xFFFFFFC0] =	vst v6  }
0x3a6: {  	v6 =	vld [tilespmem:s17+$0x40]  }
0x3a7: {  	v13 =	vld [tilespmem:s7+$0xFFFFFF50];
	v4 =	vmul.f32 v4, v12  }
0x3a8: {  	v10 =	vld [tilespmem:s1+$0x0]  }
0x3a9: {  	[tilespmem:s1+$0xFFFFFFF0] =	vst v4;
	v4 =	vld [tilespmem:s17+$0xFFFFFFB0];
	v5 =	vmul.f32 v7, v5  }
0x3aa: {  	v7 =	vld [tilespmem:s15+$0xFFFFFF20]  }
0x3ab: {  	[tilespmem:s15+$0xFFFFFF90] =	vst v5;
	v5 =	vld [tilespmem:s15+$0xFFFFFFA0];
	v6 =	vmul.f32 v6, v11  }
0x3ac: {  	v11 =	vld [tilespmem:s18+$0x10]  }
0x3ad: {  	v2 =	vld [tilespmem:s7+$0xFFFFFF70];
	[tilespmem:s7+$0xFFFFFFD0] =	vst v6  }
0x3ae: {  	v4 =	vmul.f32 v4, v8;
	v8 =	vld [tilespmem:s17+$0x50]  }
0x3af: {  	v12 =	vld [tilespmem:s31+$0x70];
	[tilespmem:s1+$0xFFFFFF60] =	vst v3  }
0x3b0: {  	v3 =	vld [tilespmem:s7+$0xFFFFFF80];
	[tilespmem:s7+$0xFFFFFF40] =	vst v4;
	v7 =	vmul.f32 v16, v7  }
0x3b1: {  	v4 =	vmul.f32 v11, v5;
	v11 =	vld [tilespmem:s17+$0xFFFFFFC0]  }
0x3b2: {  	v15 =	vld [tilespmem:s31+$0xFFFFFFE0];
	[tilespmem:s15+$0xFFFFFF20] =	vst v7  }
0x3b3: {  	v7 =	vld [tilespmem:s15+$0xFFFFFF70];
	[tilespmem:s15+$0xFFFFFFA0] =	vst v4;
	v4 =	vmul.f32 v8, v18  }
0x3b4: {  	v8 =	vld [tilespmem:s15+$0xFFFFFFB0]  }
0x3b5: {  	v59 =	vld [tilespmem:s18+$0x20];
	[tilespmem:s7+$0xFFFFFFE0] =	vst v4  }
0x3b6: {  	v11 =	vmul.f32 v11, v13;
	v13 =	vld [tilespmem:s17+$0x60]  }
0x3b7: {  	v6 =	vld [tilespmem:s15+$0xFFFFFF40]  }
0x3b8: {  	v60 =	vld [tilespmem:s18+$0xFFFFFFA0];
	[tilespmem:s7+$0xFFFFFF50] =	vst v11  }
0x3b9: {  	v11 =	vld [tilespmem:s17+$0xFFFFFFD0]  }
0x3ba: {  	v5 =	vld [tilespmem:s15+$0xFFFFFF50];
	v8 =	vmul.f32 v59, v8  }
0x3bb: {  	v4 =	vld [tilespmem:s15+$0xFFFFFF60];
	v13 =	vmul.f32 v13, v19  }
0x3bc: {  	[tilespmem:s15+$0xFFFFFFB0] =	vst v8;
	v8 =	vmul.f32 v15, v9;
	v15 =	vld [tilespmem:s15+$0xFFFFFFC0]  }
0x3bd: {  	v9 =	vmul.f32 v60, v58;
	v62 =	vld [tilespmem:s18+$0x30];
	[tilespmem:s7+$0xFFFFFFF0] =	vst v13  }
0x3be: {  	[tilespmem:s1+$0xFFFFFF70] =	vst v8;
	v8 =	vmul.f32 v11, v14;
	v63 =	vld [tilespmem:s17+$0x70]  }
0x3bf: {  	[tilespmem:s15+$0xFFFFFF30] =	vst v9;
	v9 =	vld [tilespmem:s31+$0xFFFFFFF0]  }
0x3c0: {  	v13 =	vld [tilespmem:s18+$0xFFFFFFB0];
	[tilespmem:s7+$0xFFFFFF60] =	vst v8  }
0x3c1: {  	v11 =	vmul.f32 v12, v10;
	v10 =	vld [tilespmem:s17+$0xFFFFFFE0]  }
0x3c2: {  	v8 =	vld [tilespmem:s15+$0xFFFFFF80];
	v14 =	vmul.f32 v62, v15  }
0x3c3: {  	s16 =	simm.s32 $0x4;
	s19 =	simm.s32 $0x68F0;
	s21 =	simm.s32 $0x3F80;
	[tilespmem:s1+$0x0] =	vst v11;
	v11 =	vld [tilespmem:s15+$0xFFFFFFD0];
	v12 =	vmul.f32 v63, v61  }
.LBB2_17:
0x3c4: {  	v15 =	vld [tilespmem:s19+$0xFFFFFF90];
	[tilespmem:s15+$0xFFFFFFC0] =	vst v14;
	s18 =	sadd.s32 $0x100, s18;
	v9 =	vmul.f32 v9, v1;
	v1 =	vmov v3  }
0x3c5: {  	v14 =	vld [tilespmem:s18+$0x0];
	v13 =	vmul.f32 v13, v6;
	[tilespmem:s7+$0x0] =	vst v12  }
0x3c6: {  	s16 =	sadd.s32 $0x2, s16;
	v6 =	vld [tilespmem:s21+$0x40];
	v10 =	vmul.f32 v10, v2;
	[tilespmem:s1+$0xFFFFFF80] =	vst v9;
	v2 =	vmov v7;
	s1 =	smov.u32 s7;
	s7 =	smov.u32 s15  }
0x3c7: {  	p0 =	slt.u32 s16, $0x26;
	s15 =	smov.u32 s19;
	v7 =	vld [tilespmem:s18+$0xFFFFFF80];
	[tilespmem:s7+$0xFFFFFF40] =	vst v13;
	v3 =	vmov v8  }
0x3c8: {  	v8 =	vld [tilespmem:s19+$0xFFFFFF10];
	[tilespmem:s1+$0xFFFFFF70] =	vst v10  }
0x3c9: {  	v9 =	vld [tilespmem:s19+$0xFFFFFF20]  }
0x3ca: {  	v10 =	vld [tilespmem:s19+$0xFFFFFF30];
	v12 =	vmul.f32 v14, v15  }
0x3cb: {  	v6 =	vmul.f32 v6, v11;
	v11 =	vld [tilespmem:s7+$0xFFFFFFE0]  }
0x3cc: {  	[tilespmem:s19+$0xFFFFFF90] =	vst v12;
	v12 =	vld [tilespmem:s19+$0xFFFFFFA0]  }
0x3cd: {  	v7 =	vmul.f32 v7, v8;
	v8 =	vld [tilespmem:s18+$0x10];
	[tilespmem:s7+$0xFFFFFFD0] =	vst v6  }
0x3ce: {  	v13 =	vld [tilespmem:s21+$0x50]  }
0x3cf: {  	[tilespmem:s19+$0xFFFFFF10] =	vst v7;
	v6 =	vld [tilespmem:s19+$0xFFFFFF40]  }
0x3d0: {  	v7 =	vld [tilespmem:s18+$0xFFFFFF90]  }
0x3d1: {  	v14 =	vld [tilespmem:s21+$0xFFFFFFC0]  }
0x3d2: {  	v15 =	vld [tilespmem:s19+$0xFFFFFF50];
	v8 =	vmul.f32 v8, v12  }
0x3d3: {  	v11 =	vmul.f32 v13, v11;
	v12 =	vld [tilespmem:s7+$0xFFFFFFF0]  }
0x3d4: {  	[tilespmem:s19+$0xFFFFFFA0] =	vst v8;
	v8 =	vld [tilespmem:s19+$0xFFFFFFB0]  }
0x3d5: {  	v7 =	vmul.f32 v7, v9;
	v9 =	vld [tilespmem:s18+$0x20];
	[tilespmem:s7+$0xFFFFFFE0] =	vst v11  }
0x3d6: {  	v11 =	vmul.f32 v14, v5;
	v13 =	vld [tilespmem:s21+$0x60]  }
0x3d7: {  	[tilespmem:s19+$0xFFFFFF20] =	vst v7;
	v14 =	vld [tilespmem:s19+$0xFFFFFF60];
	v5 =	vmov v15  }
0x3d8: {  	v15 =	vld [tilespmem:s18+$0xFFFFFFA0];
	[tilespmem:s7+$0xFFFFFF50] =	vst v11  }
0x3d9: {  	v11 =	vld [tilespmem:s21+$0xFFFFFFD0]  }
0x3da: {  	v7 =	vld [tilespmem:s19+$0xFFFFFF70];
	v8 =	vmul.f32 v9, v8  }
0x3db: {  	v9 =	vmul.f32 v13, v12;
	v12 =	vld [tilespmem:s7+$0x0]  }
0x3dc: {  	[tilespmem:s19+$0xFFFFFFB0] =	vst v8;
	v16 =	vld [tilespmem:s19+$0xFFFFFFC0]  }
0x3dd: {  	v8 =	vmul.f32 v15, v10;
	v15 =	vld [tilespmem:s18+$0x30];
	[tilespmem:s7+$0xFFFFFFF0] =	vst v9  }
0x3de: {  	v10 =	vmul.f32 v11, v4;
	v17 =	vld [tilespmem:s21+$0x70];
	v4 =	vmov v14  }
.Ltmp7:
0x3df: {  	[tilespmem:s19+$0xFFFFFF30] =	vst v8;
	v9 =	vld [tilespmem:s17+$0xFFFFFFF0];
	s17 =	smov.u32 s21;
	s21 =	smov.u32 s18;
	(pc) =	sbr.rel @p0 .LBB2_17-.Ltmp7, $4  }
0x3e0: {  	v13 =	vld [tilespmem:s18+$0xFFFFFFB0];
	[tilespmem:s7+$0xFFFFFF60] =	vst v10  }
0x3e1: {  	v10 =	vld [tilespmem:s17+$0xFFFFFFE0]  }
0x3e2: {  	v8 =	vld [tilespmem:s19+$0xFFFFFF80];
	v14 =	vmul.f32 v15, v16  }
0x3e3: {  	s19 =	sadd.s32 $0x100, s19;
	v11 =	vld [tilespmem:s15+$0xFFFFFFD0];
	v12 =	vmul.f32 v17, v12  }
0x3e4: {  	_ = 	snop  }
0x3e5: {  	[tilespmem:s15+$0xFFFFFFC0] =	vst v14;
	v6 =	vmul.f32 v13, v6  }
0x3e6: {  	v57 =	vld [tilespmem:s21+$0x40]  }
0x3e7: {  	[tilespmem:s15+$0xFFFFFF40] =	vst v6  }
0x3e8: {  	v6 =	vld [tilespmem:s21+$0xFFFFFFC0];
	_ =	sdelay $0x2  }
0x3e9: {  	v11 =	vmul.f32 v57, v11;
	_ =	sdelay $0x1  }
0x3ea: {  	v58 =	vld [tilespmem:s15+$0xFFFFFFE0];
	[tilespmem:s15+$0xFFFFFFD0] =	vst v11;
	v5 =	vmul.f32 v6, v5  }
0x3eb: {  	v59 =	vld [tilespmem:s21+$0x50]  }
0x3ec: {  	[tilespmem:s15+$0xFFFFFF50] =	vst v5  }
0x3ed: {  	v5 =	vld [tilespmem:s21+$0xFFFFFFD0];
	_ =	sdelay $0x2  }
0x3ee: {  	v6 =	vmul.f32 v59, v58;
	_ =	sdelay $0x1  }
0x3ef: {  	v60 =	vld [tilespmem:s15+$0xFFFFFFF0];
	[tilespmem:s15+$0xFFFFFFE0] =	vst v6;
	v4 =	vmul.f32 v5, v4  }
0x3f0: {  	v61 =	vld [tilespmem:s21+$0x60]  }
0x3f1: {  	[tilespmem:s15+$0xFFFFFF60] =	vst v4  }
0x3f2: {  	v4 =	vld [tilespmem:s21+$0xFFFFFFE0];
	_ =	sdelay $0x2  }
0x3f3: {  	v5 =	vmul.f32 v61, v60  }
0x3f4: {  	v2 =	vmul.f32 v10, v2  }
0x3f5: {  	v62 =	vld [tilespmem:s15+$0x0];
	[tilespmem:s15+$0xFFFFFFF0] =	vst v5;
	v4 =	vmul.f32 v4, v7  }
0x3f6: {  	[tilespmem:s7+$0xFFFFFF70] =	vst v2;
	v2 =	vld [tilespmem:s21+$0x70]  }
0x3f7: {  	v63 =	vld [tilespmem:s17+$0xFFFFFFF0];
	[tilespmem:s15+$0xFFFFFF70] =	vst v4  }
0x3f8: {  	v4 =	vld [tilespmem:s21+$0xFFFFFFF0];
	_ =	sdelay $0x1  }
0x3f9: {  	v1 =	vmul.f32 v9, v1  }
0x3fa: {  	[tilespmem:s7+$0x0] =	vst v12;
	v2 =	vmul.f32 v2, v62  }
0x3fb: {  	[tilespmem:s1+$0xFFFFFF80] =	vst v1;
	v1 =	vmul.f32 v63, v3  }
0x3fc: {  	s20 =	sadd.s32 $0x1, s20;
	[tilespmem:s15+$0x0] =	vst v2;
	v2 =	vmul.f32 v4, v8  }
0x3fd: {  	p0 =	sne.s32 s20, $0x5;
	[tilespmem:s7+$0xFFFFFF80] =	vst v1  }
.Ltmp8:
0x3fe: {  	s31 =	simm.s32 $0x2500;
	[tilespmem:s15+$0xFFFFFF80] =	vst v2;
	(pc) =	sbr.rel @p0 .LBB2_4-.Ltmp8, $4  }
0x3ff: {  	[spmem:s4] =	stream.indirect.scatter.add.f32 [tilespmem:s29], [sflag:$0x5], $0x80, s31, s13, $0xb8;
	[tilespmem:$0x1E100] =	vst v63  }
0x400: {  	_ =	swait.ge [sflag:s14], $0x2800  }
0x401: {  	[sflag:s14] =	ssyncset.done $0x0  }
0x402: {  	[sflag:s14] =	ssyncadd.s32 $0xFFFFD800  }
0x403: {  	[bflag:$0x0] =	sbarrier.arrive $0xFFFF  }
0x404: {  	s16 =	rddreg [dreg:$0xf]  }
0x405: {  	[tilespmem:s29], [sflag:$0x7] =	stream.linear.gather [spmem:s16], $0x2800, $0x38;
	[tilespmem:$0x1E100] =	vst v63  }
0x406: {  	_ =	swait.ge [sflag:s30], $0x2800  }
0x407: {  	[sflag:s30] =	ssyncset.done $0x0  }
0x408: {  	s1 =	rddreg [dreg:$0x6];
	[sflag:s30] =	ssyncadd.s32 $0xFFFFD800  }
0x409: {  	[hbm4b:s1+s6] =	stream.linear.scatter [tilespmem:s29], [sflag:$0x7], $0x2800, $0x38;
	[tilespmem:$0x1E100] =	vst v63  }
0x40a: {  	_ =	swait.ge [sflag:s30], $0x2800  }
0x40b: {  	[sflag:s30] =	ssyncset.done $0x0  }
0x40c: {  	s17 =	rddreg [dreg:$0x10];
	[sflag:s30] =	ssyncadd.s32 $0xFFFFD800  }
0x40d: {  	[tilespmem:s29], [sflag:$0x7] =	stream.linear.gather [spmem:s17], $0x2800, $0x38;
	[tilespmem:$0x1E100] =	vst v63  }
0x40e: {  	_ =	swait.ge [sflag:s30], $0x2800  }
0x40f: {  	[sflag:s30] =	ssyncset.done $0x0  }
0x410: {  	s18 =	rddreg [dreg:$0x7];
	[sflag:s30] =	ssyncadd.s32 $0xFFFFD800  }
0x411: {  	[hbm4b:s18+s6] =	stream.linear.scatter [tilespmem:s29], [sflag:$0x7], $0x2800, $0x38;
	[tilespmem:$0x1E100] =	vst v63  }
0x412: {  	_ =	swait.ge [sflag:s30], $0x2800  }
0x413: {  	[sflag:s30] =	ssyncset.done $0x0  }
0x414: {  	s18 =	rddreg [dreg:$0x11];
	[sflag:s30] =	ssyncadd.s32 $0xFFFFD800  }
0x415: {  	[tilespmem:s29], [sflag:$0x7] =	stream.linear.gather [spmem:s18], $0x2800, $0x38;
	[tilespmem:$0x1E100] =	vst v63  }
0x416: {  	_ =	swait.ge [sflag:s30], $0x2800  }
0x417: {  	[sflag:s30] =	ssyncset.done $0x0  }
0x418: {  	s19 =	rddreg [dreg:$0x8];
	[sflag:s30] =	ssyncadd.s32 $0xFFFFD800  }
0x419: {  	[hbm4b:s19+s6] =	stream.linear.scatter [tilespmem:s29], [sflag:$0x7], $0x2800, $0x38;
	[tilespmem:$0x1E100] =	vst v63  }
0x41a: {  	_ =	swait.ge [sflag:s30], $0x2800  }
0x41b: {  	[sflag:s30] =	ssyncset.done $0x0  }
0x41c: {  	s19 =	rddreg [dreg:$0x12];
	[sflag:s30] =	ssyncadd.s32 $0xFFFFD800  }
0x41d: {  	[tilespmem:s29], [sflag:$0x7] =	stream.linear.gather [spmem:s19], $0x2800, $0x38;
	[tilespmem:$0x1E100] =	vst v63  }
0x41e: {  	_ =	swait.ge [sflag:s30], $0x2800  }
0x41f: {  	[sflag:s30] =	ssyncset.done $0x0  }
0x420: {  	s20 =	rddreg [dreg:$0x9];
	[sflag:s30] =	ssyncadd.s32 $0xFFFFD800  }
0x421: {  	[hbm4b:s20+s6] =	stream.linear.scatter [tilespmem:s29], [sflag:$0x7], $0x2800, $0x38;
	[tilespmem:$0x1E100] =	vst v63  }
0x422: {  	_ =	swait.ge [sflag:s30], $0x2800  }
0x423: {  	[sflag:s30] =	ssyncset.done $0x0  }
0x424: {  	s20 =	rddreg [dreg:$0x13];
	[sflag:s30] =	ssyncadd.s32 $0xFFFFD800  }
0x425: {  	[tilespmem:s29], [sflag:$0x7] =	stream.linear.gather [spmem:s20], $0x2800, $0x38;
	[tilespmem:$0x1E100] =	vst v63  }
0x426: {  	_ =	swait.ge [sflag:s30], $0x2800  }
0x427: {  	[sflag:s30] =	ssyncset.done $0x0  }
0x428: {  	s21 =	rddreg [dreg:$0xa];
	[sflag:s30] =	ssyncadd.s32 $0xFFFFD800  }
0x429: {  	[hbm4b:s21+s6] =	stream.linear.scatter [tilespmem:s29], [sflag:$0x7], $0x2800, $0x38;
	[tilespmem:$0x1E100] =	vst v63  }
0x42a: {  	_ =	swait.ge [sflag:s30], $0x2800  }
0x42b: {  	[sflag:s30] =	ssyncset.done $0x0  }
0x42c: {  	s21 =	rddreg [dreg:$0x14];
	[sflag:s30] =	ssyncadd.s32 $0xFFFFD800  }
0x42d: {  	[tilespmem:s29], [sflag:$0x7] =	stream.linear.gather [spmem:s21], $0x2800, $0x38;
	[tilespmem:$0x1E100] =	vst v63  }
0x42e: {  	_ =	swait.ge [sflag:s30], $0x2800  }
0x42f: {  	[sflag:s30] =	ssyncset.done $0x0  }
0x430: {  	s23 =	rddreg [dreg:$0xb];
	[sflag:s30] =	ssyncadd.s32 $0xFFFFD800  }
0x431: {  	[hbm4b:s23+s6] =	stream.linear.scatter [tilespmem:s29], [sflag:$0x7], $0x2800, $0x38;
	[tilespmem:$0x1E100] =	vst v63  }
0x432: {  	_ =	swait.ge [sflag:s30], $0x2800  }
0x433: {  	[sflag:s30] =	ssyncset.done $0x0  }
0x434: {  	s15 =	rddreg [dreg:$0x16];
	[sflag:s30] =	ssyncadd.s32 $0xFFFFD800  }
0x435: {  	[tilespmem:s29], [sflag:$0x7] =	stream.linear.gather [spmem:s15], $0x2800, $0x38;
	[tilespmem:$0x1E100] =	vst v63  }
0x436: {  	_ =	swait.ge [sflag:s30], $0x2800  }
0x437: {  	[sflag:s30] =	ssyncset.done $0x0  }
0x438: {  	s24 =	rddreg [dreg:$0xc];
	[sflag:s30] =	ssyncadd.s32 $0xFFFFD800  }
0x439: {  	[hbm4b:s24+s6] =	stream.linear.scatter [tilespmem:s29], [sflag:$0x7], $0x2800, $0x38;
	[tilespmem:$0x1E100] =	vst v63  }
0x43a: {  	_ =	swait.ge [sflag:s30], $0x2800  }
0x43b: {  	[sflag:s30] =	ssyncset.done $0x0  }
0x43c: {  	s25 =	rddreg [dreg:$0x17];
	[sflag:s30] =	ssyncadd.s32 $0xFFFFD800  }
0x43d: {  	[tilespmem:s29], [sflag:$0x7] =	stream.linear.gather [spmem:s25], $0x2800, $0x38;
	[tilespmem:$0x1E100] =	vst v63  }
0x43e: {  	_ =	swait.ge [sflag:s30], $0x2800  }
0x43f: {  	[sflag:s30] =	ssyncset.done $0x0  }
0x440: {  	s26 =	rddreg [dreg:$0xd];
	[sflag:s30] =	ssyncadd.s32 $0xFFFFD800  }
0x441: {  	[hbm4b:s26+s6] =	stream.linear.scatter [tilespmem:s29], [sflag:$0x7], $0x2800, $0x38;
	[tilespmem:$0x1E100] =	vst v63  }
0x442: {  	_ =	swait.ge [sflag:s30], $0x2800  }
0x443: {  	s7 =	rddreg [dreg:$0x1a]  }
0x444: {  	s31 =	rddreg [dreg:$0x19];
	s7 =	sadd.s32 $0x1, s7  }
0x445: {  	p0 =	sne.s32 s7, s31  }
.Ltmp9:
0x446: {  	_ = 	snop;
	(pc) =	sbr.rel @p0 .LBB2_1-.Ltmp9, $3  }
0x447: {  	_ =	sdelay $0x1  }
0x448: {  	[sflag:s30] =	ssyncset.done $0x0  }
0x449: {  	[sflag:s30] =	ssyncadd.s32 $0xFFFFD800  }
0x44a: {  	_ =	sfence.sel $0x180000  }
0x44b: {  	[bflag:$0x0] =	sbarrier.arrive $0xFFFF  }
0x44c: {  	_ =	strace $0x90000047  }
0x44d: {  	s0 =	stileid.u32;
	[bflag:$0x2] =	sbarrier.arrive $0xFFFF  }
0x44e: {  	p0 =	sne.s32 s0, $0x0;
	s0 =	rddreg [dreg:$0x5]  }
0x44f: {  	s0 =	sadd.s32 @!p0 $0x100000, s0  }
0x450: {  	[sflag:s0] =	ssyncadd.tile.s32 @!p0 $0x1;
	_ =	shalt  }
.Lfunc_end2:
_tile_overlayer_lowered:
.L_overlay_start_2:
0x451: {  	(tag) =	ssettag $0x2  }
0x452: {  	s0 =	rddreg [dreg:$0x0];
	s2 =	stileid.u32  }
0x453: {  	s1 =	rddreg [dreg:$0x1];
	p0 =	sne.s32 s2, $0x0  }
0x454: {  	s3 =	rddreg [dreg:$0x2];
	[bflag:$0x3] =	sbarrier.arrive $0xFFFF;
	s2 =	simm.s32 @!p0 $0x1C07  }
0x455: {  	[timem:s3], [sflag:s2] =	dma.local @!p0 [hbm:s0], s1  }
0x456: {  	s0 =	simm.s32 @!p0 $0x7  }
0x457: {  	_ =	swait.ge @!p0 [sflag:s0], s1  }
0x458: {  	s1 =	ssub.s32 @!p0 $0x0, s1;
	[sflag:s0] =	ssyncset.done @!p0 $0x0  }
0x459: {  	[sflag:s0] =	ssyncadd.s32 @!p0 s1  }
0x45a: {  	[bflag:$0x3] =	sbarrier.arrive $0xFFFF  }
0x45b: {  	_ =	shalt  }

</sc_bundles>
